<compile_context>
chip_gen: v7x
topology: tpu7x:2x2x1
jax: 0.10.2.dev20260603
libtpu: 0.0.44.dev20260713+nightly
codegen_flags: <defaults>
</compile_context>

<pallas_src>
import functools
import jax
import jax.numpy as jnp
from jax import lax
from jax.experimental import pallas as pl
from jax.experimental.pallas import tpu as pltpu, tpu_sc as plsc

N = 50000
E = 1600000
EPR = 12544
N_PAD = 50048
ZR = N_PAD // 16
BLK = 1000
F32 = jnp.float32
I32 = jnp.int32


def _lrelu(a):
    return jnp.where(a >= 0, a, 0.2 * a)


def _stage_a_body(x_ref, w1t, b1, w2t, b2, afse, afde, afsb, afdb,
                  tab_ref, dst_ref):
    xb = x_ref[...]
    h1 = jnp.maximum(jnp.dot(xb, w1t[...], preferred_element_type=F32)
                     + b1[...], 0.0)
    ctx = jnp.dot(h1, w2t[...], preferred_element_type=F32) + b2[...]
    xenv = jnp.concatenate([xb[:, 0:1], xb[:, 1:2], xb[:, 5:6], ctx], axis=1)
    xbeh = jnp.concatenate([xb[:, 0:1], xb[:, 1:2], xb[:, 2:3], ctx], axis=1)
    ase = jnp.dot(xenv, afse[...], preferred_element_type=F32)
    ade = jnp.dot(xenv, afde[...], preferred_element_type=F32)
    asb = jnp.dot(xbeh, afsb[...], preferred_element_type=F32)
    adb = jnp.dot(xbeh, afdb[...], preferred_element_type=F32)
    me = _lrelu(ase + ade)
    mb = _lrelu(asb + adb)
    z3 = jnp.zeros((xb.shape[0], 3), F32)
    tab_ref[0] = jnp.concatenate([xenv, ase, z3], axis=1)
    tab_ref[1] = jnp.concatenate([xbeh, asb, z3], axis=1)
    z8 = jnp.zeros((xb.shape[0], 8), F32)
    dst_ref[...] = jnp.concatenate([ade, me, adb, mb, z8], axis=1)


def _stage_a(x, w1t, b1, w2t, b2, afse, afde, afsb, afdb):
    grid = (N // BLK,)
    full = lambda a: pl.BlockSpec(a.shape, lambda i: (0,) * a.ndim)
    return pl.pallas_call(
        _stage_a_body,
        grid=grid,
        in_specs=[pl.BlockSpec((BLK, 6), lambda i: (i, 0)),
                  full(w1t), full(b1), full(w2t), full(b2),
                  full(afse), full(afde), full(afsb), full(afdb)],
        out_specs=[pl.BlockSpec((2, BLK, 16), lambda i: (0, i, 0)),
                   pl.BlockSpec((BLK, 16), lambda i: (i, 0))],
        out_shape=[jax.ShapeDtypeStruct((2, N, 16), F32),
                   jax.ShapeDtypeStruct((N, 16), F32)],
    )(x, w1t, b1, w2t, b2, afse, afde, afsb, afdb)


def _pass1_body(sidx2, didx, stab, dtab, zro, out,
                s_idx, d_idx, s_rows, d_rows, payl, accum, sem):
    cid = lax.axis_index("c")
    sid = lax.axis_index("s")
    pltpu.sync_copy(zro.at[pl.ds(sid * ZR, ZR)], accum.at[pl.ds(sid * ZR, ZR)])
    lane = lax.iota(I32, 16)
    ccol = [jnp.full((16,), c, I32) for c in range(24)]
    co = cid * 4
    dcol = [ccol[c] + co for c in range(4)]

    def chunk(i, carry):
        row0 = sid * 784 + i * 4
        pltpu.sync_copy(sidx2.at[cid, pl.ds(row0, 4)], s_idx)
        pltpu.sync_copy(didx.at[pl.ds(row0, 4)], d_idx)
        hs = []
        for j in range(4):
            hs.append(pltpu.async_copy(
                stab.at[s_idx.at[j]], s_rows.at[pl.ds(j * 128, 128)], sem))
            hs.append(pltpu.async_copy(
                dtab.at[d_idx.at[j]], d_rows.at[pl.ds(j * 128, 128)], sem))
        for h in hs:
            h.wait()

        def group(g, c2):
            r = g * 16 + lane
            feat = [plsc.load_gather(s_rows, [r, ccol[c]]) for c in range(11)]
            as0 = plsc.load_gather(s_rows, [r, ccol[11]])
            as1 = plsc.load_gather(s_rows, [r, ccol[12]])
            ad0 = plsc.load_gather(d_rows, [r, dcol[0]])
            ad1 = plsc.load_gather(d_rows, [r, dcol[1]])
            m0 = plsc.load_gather(d_rows, [r, dcol[2]])
            m1 = plsc.load_gather(d_rows, [r, dcol[3]])
            t0 = jnp.exp(_lrelu(as0 + ad0) - m0)
            t1 = jnp.exp(_lrelu(as1 + ad1) - m1)
            plsc.store_scatter(payl, [r, ccol[0]], t0)
            plsc.store_scatter(payl, [r, ccol[1]], t1)
            for c in range(11):
                plsc.store_scatter(payl, [r, ccol[2 + c]], t0 * feat[c])
                plsc.store_scatter(payl, [r, ccol[13 + c]], t1 * feat[c])
            return c2
        lax.fori_loop(0, 32, group, 0)
        for j in range(4):
            pltpu.sync_copy(payl.at[pl.ds(j * 128, 128)],
                            accum.at[d_idx.at[j]], add=True)
        return carry
    plsc.subcore_barrier()
    lax.fori_loop(0, 196, chunk, 0)
    plsc.subcore_barrier()
    pltpu.sync_copy(accum.at[pl.ds(sid * ZR, ZR)],
                    out.at[cid, pl.ds(sid * ZR, ZR)])


def _pass1(sidx2, didx, stab, dtab, zro):
    mesh = plsc.VectorSubcoreMesh(core_axis_name="c", subcore_axis_name="s")
    kern = functools.partial(
        pl.kernel,
        mesh=mesh,
        compiler_params=pltpu.CompilerParams(needs_layout_passes=False, use_tc_tiling_on_sc=False),
        out_type=jax.ShapeDtypeStruct((2, N_PAD, 24), F32),
        scratch_types=[
            pltpu.VMEM((4, 128), I32),
            pltpu.VMEM((4, 128), I32),
            pltpu.VMEM((512, 16), F32),
            pltpu.VMEM((512, 16), F32),
            pltpu.VMEM((512, 24), F32),
            pltpu.VMEM_SHARED((N_PAD, 24), F32),
            pltpu.SemaphoreType.DMA,
        ])(_pass1_body)
    return kern(sidx2, didx, stab, dtab, zro)


def _stage_b_body(accA, accB, tab, x_ref, Menv, benv, Mbeh, bbeh,
                  e2w, eas, ead, b2w, bas, bad, gw1t, gb1, gw2t, gb2,
                  src2_ref, dst2_ref, aux_ref):
    B = x_ref.shape[0]

    def layer1(acc, xf, M, b):
        den = acc[:, 0:2] + 1.0
        U = acc[:, 2:24] + jnp.concatenate([xf, xf], axis=1)
        d11 = jnp.concatenate(
            [jnp.broadcast_to(den[:, 0:1], (B, 11)),
             jnp.broadcast_to(den[:, 1:2], (B, 11))], axis=1) + 1e-16
        h = jnp.dot(U / d11, M[...], preferred_element_type=F32) + b[...]
        return jnp.where(h > 0, h, jnp.exp(jnp.minimum(h, 0.0)) - 1.0)

    xenv = tab[0][:, 0:11]
    xbeh = tab[1][:, 0:11]
    env_h = layer1(accA[...], xenv, Menv, benv)
    beh_h = layer1(accB[...], xbeh, Mbeh, bbeh)
    xl2e = jnp.dot(env_h, e2w[...], preferred_element_type=F32)
    xl2b = jnp.dot(beh_h, b2w[...], preferred_element_type=F32)
    as2e = xl2e * eas[0, 0]
    ad2e = xl2e * ead[0, 0]
    m2e = _lrelu(as2e + ad2e)
    as2b = xl2b * bas[0, 0]
    ad2b = xl2b * bad[0, 0]
    m2b = _lrelu(as2b + ad2b)
    ctx = tab[0][:, 3:11]
    g1 = jnp.maximum(jnp.dot(ctx, gw1t[...], preferred_element_type=F32)
                     + gb1[...], 0.0)
    g2 = jnp.dot(g1, gw2t[...], preferred_element_type=F32) + gb2[...]
    g2 = g2 - jnp.max(g2, axis=1, keepdims=True)
    eg = jnp.exp(g2)
    gate = eg / jnp.sum(eg, axis=1, keepdims=True)
    xb = x_ref[...]
    z2 = jnp.zeros((B, 2), F32)
    src2_ref[...] = jnp.concatenate(
        [xl2e, as2e, xl2b, as2b, xb[:, 3:4], xb[:, 4:5], ctx, z2], axis=1)
    dst2_ref[...] = jnp.concatenate(
        [ad2e, m2e, ad2b, m2b, jnp.zeros((B, 12), F32)], axis=1)
    aux_ref[...] = jnp.concatenate(
        [gate, xl2e, xl2b, jnp.zeros((B, 3), F32)], axis=1)


def _stage_b(accA, accB, tab2, x, Menv, benv, Mbeh, bbeh,
             e2w, eas, ead, b2w, bas, bad, gw1t, gb1, gw2t, gb2):
    grid = (N // BLK,)
    full = lambda a: pl.BlockSpec(a.shape, lambda i: (0,) * a.ndim)
    args = (accA, accB, tab2, x, Menv, benv, Mbeh, bbeh,
            e2w, eas, ead, b2w, bas, bad, gw1t, gb1, gw2t, gb2)
    return pl.pallas_call(
        _stage_b_body,
        grid=grid,
        in_specs=[pl.BlockSpec((BLK, 24), lambda i: (i, 0)),
                  pl.BlockSpec((BLK, 24), lambda i: (i, 0)),
                  pl.BlockSpec((2, BLK, 16), lambda i: (0, i, 0)),
                  pl.BlockSpec((BLK, 6), lambda i: (i, 0))] +
                 [full(a) for a in args[4:]],
        out_specs=[pl.BlockSpec((BLK, 16), lambda i: (i, 0)),
                   pl.BlockSpec((BLK, 16), lambda i: (i, 0)),
                   pl.BlockSpec((BLK, 8), lambda i: (i, 0))],
        out_shape=[jax.ShapeDtypeStruct((N, 16), F32),
                   jax.ShapeDtypeStruct((N, 16), F32),
                   jax.ShapeDtypeStruct((N, 8), F32)],
    )(*args)


def _pass2_body(sidx, didx, stab, dtab, zro, out,
                s_idx, d_idx, s_rows, d_rows, payl, accum, sem):
    cid = lax.axis_index("c")
    sid = lax.axis_index("s")
    pltpu.sync_copy(zro.at[pl.ds(sid * ZR, ZR)], accum.at[pl.ds(sid * ZR, ZR)])
    lane = lax.iota(I32, 16)
    ccol = [jnp.full((16,), c, I32) for c in range(16)]
    wid = sid * 2 + cid
    zv = jnp.zeros((16,), F32)

    def chunk(i, carry):
        row0 = wid * 392 + i * 8
        pltpu.sync_copy(sidx.at[pl.ds(row0, 8)], s_idx)
        pltpu.sync_copy(didx.at[pl.ds(row0, 8)], d_idx)
        hs = []
        for j in range(8):
            hs.append(pltpu.async_copy(
                stab.at[s_idx.at[j]], s_rows.at[pl.ds(j * 128, 128)], sem))
            hs.append(pltpu.async_copy(
                dtab.at[d_idx.at[j]], d_rows.at[pl.ds(j * 128, 128)], sem))
        for h in hs:
            h.wait()

        def group(g, c2):
            r = g * 16 + lane
            xl2e = plsc.load_gather(s_rows, [r, ccol[0]])
            as2e = plsc.load_gather(s_rows, [r, ccol[1]])
            xl2b = plsc.load_gather(s_rows, [r, ccol[2]])
            as2b = plsc.load_gather(s_rows, [r, ccol[3]])
            ad2e = plsc.load_gather(d_rows, [r, ccol[0]])
            m2e = plsc.load_gather(d_rows, [r, ccol[1]])
            ad2b = plsc.load_gather(d_rows, [r, ccol[2]])
            m2b = plsc.load_gather(d_rows, [r, ccol[3]])
            te = jnp.exp(_lrelu(as2e + ad2e) - m2e)
            tb = jnp.exp(_lrelu(as2b + ad2b) - m2b)
            plsc.store_scatter(payl, [r, ccol[0]], te)
            plsc.store_scatter(payl, [r, ccol[1]], te * xl2e)
            plsc.store_scatter(payl, [r, ccol[2]], tb)
            plsc.store_scatter(payl, [r, ccol[3]], tb * xl2b)
            for c in range(4, 14):
                v = plsc.load_gather(s_rows, [r, ccol[c]])
                plsc.store_scatter(payl, [r, ccol[c]], v)
            plsc.store_scatter(payl, [r, ccol[14]], zv)
            plsc.store_scatter(payl, [r, ccol[15]], zv)
            return c2
        lax.fori_loop(0, 64, group, 0)
        for j in range(8):
            pltpu.sync_copy(payl.at[pl.ds(j * 128, 128)],
                            accum.at[d_idx.at[j]], add=True)
        return carry
    plsc.subcore_barrier()
    lax.fori_loop(0, 49, chunk, 0)
    plsc.subcore_barrier()
    pltpu.sync_copy(accum.at[pl.ds(sid * ZR, ZR)],
                    out.at[cid, pl.ds(sid * ZR, ZR)])


def _pass2(sidx, didx, stab, dtab, zro):
    mesh = plsc.VectorSubcoreMesh(core_axis_name="c", subcore_axis_name="s")
    kern = functools.partial(
        pl.kernel,
        mesh=mesh,
        compiler_params=pltpu.CompilerParams(needs_layout_passes=False, use_tc_tiling_on_sc=False),
        out_type=jax.ShapeDtypeStruct((2, N_PAD, 16), F32),
        scratch_types=[
            pltpu.VMEM((8, 128), I32),
            pltpu.VMEM((8, 128), I32),
            pltpu.VMEM((1024, 16), F32),
            pltpu.VMEM((1024, 16), F32),
            pltpu.VMEM((1024, 16), F32),
            pltpu.VMEM_SHARED((N_PAD, 16), F32),
            pltpu.SemaphoreType.DMA,
        ])(_pass2_body)
    return kern(sidx, didx, stab, dtab, zro)


def _evolve_body(wg, wiht, bsum, out_ref):
    out_ref[...] = jnp.tanh(
        jnp.dot(wg[...], wiht[...], preferred_element_type=F32) + bsum[...])


def _evolve(wg, wiht, bsum):
    return pl.pallas_call(
        _evolve_body,
        out_shape=jax.ShapeDtypeStruct((1, 100), F32),
    )(wg, wiht, bsum)


def _stage_c_body(a2a, a2b, aux, wnewt, pjw, pjb, eb2, bb2, out_ref):
    a2 = a2a[...] + a2b[...]
    xl2e = aux[:, 3:4]
    xl2b = aux[:, 4:5]
    env_out = (a2[:, 1:2] + xl2e) / (a2[:, 0:1] + 1.0 + 1e-16) + eb2[0, 0]
    beh_out = (a2[:, 3:4] + xl2b) / (a2[:, 2:3] + 1.0 + 1e-16) + bb2[0, 0]
    aggf = a2[:, 4:14]
    ph = jnp.maximum(jnp.dot(aggf, wnewt[...], preferred_element_type=F32),
                     0.0)
    phys_out = jnp.dot(ph, pjw[...], preferred_element_type=F32) + pjb[0, 0]
    out_ref[...] = (aux[:, 0:1] * env_out + aux[:, 1:2] * phys_out
                    + aux[:, 2:3] * beh_out)


def _stage_c(a2a, a2b, aux, wnewt, pjw, pjb, eb2, bb2):
    grid = (N // BLK,)
    full = lambda a: pl.BlockSpec(a.shape, lambda i: (0,) * a.ndim)
    return pl.pallas_call(
        _stage_c_body,
        grid=grid,
        in_specs=[pl.BlockSpec((BLK, 16), lambda i: (i, 0)),
                  pl.BlockSpec((BLK, 16), lambda i: (i, 0)),
                  pl.BlockSpec((BLK, 8), lambda i: (i, 0)),
                  full(wnewt), full(pjw), full(pjb), full(eb2), full(bb2)],
        out_specs=pl.BlockSpec((BLK, 1), lambda i: (i, 0)),
        out_shape=jax.ShapeDtypeStruct((N, 1), F32),
    )(a2a, a2b, aux, wnewt, pjw, pjb, eb2, bb2)


def kernel(x, edge_index, enc_W1, enc_b1, enc_W2, enc_b2,
           env_g1_W, env_g1_as, env_g1_ad, env_g1_b,
           env_g2_W, env_g2_as, env_g2_ad, env_g2_b,
           beh_g1_W, beh_g1_as, beh_g1_ad, beh_g1_b,
           beh_g2_W, beh_g2_as, beh_g2_ad, beh_g2_b,
           W_gcn, rnn_Wih, rnn_bih, rnn_bhh, proj_W, proj_b,
           gate_W1, gate_b1, gate_W2, gate_b2):
    w1t = enc_W1.T
    w2t = enc_W2.T
    b1 = enc_b1.reshape(1, 16)
    b2 = enc_b2.reshape(1, 8)
    W3e = env_g1_W.reshape(2, 16, 11)
    W3b = beh_g1_W.reshape(2, 16, 11)
    afse = jnp.einsum('hc,hci->ih', env_g1_as, W3e)
    afde = jnp.einsum('hc,hci->ih', env_g1_ad, W3e)
    afsb = jnp.einsum('hc,hci->ih', beh_g1_as, W3b)
    afdb = jnp.einsum('hc,hci->ih', beh_g1_ad, W3b)
    Menv = jnp.zeros((22, 32), F32)
    Menv = Menv.at[0:11, 0:16].set(W3e[0].T).at[11:22, 16:32].set(W3e[1].T)
    Mbeh = jnp.zeros((22, 32), F32)
    Mbeh = Mbeh.at[0:11, 0:16].set(W3b[0].T).at[11:22, 16:32].set(W3b[1].T)
    benv = env_g1_b.reshape(1, 32)
    bbeh = beh_g1_b.reshape(1, 32)
    e2w = env_g2_W.T
    b2w = beh_g2_W.T
    eas = env_g2_as.reshape(1, 1)
    ead = env_g2_ad.reshape(1, 1)
    bas = beh_g2_as.reshape(1, 1)
    bad = beh_g2_ad.reshape(1, 1)
    gw1t = gate_W1.T
    gw2t = gate_W2.T
    gb1 = gate_b1.reshape(1, 32)
    gb2 = gate_b2.reshape(1, 3)
    wg = W_gcn.reshape(1, 100)
    wiht = rnn_Wih.T
    bsum = (rnn_bih + rnn_bhh).reshape(1, 100)
    pjw = proj_W.T
    pjb = proj_b.reshape(1, 1)
    eb2 = env_g2_b.reshape(1, 1)
    bb2 = beh_g2_b.reshape(1, 1)

    src = edge_index[0].astype(I32)
    dst = edge_index[1].astype(I32)
    padn = EPR * 128 - E
    s0 = jnp.concatenate([src, jnp.zeros((padn,), I32)]).reshape(EPR, 128)
    d0 = jnp.concatenate([dst, jnp.full((padn,), N, I32)]).reshape(EPR, 128)
    sidx2 = jnp.stack([s0, s0 + N])
    z24 = jnp.zeros((N_PAD, 24), F32)
    z16 = jnp.zeros((N_PAD, 16), F32)

    tab2, dsttab = _stage_a(x, w1t, b1, w2t, b2, afse, afde, afsb, afdb)
    stab = tab2.reshape(2 * N, 16)
    dtabp = jnp.concatenate([dsttab, jnp.zeros((8, 16), F32)], axis=0)

    out1 = _pass1(sidx2, d0, stab, dtabp, z24)
    accA = out1[0, :N]
    accB = out1[1, :N]

    src2, dst2, aux = _stage_b(accA, accB, tab2, x, Menv, benv, Mbeh, bbeh,
                               e2w, eas, ead, b2w, bas, bad,
                               gw1t, gb1, gw2t, gb2)
    d2tabp = jnp.concatenate([dst2, jnp.zeros((8, 16), F32)], axis=0)

    out2 = _pass2(s0, d0, src2, d2tabp, z16)

    wnewt = _evolve(wg, wiht, bsum).reshape(10, 10).T
    return _stage_c(out2[0, :N], out2[1, :N], aux, wnewt, pjw, pjb, eb2, bb2)

# --- scband reference (transcript-rebuilt; emitter-appended) ---
"""Pipeline reference for scband-gvf-mo-e-final-model-21543555957371 (READ-ONLY COPY).

The authoritative reference and input builder live on the scoring server;
editing this copy changes nothing except your own understanding.
"""

import jax, jax.numpy as jnp
import numpy as np

N = 50000
E = 1600000

def _gat(x, src, dst, n, W, a_s, a_d, b, H, C):
    xl = (x @ W.T).reshape(n, H, C)
    as_ = (xl * a_s[None]).sum(-1)
    ad_ = (xl * a_d[None]).sum(-1)
    alpha = jax.nn.leaky_relu(as_[src] + ad_[dst], 0.2)
    m = jax.ops.segment_max(alpha, dst, num_segments=n)
    m = jax.lax.stop_gradient(jnp.where(jnp.isfinite(m), m, 0.0))
    e = jnp.exp(alpha - m[dst])
    den = jax.ops.segment_sum(e, dst, num_segments=n)
    coef = e / (den[dst] + 1e-16)
    out = jax.ops.segment_sum(xl[src] * coef[:, :, None], dst, num_segments=n)
    return out.reshape(n, H * C) + b

def setup_inputs(seed: int = 0):
    key = jax.random.key(seed)
    ks = jax.random.split(key, 40)
    p = lambda i, shp: 0.1 * jax.random.normal(ks[i], shp, jnp.float32)
    return {
        "x": jax.random.normal(ks[0], (N, 6), jnp.float32),
        "edge_index": jax.random.randint(ks[1], (2, E), 0, N, jnp.int32),
        "enc_W1": p(2, (16, 6)), "enc_b1": p(3, (16,)),
        "enc_W2": p(4, (8, 16)), "enc_b2": p(5, (8,)),
        "env_g1_W": p(6, (32, 11)), "env_g1_as": p(7, (2, 16)), "env_g1_ad": p(8, (2, 16)), "env_g1_b": p(9, (32,)),
        "env_g2_W": p(10, (1, 32)), "env_g2_as": p(11, (1, 1)), "env_g2_ad": p(12, (1, 1)), "env_g2_b": p(13, (1,)),
        "beh_g1_W": p(14, (32, 11)), "beh_g1_as": p(15, (2, 16)), "beh_g1_ad": p(16, (2, 16)), "beh_g1_b": p(17, (32,)),
        "beh_g2_W": p(18, (1, 32)), "beh_g2_as": p(19, (1, 1)), "beh_g2_ad": p(20, (1, 1)), "beh_g2_b": p(21, (1,)),
        "W_gcn": p(22, (10, 10)),
        "rnn_Wih": p(23, (100, 100)), "rnn_bih": p(24, (100,)), "rnn_bhh": p(25, (100,)),
        "proj_W": p(26, (1, 10)), "proj_b": p(27, (1,)),
        "gate_W1": p(28, (32, 8)), "gate_b1": p(29, (32,)),
        "gate_W2": p(30, (3, 32)), "gate_b2": p(31, (3,)),
    }

def reference(x, edge_index, enc_W1, enc_b1, enc_W2, enc_b2,
              env_g1_W, env_g1_as, env_g1_ad, env_g1_b,
              env_g2_W, env_g2_as, env_g2_ad, env_g2_b,
              beh_g1_W, beh_g1_as, beh_g1_ad, beh_g1_b,
              beh_g2_W, beh_g2_as, beh_g2_ad, beh_g2_b,
              W_gcn, rnn_Wih, rnn_bih, rnn_bhh, proj_W, proj_b,
              gate_W1, gate_b1, gate_W2, gate_b2):
    n = x.shape[0]
    ctx = jax.nn.relu(x @ enc_W1.T + enc_b1) @ enc_W2.T + enc_b2
    x_env = jnp.concatenate([x[:, jnp.array([0, 1, 5])], ctx], axis=1)
    x_phys = jnp.concatenate([x[:, jnp.array([3, 4])], ctx], axis=1)
    x_beh = jnp.concatenate([x[:, jnp.array([0, 1, 2])], ctx], axis=1)
    src, dst = edge_index[0], edge_index[1]
    loop = jnp.arange(n, dtype=src.dtype)
    src_sl = jnp.concatenate([src, loop])
    dst_sl = jnp.concatenate([dst, loop])
    env_h = jax.nn.elu(_gat(x_env, src_sl, dst_sl, n, env_g1_W, env_g1_as, env_g1_ad, env_g1_b, 2, 16))
    env_out = _gat(env_h, src_sl, dst_sl, n, env_g2_W, env_g2_as, env_g2_ad, env_g2_b, 1, 1)
    beh_h = jax.nn.elu(_gat(x_beh, src_sl, dst_sl, n, beh_g1_W, beh_g1_as, beh_g1_ad, beh_g1_b, 2, 16))
    beh_out = _gat(beh_h, src_sl, dst_sl, n, beh_g2_W, beh_g2_as, beh_g2_ad, beh_g2_b, 1, 1)
    # EvolveGCN-O expert: RNN with h0=0 evolves flattened GCN weight
    W_new = jnp.tanh(W_gcn.reshape(-1) @ rnn_Wih.T + rnn_bih + rnn_bhh).reshape(10, 10)
    h = x_phys @ W_new.T
    agg = jax.ops.segment_sum(h[src], dst, num_segments=n)  # GCNConv.propagate with edge_weight=None => sum of x_j
    phys_out = jax.nn.relu(agg) @ proj_W.T + proj_b
    gate = jax.nn.softmax(jax.nn.relu(ctx @ gate_W1.T + gate_b1) @ gate_W2.T + gate_b2, axis=1)
    return gate[:, 0:1] * env_out + gate[:, 1:2] * phys_out + gate[:, 2:3] * beh_out

if __name__ == "__main__":
    import jax
    _d = setup_inputs()
    print(jax.jit(kernel)(*tuple(_d.values())))

</pallas_src>

<mosaic_0001>
#map = affine_map<(d0, d1) -> (0, 0)>
#map1 = affine_map<(d0, d1) -> (0, 0, 0)>
module attributes {stable_mosaic.version = 14 : i64} {
  func.func @_pass2_body(%arg0: i32, %arg1: i32, %arg2: memref<12544x128xi32, #tpu.memory_space<hbm>>, %arg3: memref<12544x128xi32, #tpu.memory_space<hbm>>, %arg4: memref<50000x16xf32, #tpu.memory_space<hbm>>, %arg5: memref<50008x16xf32, #tpu.memory_space<hbm>>, %arg6: memref<50048x16xf32, #tpu.memory_space<hbm>>, %arg7: memref<2x50048x16xf32, #tpu.memory_space<hbm>>, %arg8: memref<8x128xi32, #tpu.memory_space<vmem>>, %arg9: memref<8x128xi32, #tpu.memory_space<vmem>>, %arg10: memref<1024x16xf32, #tpu.memory_space<vmem>>, %arg11: memref<1024x16xf32, #tpu.memory_space<vmem>>, %arg12: memref<1024x16xf32, #tpu.memory_space<vmem>>, %arg13: memref<50048x16xf32, #tpu.memory_space<vmem_shared>>, %arg14: memref<!tpu.dma_semaphore, #tpu.memory_space<semaphore_mem>>) attributes {dimension_semantics = [#tpu.dimension_semantics<core_parallel>, #tpu.dimension_semantics<subcore_parallel>], iteration_bounds = array<i64: 2, 16>, scalar_prefetch = 0 : i64, scratch_operands = 7 : i64, tpu.core_type = #tpu.core_type<sc_vector_subcore>, window_params = [{transform_indices = #map}, {transform_indices = #map}, {transform_indices = #map}, {transform_indices = #map}, {transform_indices = #map}, {transform_indices = #map1}]} {
    %mul3A = arith.constant 3128 : i32
    %mul3A_0 = arith.muli %arg1, %mul3A : i32
    %mul3A_1 = arith.constant 3128 : i32
    %mul3A_2 = arith.muli %arg1, %mul3A_1 : i32
    "tpu.region"() ({
      %run_scoped3A = tpu.sem_alloc : memref<!tpu.dma_semaphore, #tpu.memory_space<semaphore_mem>>
      %dma_start3A = arith.constant 0 : i32
      %dma_start3A_48 = tpu.memref_slice %arg13[%mul3A_2, %dma_start3A] : memref<50048x16xf32, #tpu.memory_space<vmem_shared>> -> memref<3128x16xf32, #tpu.memory_space<vmem_shared>>
      %dma_start3A_49 = arith.constant 0 : i32
      %dma_start3A_50 = tpu.memref_slice %arg6[%mul3A_0, %dma_start3A_49] : memref<50048x16xf32, #tpu.memory_space<hbm>> -> memref<3128x16xf32, #tpu.memory_space<hbm>>
      tpu.enqueue_dma source(%dma_start3A_50 : memref<3128x16xf32, #tpu.memory_space<hbm>>) target(%dma_start3A_48 : memref<3128x16xf32, #tpu.memory_space<vmem_shared>>) target_semaphore(%run_scoped3A : memref<!tpu.dma_semaphore, #tpu.memory_space<semaphore_mem>>)
      %dma_wait3A = arith.constant 0 : i32
      %dma_wait3A_51 = tpu.memref_slice %arg13[%mul3A_2, %dma_wait3A] : memref<50048x16xf32, #tpu.memory_space<vmem_shared>> -> memref<3128x16xf32, #tpu.memory_space<vmem_shared>>
      %dma_wait3A_52 = arith.constant 0 : i32
      %dma_wait3A_53 = tpu.memref_slice %arg6[%mul3A_0, %dma_wait3A_52] : memref<50048x16xf32, #tpu.memory_space<hbm>> -> memref<3128x16xf32, #tpu.memory_space<hbm>>
      tpu.wait_dma2 semaphore(%run_scoped3A : memref<!tpu.dma_semaphore, #tpu.memory_space<semaphore_mem>>) src(%dma_wait3A_53 : memref<3128x16xf32, #tpu.memory_space<hbm>>) dst(%dma_wait3A_51 : memref<3128x16xf32, #tpu.memory_space<vmem_shared>>)
      tpu.yield
    }) : () -> ()
    %iota3A = tpu.iota {dimensions = array<i32: 0>} : vector<16xi32>
    %broadcast_in_dim3A = arith.constant 0 : i32
    %broadcast_in_dim3A_3 = vector.broadcast %broadcast_in_dim3A : i32 to vector<16xi32>
    %broadcast_in_dim3A_4 = arith.constant 1 : i32
    %broadcast_in_dim3A_5 = vector.broadcast %broadcast_in_dim3A_4 : i32 to vector<16xi32>
    %broadcast_in_dim3A_6 = arith.constant 2 : i32
    %broadcast_in_dim3A_7 = vector.broadcast %broadcast_in_dim3A_6 : i32 to vector<16xi32>
    %broadcast_in_dim3A_8 = arith.constant 3 : i32
    %broadcast_in_dim3A_9 = vector.broadcast %broadcast_in_dim3A_8 : i32 to vector<16xi32>
    %broadcast_in_dim3A_10 = arith.constant 4 : i32
    %broadcast_in_dim3A_11 = vector.broadcast %broadcast_in_dim3A_10 : i32 to vector<16xi32>
    %broadcast_in_dim3A_12 = arith.constant 5 : i32
    %broadcast_in_dim3A_13 = vector.broadcast %broadcast_in_dim3A_12 : i32 to vector<16xi32>
    %broadcast_in_dim3A_14 = arith.constant 6 : i32
    %broadcast_in_dim3A_15 = vector.broadcast %broadcast_in_dim3A_14 : i32 to vector<16xi32>
    %broadcast_in_dim3A_16 = arith.constant 7 : i32
    %broadcast_in_dim3A_17 = vector.broadcast %broadcast_in_dim3A_16 : i32 to vector<16xi32>
    %broadcast_in_dim3A_18 = arith.constant 8 : i32
    %broadcast_in_dim3A_19 = vector.broadcast %broadcast_in_dim3A_18 : i32 to vector<16xi32>
    %broadcast_in_dim3A_20 = arith.constant 9 : i32
    %broadcast_in_dim3A_21 = vector.broadcast %broadcast_in_dim3A_20 : i32 to vector<16xi32>
    %broadcast_in_dim3A_22 = arith.constant 10 : i32
    %broadcast_in_dim3A_23 = vector.broadcast %broadcast_in_dim3A_22 : i32 to vector<16xi32>
    %broadcast_in_dim3A_24 = arith.constant 11 : i32
    %broadcast_in_dim3A_25 = vector.broadcast %broadcast_in_dim3A_24 : i32 to vector<16xi32>
    %broadcast_in_dim3A_26 = arith.constant 12 : i32
    %broadcast_in_dim3A_27 = vector.broadcast %broadcast_in_dim3A_26 : i32 to vector<16xi32>
    %broadcast_in_dim3A_28 = arith.constant 13 : i32
    %broadcast_in_dim3A_29 = vector.broadcast %broadcast_in_dim3A_28 : i32 to vector<16xi32>
    %broadcast_in_dim3A_30 = arith.constant 14 : i32
    %broadcast_in_dim3A_31 = vector.broadcast %broadcast_in_dim3A_30 : i32 to vector<16xi32>
    %broadcast_in_dim3A_32 = arith.constant 15 : i32
    %broadcast_in_dim3A_33 = vector.broadcast %broadcast_in_dim3A_32 : i32 to vector<16xi32>
    %mul3A_34 = arith.constant 2 : i32
    %mul3A_35 = arith.muli %arg1, %mul3A_34 : i32
    %add3A = arith.addi %mul3A_35, %arg0 : i32
    %broadcast_in_dim3A_36 = arith.constant 0.000000e+00 : f32
    %broadcast_in_dim3A_37 = vector.broadcast %broadcast_in_dim3A_36 : f32 to vector<16xf32>
    %barrier3A = arith.constant 0 : index
    tpu.barrier barrier_id(%barrier3A)
    %scan3A = arith.constant 0 : i32
    %scan3A_38 = arith.constant 0 : i32
    %scan3A_39 = arith.constant 49 : i32
    %scan3A_40 = arith.addi %scan3A_38, %scan3A_39 : i32
    %scan3A_41 = arith.constant 1 : i32
    scf.for %scan3A_48 = %scan3A_38 to %scan3A_40 step %scan3A_41  : i32 {
      %mul3A_49 = arith.constant 392 : i32
      %mul3A_50 = arith.muli %add3A, %mul3A_49 : i32
      %mul3A_51 = arith.constant 8 : i32
      %mul3A_52 = arith.muli %scan3A_48, %mul3A_51 : i32
      %add3A_53 = arith.addi %mul3A_50, %mul3A_52 : i32
      "tpu.region"() ({
        %run_scoped3A_385 = tpu.sem_alloc : memref<!tpu.dma_semaphore, #tpu.memory_space<semaphore_mem>>
        %dma_start3A_386 = arith.constant 0 : i32
        %dma_start3A_387 = tpu.memref_slice %arg2[%add3A_53, %dma_start3A_386] : memref<12544x128xi32, #tpu.memory_space<hbm>> -> memref<8x128xi32, #tpu.memory_space<hbm>>
        %dma_start3A_388 = arith.constant 0 : i32
        %dma_start3A_389 = tpu.memref_slice %arg2[%add3A_53, %dma_start3A_388] : memref<12544x128xi32, #tpu.memory_space<hbm>> -> memref<8x128xi32, #tpu.memory_space<hbm>>
        tpu.enqueue_dma source(%dma_start3A_389 : memref<8x128xi32, #tpu.memory_space<hbm>>) target(%arg8 : memref<8x128xi32, #tpu.memory_space<vmem>>) target_semaphore(%run_scoped3A_385 : memref<!tpu.dma_semaphore, #tpu.memory_space<semaphore_mem>>)
        %dma_wait3A_390 = arith.constant 0 : i32
        %dma_wait3A_391 = tpu.memref_slice %arg2[%add3A_53, %dma_wait3A_390] : memref<12544x128xi32, #tpu.memory_space<hbm>> -> memref<8x128xi32, #tpu.memory_space<hbm>>
        %dma_wait3A_392 = arith.constant 0 : i32
        %dma_wait3A_393 = tpu.memref_slice %arg2[%add3A_53, %dma_wait3A_392] : memref<12544x128xi32, #tpu.memory_space<hbm>> -> memref<8x128xi32, #tpu.memory_space<hbm>>
        tpu.wait_dma2 semaphore(%run_scoped3A_385 : memref<!tpu.dma_semaphore, #tpu.memory_space<semaphore_mem>>) src(%dma_wait3A_393 : memref<8x128xi32, #tpu.memory_space<hbm>>) dst(%arg8 : memref<8x128xi32, #tpu.memory_space<vmem>>)
        tpu.yield
      }) : () -> ()
      "tpu.region"() ({
        %run_scoped3A_385 = tpu.sem_alloc : memref<!tpu.dma_semaphore, #tpu.memory_space<semaphore_mem>>
        %dma_start3A_386 = arith.constant 0 : i32
        %dma_start3A_387 = tpu.memref_slice %arg3[%add3A_53, %dma_start3A_386] : memref<12544x128xi32, #tpu.memory_space<hbm>> -> memref<8x128xi32, #tpu.memory_space<hbm>>
        %dma_start3A_388 = arith.constant 0 : i32
        %dma_start3A_389 = tpu.memref_slice %arg3[%add3A_53, %dma_start3A_388] : memref<12544x128xi32, #tpu.memory_space<hbm>> -> memref<8x128xi32, #tpu.memory_space<hbm>>
        tpu.enqueue_dma source(%dma_start3A_389 : memref<8x128xi32, #tpu.memory_space<hbm>>) target(%arg9 : memref<8x128xi32, #tpu.memory_space<vmem>>) target_semaphore(%run_scoped3A_385 : memref<!tpu.dma_semaphore, #tpu.memory_space<semaphore_mem>>)
        %dma_wait3A_390 = arith.constant 0 : i32
        %dma_wait3A_391 = tpu.memref_slice %arg3[%add3A_53, %dma_wait3A_390] : memref<12544x128xi32, #tpu.memory_space<hbm>> -> memref<8x128xi32, #tpu.memory_space<hbm>>
        %dma_wait3A_392 = arith.constant 0 : i32
        %dma_wait3A_393 = tpu.memref_slice %arg3[%add3A_53, %dma_wait3A_392] : memref<12544x128xi32, #tpu.memory_space<hbm>> -> memref<8x128xi32, #tpu.memory_space<hbm>>
        tpu.wait_dma2 semaphore(%run_scoped3A_385 : memref<!tpu.dma_semaphore, #tpu.memory_space<semaphore_mem>>) src(%dma_wait3A_393 : memref<8x128xi32, #tpu.memory_space<hbm>>) dst(%arg9 : memref<8x128xi32, #tpu.memory_space<vmem>>)
        tpu.yield
      }) : () -> ()
      %dma_start3A = arith.constant 0 : i32
      %dma_start3A_54 = arith.constant 0 : i32
      %dma_start3A_55 = arith.constant 0 : i32
      %dma_start3A_56 = tpu.memref_slice %arg10[%dma_start3A_54, %dma_start3A_55] : memref<1024x16xf32, #tpu.memory_space<vmem>> -> memref<128x16xf32, #tpu.memory_space<vmem>>
      %dma_start3A_57 = arith.constant 0 : i32
      %dma_start3A_58 = tpu.memref_slice %arg8[%dma_start3A, %dma_start3A_57] : memref<8x128xi32, #tpu.memory_space<vmem>> -> memref<1x128xi32, #tpu.memory_space<vmem>>
      %dma_start3A_59 = tpu.memref_squeeze %dma_start3A_58 : memref<1x128xi32, #tpu.memory_space<vmem>> -> memref<128xi32, #tpu.memory_space<vmem>>
      %dma_start3A_60 = arith.constant 0 : i32
      %dma_start3A_61 = arith.constant 0 : i32
      %dma_start3A_62 = tpu.memref_slice %arg4[%dma_start3A_60, %dma_start3A_61] : memref<50000x16xf32, #tpu.memory_space<hbm>> -> memref<50000x16xf32, #tpu.memory_space<hbm>>
      tpu.enqueue_indirect_dma source(%dma_start3A_62 : memref<50000x16xf32, #tpu.memory_space<hbm>>) target(%dma_start3A_56 : memref<128x16xf32, #tpu.memory_space<vmem>>) offsets(%dma_start3A_59 : memref<128xi32, #tpu.memory_space<vmem>>) semaphore(%arg14 : memref<!tpu.dma_semaphore, #tpu.memory_space<semaphore_mem>>)
      %dma_start3A_63 = arith.constant 0 : i32
      %dma_start3A_64 = arith.constant 0 : i32
      %dma_start3A_65 = arith.constant 0 : i32
      %dma_start3A_66 = tpu.memref_slice %arg11[%dma_start3A_64, %dma_start3A_65] : memref<1024x16xf32, #tpu.memory_space<vmem>> -> memref<128x16xf32, #tpu.memory_space<vmem>>
      %dma_start3A_67 = arith.constant 0 : i32
      %dma_start3A_68 = tpu.memref_slice %arg9[%dma_start3A_63, %dma_start3A_67] : memref<8x128xi32, #tpu.memory_space<vmem>> -> memref<1x128xi32, #tpu.memory_space<vmem>>
      %dma_start3A_69 = tpu.memref_squeeze %dma_start3A_68 : memref<1x128xi32, #tpu.memory_space<vmem>> -> memref<128xi32, #tpu.memory_space<vmem>>
      %dma_start3A_70 = arith.constant 0 : i32
      %dma_start3A_71 = arith.constant 0 : i32
      %dma_start3A_72 = tpu.memref_slice %arg5[%dma_start3A_70, %dma_start3A_71] : memref<50008x16xf32, #tpu.memory_space<hbm>> -> memref<50008x16xf32, #tpu.memory_space<hbm>>
      tpu.enqueue_indirect_dma source(%dma_start3A_72 : memref<50008x16xf32, #tpu.memory_space<hbm>>) target(%dma_start3A_66 : memref<128x16xf32, #tpu.memory_space<vmem>>) offsets(%dma_start3A_69 : memref<128xi32, #tpu.memory_space<vmem>>) semaphore(%arg14 : memref<!tpu.dma_semaphore, #tpu.memory_space<semaphore_mem>>)
      %dma_start3A_73 = arith.constant 1 : i32
      %dma_start3A_74 = arith.constant 128 : i32
      %dma_start3A_75 = arith.constant 0 : i32
      %dma_start3A_76 = tpu.memref_slice %arg10[%dma_start3A_74, %dma_start3A_75] : memref<1024x16xf32, #tpu.memory_space<vmem>> -> memref<128x16xf32, #tpu.memory_space<vmem>>
      %dma_start3A_77 = arith.constant 0 : i32
      %dma_start3A_78 = tpu.memref_slice %arg8[%dma_start3A_73, %dma_start3A_77] : memref<8x128xi32, #tpu.memory_space<vmem>> -> memref<1x128xi32, #tpu.memory_space<vmem>>
      %dma_start3A_79 = tpu.memref_squeeze %dma_start3A_78 : memref<1x128xi32, #tpu.memory_space<vmem>> -> memref<128xi32, #tpu.memory_space<vmem>>
      %dma_start3A_80 = arith.constant 0 : i32
      %dma_start3A_81 = arith.constant 0 : i32
      %dma_start3A_82 = tpu.memref_slice %arg4[%dma_start3A_80, %dma_start3A_81] : memref<50000x16xf32, #tpu.memory_space<hbm>> -> memref<50000x16xf32, #tpu.memory_space<hbm>>
      tpu.enqueue_indirect_dma source(%dma_start3A_82 : memref<50000x16xf32, #tpu.memory_space<hbm>>) target(%dma_start3A_76 : memref<128x16xf32, #tpu.memory_space<vmem>>) offsets(%dma_start3A_79 : memref<128xi32, #tpu.memory_space<vmem>>) semaphore(%arg14 : memref<!tpu.dma_semaphore, #tpu.memory_space<semaphore_mem>>)
      %dma_start3A_83 = arith.constant 1 : i32
      %dma_start3A_84 = arith.constant 128 : i32
      %dma_start3A_85 = arith.constant 0 : i32
      %dma_start3A_86 = tpu.memref_slice %arg11[%dma_start3A_84, %dma_start3A_85] : memref<1024x16xf32, #tpu.memory_space<vmem>> -> memref<128x16xf32, #tpu.memory_space<vmem>>
      %dma_start3A_87 = arith.constant 0 : i32
      %dma_start3A_88 = tpu.memref_slice %arg9[%dma_start3A_83, %dma_start3A_87] : memref<8x128xi32, #tpu.memory_space<vmem>> -> memref<1x128xi32, #tpu.memory_space<vmem>>
      %dma_start3A_89 = tpu.memref_squeeze %dma_start3A_88 : memref<1x128xi32, #tpu.memory_space<vmem>> -> memref<128xi32, #tpu.memory_space<vmem>>
      %dma_start3A_90 = arith.constant 0 : i32
      %dma_start3A_91 = arith.constant 0 : i32
      %dma_start3A_92 = tpu.memref_slice %arg5[%dma_start3A_90, %dma_start3A_91] : memref<50008x16xf32, #tpu.memory_space<hbm>> -> memref<50008x16xf32, #tpu.memory_space<hbm>>
      tpu.enqueue_indirect_dma source(%dma_start3A_92 : memref<50008x16xf32, #tpu.memory_space<hbm>>) target(%dma_start3A_86 : memref<128x16xf32, #tpu.memory_space<vmem>>) offsets(%dma_start3A_89 : memref<128xi32, #tpu.memory_space<vmem>>) semaphore(%arg14 : memref<!tpu.dma_semaphore, #tpu.memory_space<semaphore_mem>>)
      %dma_start3A_93 = arith.constant 2 : i32
      %dma_start3A_94 = arith.constant 256 : i32
      %dma_start3A_95 = arith.constant 0 : i32
      %dma_start3A_96 = tpu.memref_slice %arg10[%dma_start3A_94, %dma_start3A_95] : memref<1024x16xf32, #tpu.memory_space<vmem>> -> memref<128x16xf32, #tpu.memory_space<vmem>>
      %dma_start3A_97 = arith.constant 0 : i32
      %dma_start3A_98 = tpu.memref_slice %arg8[%dma_start3A_93, %dma_start3A_97] : memref<8x128xi32, #tpu.memory_space<vmem>> -> memref<1x128xi32, #tpu.memory_space<vmem>>
      %dma_start3A_99 = tpu.memref_squeeze %dma_start3A_98 : memref<1x128xi32, #tpu.memory_space<vmem>> -> memref<128xi32, #tpu.memory_space<vmem>>
      %dma_start3A_100 = arith.constant 0 : i32
      %dma_start3A_101 = arith.constant 0 : i32
      %dma_start3A_102 = tpu.memref_slice %arg4[%dma_start3A_100, %dma_start3A_101] : memref<50000x16xf32, #tpu.memory_space<hbm>> -> memref<50000x16xf32, #tpu.memory_space<hbm>>
      tpu.enqueue_indirect_dma source(%dma_start3A_102 : memref<50000x16xf32, #tpu.memory_space<hbm>>) target(%dma_start3A_96 : memref<128x16xf32, #tpu.memory_space<vmem>>) offsets(%dma_start3A_99 : memref<128xi32, #tpu.memory_space<vmem>>) semaphore(%arg14 : memref<!tpu.dma_semaphore, #tpu.memory_space<semaphore_mem>>)
      %dma_start3A_103 = arith.constant 2 : i32
      %dma_start3A_104 = arith.constant 256 : i32
      %dma_start3A_105 = arith.constant 0 : i32
      %dma_start3A_106 = tpu.memref_slice %arg11[%dma_start3A_104, %dma_start3A_105] : memref<1024x16xf32, #tpu.memory_space<vmem>> -> memref<128x16xf32, #tpu.memory_space<vmem>>
      %dma_start3A_107 = arith.constant 0 : i32
      %dma_start3A_108 = tpu.memref_slice %arg9[%dma_start3A_103, %dma_start3A_107] : memref<8x128xi32, #tpu.memory_space<vmem>> -> memref<1x128xi32, #tpu.memory_space<vmem>>
      %dma_start3A_109 = tpu.memref_squeeze %dma_start3A_108 : memref<1x128xi32, #tpu.memory_space<vmem>> -> memref<128xi32, #tpu.memory_space<vmem>>
      %dma_start3A_110 = arith.constant 0 : i32
      %dma_start3A_111 = arith.constant 0 : i32
      %dma_start3A_112 = tpu.memref_slice %arg5[%dma_start3A_110, %dma_start3A_111] : memref<50008x16xf32, #tpu.memory_space<hbm>> -> memref<50008x16xf32, #tpu.memory_space<hbm>>
      tpu.enqueue_indirect_dma source(%dma_start3A_112 : memref<50008x16xf32, #tpu.memory_space<hbm>>) target(%dma_start3A_106 : memref<128x16xf32, #tpu.memory_space<vmem>>) offsets(%dma_start3A_109 : memref<128xi32, #tpu.memory_space<vmem>>) semaphore(%arg14 : memref<!tpu.dma_semaphore, #tpu.memory_space<semaphore_mem>>)
      %dma_start3A_113 = arith.constant 3 : i32
      %dma_start3A_114 = arith.constant 384 : i32
      %dma_start3A_115 = arith.constant 0 : i32
      %dma_start3A_116 = tpu.memref_slice %arg10[%dma_start3A_114, %dma_start3A_115] : memref<1024x16xf32, #tpu.memory_space<vmem>> -> memref<128x16xf32, #tpu.memory_space<vmem>>
      %dma_start3A_117 = arith.constant 0 : i32
      %dma_start3A_118 = tpu.memref_slice %arg8[%dma_start3A_113, %dma_start3A_117] : memref<8x128xi32, #tpu.memory_space<vmem>> -> memref<1x128xi32, #tpu.memory_space<vmem>>
      %dma_start3A_119 = tpu.memref_squeeze %dma_start3A_118 : memref<1x128xi32, #tpu.memory_space<vmem>> -> memref<128xi32, #tpu.memory_space<vmem>>
      %dma_start3A_120 = arith.constant 0 : i32
      %dma_start3A_121 = arith.constant 0 : i32
      %dma_start3A_122 = tpu.memref_slice %arg4[%dma_start3A_120, %dma_start3A_121] : memref<50000x16xf32, #tpu.memory_space<hbm>> -> memref<50000x16xf32, #tpu.memory_space<hbm>>
      tpu.enqueue_indirect_dma source(%dma_start3A_122 : memref<50000x16xf32, #tpu.memory_space<hbm>>) target(%dma_start3A_116 : memref<128x16xf32, #tpu.memory_space<vmem>>) offsets(%dma_start3A_119 : memref<128xi32, #tpu.memory_space<vmem>>) semaphore(%arg14 : memref<!tpu.dma_semaphore, #tpu.memory_space<semaphore_mem>>)
      %dma_start3A_123 = arith.constant 3 : i32
      %dma_start3A_124 = arith.constant 384 : i32
      %dma_start3A_125 = arith.constant 0 : i32
      %dma_start3A_126 = tpu.memref_slice %arg11[%dma_start3A_124, %dma_start3A_125] : memref<1024x16xf32, #tpu.memory_space<vmem>> -> memref<128x16xf32, #tpu.memory_space<vmem>>
      %dma_start3A_127 = arith.constant 0 : i32
      %dma_start3A_128 = tpu.memref_slice %arg9[%dma_start3A_123, %dma_start3A_127] : memref<8x128xi32, #tpu.memory_space<vmem>> -> memref<1x128xi32, #tpu.memory_space<vmem>>
      %dma_start3A_129 = tpu.memref_squeeze %dma_start3A_128 : memref<1x128xi32, #tpu.memory_space<vmem>> -> memref<128xi32, #tpu.memory_space<vmem>>
      %dma_start3A_130 = arith.constant 0 : i32
      %dma_start3A_131 = arith.constant 0 : i32
      %dma_start3A_132 = tpu.memref_slice %arg5[%dma_start3A_130, %dma_start3A_131] : memref<50008x16xf32, #tpu.memory_space<hbm>> -> memref<50008x16xf32, #tpu.memory_space<hbm>>
      tpu.enqueue_indirect_dma source(%dma_start3A_132 : memref<50008x16xf32, #tpu.memory_space<hbm>>) target(%dma_start3A_126 : memref<128x16xf32, #tpu.memory_space<vmem>>) offsets(%dma_start3A_129 : memref<128xi32, #tpu.memory_space<vmem>>) semaphore(%arg14 : memref<!tpu.dma_semaphore, #tpu.memory_space<semaphore_mem>>)
      %dma_start3A_133 = arith.constant 4 : i32
      %dma_start3A_134 = arith.constant 512 : i32
      %dma_start3A_135 = arith.constant 0 : i32
      %dma_start3A_136 = tpu.memref_slice %arg10[%dma_start3A_134, %dma_start3A_135] : memref<1024x16xf32, #tpu.memory_space<vmem>> -> memref<128x16xf32, #tpu.memory_space<vmem>>
      %dma_start3A_137 = arith.constant 0 : i32
      %dma_start3A_138 = tpu.memref_slice %arg8[%dma_start3A_133, %dma_start3A_137] : memref<8x128xi32, #tpu.memory_space<vmem>> -> memref<1x128xi32, #tpu.memory_space<vmem>>
      %dma_start3A_139 = tpu.memref_squeeze %dma_start3A_138 : memref<1x128xi32, #tpu.memory_space<vmem>> -> memref<128xi32, #tpu.memory_space<vmem>>
      %dma_start3A_140 = arith.constant 0 : i32
      %dma_start3A_141 = arith.constant 0 : i32
      %dma_start3A_142 = tpu.memref_slice %arg4[%dma_start3A_140, %dma_start3A_141] : memref<50000x16xf32, #tpu.memory_space<hbm>> -> memref<50000x16xf32, #tpu.memory_space<hbm>>
      tpu.enqueue_indirect_dma source(%dma_start3A_142 : memref<50000x16xf32, #tpu.memory_space<hbm>>) target(%dma_start3A_136 : memref<128x16xf32, #tpu.memory_space<vmem>>) offsets(%dma_start3A_139 : memref<128xi32, #tpu.memory_space<vmem>>) semaphore(%arg14 : memref<!tpu.dma_semaphore, #tpu.memory_space<semaphore_mem>>)
      %dma_start3A_143 = arith.constant 4 : i32
      %dma_start3A_144 = arith.constant 512 : i32
      %dma_start3A_145 = arith.constant 0 : i32
      %dma_start3A_146 = tpu.memref_slice %arg11[%dma_start3A_144, %dma_start3A_145] : memref<1024x16xf32, #tpu.memory_space<vmem>> -> memref<128x16xf32, #tpu.memory_space<vmem>>
      %dma_start3A_147 = arith.constant 0 : i32
      %dma_start3A_148 = tpu.memref_slice %arg9[%dma_start3A_143, %dma_start3A_147] : memref<8x128xi32, #tpu.memory_space<vmem>> -> memref<1x128xi32, #tpu.memory_space<vmem>>
      %dma_start3A_149 = tpu.memref_squeeze %dma_start3A_148 : memref<1x128xi32, #tpu.memory_space<vmem>> -> memref<128xi32, #tpu.memory_space<vmem>>
      %dma_start3A_150 = arith.constant 0 : i32
      %dma_start3A_151 = arith.constant 0 : i32
      %dma_start3A_152 = tpu.memref_slice %arg5[%dma_start3A_150, %dma_start3A_151] : memref<50008x16xf32, #tpu.memory_space<hbm>> -> memref<50008x16xf32, #tpu.memory_space<hbm>>
      tpu.enqueue_indirect_dma source(%dma_start3A_152 : memref<50008x16xf32, #tpu.memory_space<hbm>>) target(%dma_start3A_146 : memref<128x16xf32, #tpu.memory_space<vmem>>) offsets(%dma_start3A_149 : memref<128xi32, #tpu.memory_space<vmem>>) semaphore(%arg14 : memref<!tpu.dma_semaphore, #tpu.memory_space<semaphore_mem>>)
      %dma_start3A_153 = arith.constant 5 : i32
      %dma_start3A_154 = arith.constant 640 : i32
      %dma_start3A_155 = arith.constant 0 : i32
      %dma_start3A_156 = tpu.memref_slice %arg10[%dma_start3A_154, %dma_start3A_155] : memref<1024x16xf32, #tpu.memory_space<vmem>> -> memref<128x16xf32, #tpu.memory_space<vmem>>
      %dma_start3A_157 = arith.constant 0 : i32
      %dma_start3A_158 = tpu.memref_slice %arg8[%dma_start3A_153, %dma_start3A_157] : memref<8x128xi32, #tpu.memory_space<vmem>> -> memref<1x128xi32, #tpu.memory_space<vmem>>
      %dma_start3A_159 = tpu.memref_squeeze %dma_start3A_158 : memref<1x128xi32, #tpu.memory_space<vmem>> -> memref<128xi32, #tpu.memory_space<vmem>>
      %dma_start3A_160 = arith.constant 0 : i32
      %dma_start3A_161 = arith.constant 0 : i32
      %dma_start3A_162 = tpu.memref_slice %arg4[%dma_start3A_160, %dma_start3A_161] : memref<50000x16xf32, #tpu.memory_space<hbm>> -> memref<50000x16xf32, #tpu.memory_space<hbm>>
      tpu.enqueue_indirect_dma source(%dma_start3A_162 : memref<50000x16xf32, #tpu.memory_space<hbm>>) target(%dma_start3A_156 : memref<128x16xf32, #tpu.memory_space<vmem>>) offsets(%dma_start3A_159 : memref<128xi32, #tpu.memory_space<vmem>>) semaphore(%arg14 : memref<!tpu.dma_semaphore, #tpu.memory_space<semaphore_mem>>)
      %dma_start3A_163 = arith.constant 5 : i32
      %dma_start3A_164 = arith.constant 640 : i32
      %dma_start3A_165 = arith.constant 0 : i32
      %dma_start3A_166 = tpu.memref_slice %arg11[%dma_start3A_164, %dma_start3A_165] : memref<1024x16xf32, #tpu.memory_space<vmem>> -> memref<128x16xf32, #tpu.memory_space<vmem>>
      %dma_start3A_167 = arith.constant 0 : i32
      %dma_start3A_168 = tpu.memref_slice %arg9[%dma_start3A_163, %dma_start3A_167] : memref<8x128xi32, #tpu.memory_space<vmem>> -> memref<1x128xi32, #tpu.memory_space<vmem>>
      %dma_start3A_169 = tpu.memref_squeeze %dma_start3A_168 : memref<1x128xi32, #tpu.memory_space<vmem>> -> memref<128xi32, #tpu.memory_space<vmem>>
      %dma_start3A_170 = arith.constant 0 : i32
      %dma_start3A_171 = arith.constant 0 : i32
      %dma_start3A_172 = tpu.memref_slice %arg5[%dma_start3A_170, %dma_start3A_171] : memref<50008x16xf32, #tpu.memory_space<hbm>> -> memref<50008x16xf32, #tpu.memory_space<hbm>>
      tpu.enqueue_indirect_dma source(%dma_start3A_172 : memref<50008x16xf32, #tpu.memory_space<hbm>>) target(%dma_start3A_166 : memref<128x16xf32, #tpu.memory_space<vmem>>) offsets(%dma_start3A_169 : memref<128xi32, #tpu.memory_space<vmem>>) semaphore(%arg14 : memref<!tpu.dma_semaphore, #tpu.memory_space<semaphore_mem>>)
      %dma_start3A_173 = arith.constant 6 : i32
      %dma_start3A_174 = arith.constant 768 : i32
      %dma_start3A_175 = arith.constant 0 : i32
      %dma_start3A_176 = tpu.memref_slice %arg10[%dma_start3A_174, %dma_start3A_175] : memref<1024x16xf32, #tpu.memory_space<vmem>> -> memref<128x16xf32, #tpu.memory_space<vmem>>
      %dma_start3A_177 = arith.constant 0 : i32
      %dma_start3A_178 = tpu.memref_slice %arg8[%dma_start3A_173, %dma_start3A_177] : memref<8x128xi32, #tpu.memory_space<vmem>> -> memref<1x128xi32, #tpu.memory_space<vmem>>
      %dma_start3A_179 = tpu.memref_squeeze %dma_start3A_178 : memref<1x128xi32, #tpu.memory_space<vmem>> -> memref<128xi32, #tpu.memory_space<vmem>>
      %dma_start3A_180 = arith.constant 0 : i32
      %dma_start3A_181 = arith.constant 0 : i32
      %dma_start3A_182 = tpu.memref_slice %arg4[%dma_start3A_180, %dma_start3A_181] : memref<50000x16xf32, #tpu.memory_space<hbm>> -> memref<50000x16xf32, #tpu.memory_space<hbm>>
      tpu.enqueue_indirect_dma source(%dma_start3A_182 : memref<50000x16xf32, #tpu.memory_space<hbm>>) target(%dma_start3A_176 : memref<128x16xf32, #tpu.memory_space<vmem>>) offsets(%dma_start3A_179 : memref<128xi32, #tpu.memory_space<vmem>>) semaphore(%arg14 : memref<!tpu.dma_semaphore, #tpu.memory_space<semaphore_mem>>)
      %dma_start3A_183 = arith.constant 6 : i32
      %dma_start3A_184 = arith.constant 768 : i32
      %dma_start3A_185 = arith.constant 0 : i32
      %dma_start3A_186 = tpu.memref_slice %arg11[%dma_start3A_184, %dma_start3A_185] : memref<1024x16xf32, #tpu.memory_space<vmem>> -> memref<128x16xf32, #tpu.memory_space<vmem>>
      %dma_start3A_187 = arith.constant 0 : i32
      %dma_start3A_188 = tpu.memref_slice %arg9[%dma_start3A_183, %dma_start3A_187] : memref<8x128xi32, #tpu.memory_space<vmem>> -> memref<1x128xi32, #tpu.memory_space<vmem>>
      %dma_start3A_189 = tpu.memref_squeeze %dma_start3A_188 : memref<1x128xi32, #tpu.memory_space<vmem>> -> memref<128xi32, #tpu.memory_space<vmem>>
      %dma_start3A_190 = arith.constant 0 : i32
      %dma_start3A_191 = arith.constant 0 : i32
      %dma_start3A_192 = tpu.memref_slice %arg5[%dma_start3A_190, %dma_start3A_191] : memref<50008x16xf32, #tpu.memory_space<hbm>> -> memref<50008x16xf32, #tpu.memory_space<hbm>>
      tpu.enqueue_indirect_dma source(%dma_start3A_192 : memref<50008x16xf32, #tpu.memory_space<hbm>>) target(%dma_start3A_186 : memref<128x16xf32, #tpu.memory_space<vmem>>) offsets(%dma_start3A_189 : memref<128xi32, #tpu.memory_space<vmem>>) semaphore(%arg14 : memref<!tpu.dma_semaphore, #tpu.memory_space<semaphore_mem>>)
      %dma_start3A_193 = arith.constant 7 : i32
      %dma_start3A_194 = arith.constant 896 : i32
      %dma_start3A_195 = arith.constant 0 : i32
      %dma_start3A_196 = tpu.memref_slice %arg10[%dma_start3A_194, %dma_start3A_195] : memref<1024x16xf32, #tpu.memory_space<vmem>> -> memref<128x16xf32, #tpu.memory_space<vmem>>
      %dma_start3A_197 = arith.constant 0 : i32
      %dma_start3A_198 = tpu.memref_slice %arg8[%dma_start3A_193, %dma_start3A_197] : memref<8x128xi32, #tpu.memory_space<vmem>> -> memref<1x128xi32, #tpu.memory_space<vmem>>
      %dma_start3A_199 = tpu.memref_squeeze %dma_start3A_198 : memref<1x128xi32, #tpu.memory_space<vmem>> -> memref<128xi32, #tpu.memory_space<vmem>>
      %dma_start3A_200 = arith.constant 0 : i32
      %dma_start3A_201 = arith.constant 0 : i32
      %dma_start3A_202 = tpu.memref_slice %arg4[%dma_start3A_200, %dma_start3A_201] : memref<50000x16xf32, #tpu.memory_space<hbm>> -> memref<50000x16xf32, #tpu.memory_space<hbm>>
      tpu.enqueue_indirect_dma source(%dma_start3A_202 : memref<50000x16xf32, #tpu.memory_space<hbm>>) target(%dma_start3A_196 : memref<128x16xf32, #tpu.memory_space<vmem>>) offsets(%dma_start3A_199 : memref<128xi32, #tpu.memory_space<vmem>>) semaphore(%arg14 : memref<!tpu.dma_semaphore, #tpu.memory_space<semaphore_mem>>)
      %dma_start3A_203 = arith.constant 7 : i32
      %dma_start3A_204 = arith.constant 896 : i32
      %dma_start3A_205 = arith.constant 0 : i32
      %dma_start3A_206 = tpu.memref_slice %arg11[%dma_start3A_204, %dma_start3A_205] : memref<1024x16xf32, #tpu.memory_space<vmem>> -> memref<128x16xf32, #tpu.memory_space<vmem>>
      %dma_start3A_207 = arith.constant 0 : i32
      %dma_start3A_208 = tpu.memref_slice %arg9[%dma_start3A_203, %dma_start3A_207] : memref<8x128xi32, #tpu.memory_space<vmem>> -> memref<1x128xi32, #tpu.memory_space<vmem>>
      %dma_start3A_209 = tpu.memref_squeeze %dma_start3A_208 : memref<1x128xi32, #tpu.memory_space<vmem>> -> memref<128xi32, #tpu.memory_space<vmem>>
      %dma_start3A_210 = arith.constant 0 : i32
      %dma_start3A_211 = arith.constant 0 : i32
      %dma_start3A_212 = tpu.memref_slice %arg5[%dma_start3A_210, %dma_start3A_211] : memref<50008x16xf32, #tpu.memory_space<hbm>> -> memref<50008x16xf32, #tpu.memory_space<hbm>>
      tpu.enqueue_indirect_dma source(%dma_start3A_212 : memref<50008x16xf32, #tpu.memory_space<hbm>>) target(%dma_start3A_206 : memref<128x16xf32, #tpu.memory_space<vmem>>) offsets(%dma_start3A_209 : memref<128xi32, #tpu.memory_space<vmem>>) semaphore(%arg14 : memref<!tpu.dma_semaphore, #tpu.memory_space<semaphore_mem>>)
      %dma_wait3A = arith.constant 0 : i32
      %dma_wait3A_213 = arith.constant 0 : i32
      %dma_wait3A_214 = arith.constant 0 : i32
      %dma_wait3A_215 = tpu.memref_slice %arg10[%dma_wait3A_213, %dma_wait3A_214] : memref<1024x16xf32, #tpu.memory_space<vmem>> -> memref<128x16xf32, #tpu.memory_space<vmem>>
      %dma_wait3A_216 = arith.constant 0 : i32
      %dma_wait3A_217 = tpu.memref_slice %arg8[%dma_wait3A, %dma_wait3A_216] : memref<8x128xi32, #tpu.memory_space<vmem>> -> memref<1x128xi32, #tpu.memory_space<vmem>>
      %dma_wait3A_218 = tpu.memref_squeeze %dma_wait3A_217 : memref<1x128xi32, #tpu.memory_space<vmem>> -> memref<128xi32, #tpu.memory_space<vmem>>
      %dma_wait3A_219 = arith.constant 0 : i32
      %dma_wait3A_220 = arith.constant 0 : i32
      %dma_wait3A_221 = tpu.memref_slice %arg4[%dma_wait3A_219, %dma_wait3A_220] : memref<50000x16xf32, #tpu.memory_space<hbm>> -> memref<50000x16xf32, #tpu.memory_space<hbm>>
      tpu.wait_indirect_dma semaphore(%arg14 : memref<!tpu.dma_semaphore, #tpu.memory_space<semaphore_mem>>) src(%dma_wait3A_221 : memref<50000x16xf32, #tpu.memory_space<hbm>>) dst(%dma_wait3A_215 : memref<128x16xf32, #tpu.memory_space<vmem>>)
      %dma_wait3A_222 = arith.constant 0 : i32
      %dma_wait3A_223 = arith.constant 0 : i32
      %dma_wait3A_224 = arith.constant 0 : i32
      %dma_wait3A_225 = tpu.memref_slice %arg11[%dma_wait3A_223, %dma_wait3A_224] : memref<1024x16xf32, #tpu.memory_space<vmem>> -> memref<128x16xf32, #tpu.memory_space<vmem>>
      %dma_wait3A_226 = arith.constant 0 : i32
      %dma_wait3A_227 = tpu.memref_slice %arg9[%dma_wait3A_222, %dma_wait3A_226] : memref<8x128xi32, #tpu.memory_space<vmem>> -> memref<1x128xi32, #tpu.memory_space<vmem>>
      %dma_wait3A_228 = tpu.memref_squeeze %dma_wait3A_227 : memref<1x128xi32, #tpu.memory_space<vmem>> -> memref<128xi32, #tpu.memory_space<vmem>>
      %dma_wait3A_229 = arith.constant 0 : i32
      %dma_wait3A_230 = arith.constant 0 : i32
      %dma_wait3A_231 = tpu.memref_slice %arg5[%dma_wait3A_229, %dma_wait3A_230] : memref<50008x16xf32, #tpu.memory_space<hbm>> -> memref<50008x16xf32, #tpu.memory_space<hbm>>
      tpu.wait_indirect_dma semaphore(%arg14 : memref<!tpu.dma_semaphore, #tpu.memory_space<semaphore_mem>>) src(%dma_wait3A_231 : memref<50008x16xf32, #tpu.memory_space<hbm>>) dst(%dma_wait3A_225 : memref<128x16xf32, #tpu.memory_space<vmem>>)
      %dma_wait3A_232 = arith.constant 1 : i32
      %dma_wait3A_233 = arith.constant 128 : i32
      %dma_wait3A_234 = arith.constant 0 : i32
      %dma_wait3A_235 = tpu.memref_slice %arg10[%dma_wait3A_233, %dma_wait3A_234] : memref<1024x16xf32, #tpu.memory_space<vmem>> -> memref<128x16xf32, #tpu.memory_space<vmem>>
      %dma_wait3A_236 = arith.constant 0 : i32
      %dma_wait3A_237 = tpu.memref_slice %arg8[%dma_wait3A_232, %dma_wait3A_236] : memref<8x128xi32, #tpu.memory_space<vmem>> -> memref<1x128xi32, #tpu.memory_space<vmem>>
      %dma_wait3A_238 = tpu.memref_squeeze %dma_wait3A_237 : memref<1x128xi32, #tpu.memory_space<vmem>> -> memref<128xi32, #tpu.memory_space<vmem>>
      %dma_wait3A_239 = arith.constant 0 : i32
      %dma_wait3A_240 = arith.constant 0 : i32
      %dma_wait3A_241 = tpu.memref_slice %arg4[%dma_wait3A_239, %dma_wait3A_240] : memref<50000x16xf32, #tpu.memory_space<hbm>> -> memref<50000x16xf32, #tpu.memory_space<hbm>>
      tpu.wait_indirect_dma semaphore(%arg14 : memref<!tpu.dma_semaphore, #tpu.memory_space<semaphore_mem>>) src(%dma_wait3A_241 : memref<50000x16xf32, #tpu.memory_space<hbm>>) dst(%dma_wait3A_235 : memref<128x16xf32, #tpu.memory_space<vmem>>)
      %dma_wait3A_242 = arith.constant 1 : i32
      %dma_wait3A_243 = arith.constant 128 : i32
      %dma_wait3A_244 = arith.constant 0 : i32
      %dma_wait3A_245 = tpu.memref_slice %arg11[%dma_wait3A_243, %dma_wait3A_244] : memref<1024x16xf32, #tpu.memory_space<vmem>> -> memref<128x16xf32, #tpu.memory_space<vmem>>
      %dma_wait3A_246 = arith.constant 0 : i32
      %dma_wait3A_247 = tpu.memref_slice %arg9[%dma_wait3A_242, %dma_wait3A_246] : memref<8x128xi32, #tpu.memory_space<vmem>> -> memref<1x128xi32, #tpu.memory_space<vmem>>
      %dma_wait3A_248 = tpu.memref_squeeze %dma_wait3A_247 : memref<1x128xi32, #tpu.memory_space<vmem>> -> memref<128xi32, #tpu.memory_space<vmem>>
      %dma_wait3A_249 = arith.constant 0 : i32
      %dma_wait3A_250 = arith.constant 0 : i32
      %dma_wait3A_251 = tpu.memref_slice %arg5[%dma_wait3A_249, %dma_wait3A_250] : memref<50008x16xf32, #tpu.memory_space<hbm>> -> memref<50008x16xf32, #tpu.memory_space<hbm>>
      tpu.wait_indirect_dma semaphore(%arg14 : memref<!tpu.dma_semaphore, #tpu.memory_space<semaphore_mem>>) src(%dma_wait3A_251 : memref<50008x16xf32, #tpu.memory_space<hbm>>) dst(%dma_wait3A_245 : memref<128x16xf32, #tpu.memory_space<vmem>>)
      %dma_wait3A_252 = arith.constant 2 : i32
      %dma_wait3A_253 = arith.constant 256 : i32
      %dma_wait3A_254 = arith.constant 0 : i32
      %dma_wait3A_255 = tpu.memref_slice %arg10[%dma_wait3A_253, %dma_wait3A_254] : memref<1024x16xf32, #tpu.memory_space<vmem>> -> memref<128x16xf32, #tpu.memory_space<vmem>>
      %dma_wait3A_256 = arith.constant 0 : i32
      %dma_wait3A_257 = tpu.memref_slice %arg8[%dma_wait3A_252, %dma_wait3A_256] : memref<8x128xi32, #tpu.memory_space<vmem>> -> memref<1x128xi32, #tpu.memory_space<vmem>>
      %dma_wait3A_258 = tpu.memref_squeeze %dma_wait3A_257 : memref<1x128xi32, #tpu.memory_space<vmem>> -> memref<128xi32, #tpu.memory_space<vmem>>
      %dma_wait3A_259 = arith.constant 0 : i32
      %dma_wait3A_260 = arith.constant 0 : i32
      %dma_wait3A_261 = tpu.memref_slice %arg4[%dma_wait3A_259, %dma_wait3A_260] : memref<50000x16xf32, #tpu.memory_space<hbm>> -> memref<50000x16xf32, #tpu.memory_space<hbm>>
      tpu.wait_indirect_dma semaphore(%arg14 : memref<!tpu.dma_semaphore, #tpu.memory_space<semaphore_mem>>) src(%dma_wait3A_261 : memref<50000x16xf32, #tpu.memory_space<hbm>>) dst(%dma_wait3A_255 : memref<128x16xf32, #tpu.memory_space<vmem>>)
      %dma_wait3A_262 = arith.constant 2 : i32
      %dma_wait3A_263 = arith.constant 256 : i32
      %dma_wait3A_264 = arith.constant 0 : i32
      %dma_wait3A_265 = tpu.memref_slice %arg11[%dma_wait3A_263, %dma_wait3A_264] : memref<1024x16xf32, #tpu.memory_space<vmem>> -> memref<128x16xf32, #tpu.memory_space<vmem>>
      %dma_wait3A_266 = arith.constant 0 : i32
      %dma_wait3A_267 = tpu.memref_slice %arg9[%dma_wait3A_262, %dma_wait3A_266] : memref<8x128xi32, #tpu.memory_space<vmem>> -> memref<1x128xi32, #tpu.memory_space<vmem>>
      %dma_wait3A_268 = tpu.memref_squeeze %dma_wait3A_267 : memref<1x128xi32, #tpu.memory_space<vmem>> -> memref<128xi32, #tpu.memory_space<vmem>>
      %dma_wait3A_269 = arith.constant 0 : i32
      %dma_wait3A_270 = arith.constant 0 : i32
      %dma_wait3A_271 = tpu.memref_slice %arg5[%dma_wait3A_269, %dma_wait3A_270] : memref<50008x16xf32, #tpu.memory_space<hbm>> -> memref<50008x16xf32, #tpu.memory_space<hbm>>
      tpu.wait_indirect_dma semaphore(%arg14 : memref<!tpu.dma_semaphore, #tpu.memory_space<semaphore_mem>>) src(%dma_wait3A_271 : memref<50008x16xf32, #tpu.memory_space<hbm>>) dst(%dma_wait3A_265 : memref<128x16xf32, #tpu.memory_space<vmem>>)
      %dma_wait3A_272 = arith.constant 3 : i32
      %dma_wait3A_273 = arith.constant 384 : i32
      %dma_wait3A_274 = arith.constant 0 : i32
      %dma_wait3A_275 = tpu.memref_slice %arg10[%dma_wait3A_273, %dma_wait3A_274] : memref<1024x16xf32, #tpu.memory_space<vmem>> -> memref<128x16xf32, #tpu.memory_space<vmem>>
      %dma_wait3A_276 = arith.constant 0 : i32
      %dma_wait3A_277 = tpu.memref_slice %arg8[%dma_wait3A_272, %dma_wait3A_276] : memref<8x128xi32, #tpu.memory_space<vmem>> -> memref<1x128xi32, #tpu.memory_space<vmem>>
      %dma_wait3A_278 = tpu.memref_squeeze %dma_wait3A_277 : memref<1x128xi32, #tpu.memory_space<vmem>> -> memref<128xi32, #tpu.memory_space<vmem>>
      %dma_wait3A_279 = arith.constant 0 : i32
      %dma_wait3A_280 = arith.constant 0 : i32
      %dma_wait3A_281 = tpu.memref_slice %arg4[%dma_wait3A_279, %dma_wait3A_280] : memref<50000x16xf32, #tpu.memory_space<hbm>> -> memref<50000x16xf32, #tpu.memory_space<hbm>>
      tpu.wait_indirect_dma semaphore(%arg14 : memref<!tpu.dma_semaphore, #tpu.memory_space<semaphore_mem>>) src(%dma_wait3A_281 : memref<50000x16xf32, #tpu.memory_space<hbm>>) dst(%dma_wait3A_275 : memref<128x16xf32, #tpu.memory_space<vmem>>)
      %dma_wait3A_282 = arith.constant 3 : i32
      %dma_wait3A_283 = arith.constant 384 : i32
      %dma_wait3A_284 = arith.constant 0 : i32
      %dma_wait3A_285 = tpu.memref_slice %arg11[%dma_wait3A_283, %dma_wait3A_284] : memref<1024x16xf32, #tpu.memory_space<vmem>> -> memref<128x16xf32, #tpu.memory_space<vmem>>
      %dma_wait3A_286 = arith.constant 0 : i32
      %dma_wait3A_287 = tpu.memref_slice %arg9[%dma_wait3A_282, %dma_wait3A_286] : memref<8x128xi32, #tpu.memory_space<vmem>> -> memref<1x128xi32, #tpu.memory_space<vmem>>
      %dma_wait3A_288 = tpu.memref_squeeze %dma_wait3A_287 : memref<1x128xi32, #tpu.memory_space<vmem>> -> memref<128xi32, #tpu.memory_space<vmem>>
      %dma_wait3A_289 = arith.constant 0 : i32
      %dma_wait3A_290 = arith.constant 0 : i32
      %dma_wait3A_291 = tpu.memref_slice %arg5[%dma_wait3A_289, %dma_wait3A_290] : memref<50008x16xf32, #tpu.memory_space<hbm>> -> memref<50008x16xf32, #tpu.memory_space<hbm>>
      tpu.wait_indirect_dma semaphore(%arg14 : memref<!tpu.dma_semaphore, #tpu.memory_space<semaphore_mem>>) src(%dma_wait3A_291 : memref<50008x16xf32, #tpu.memory_space<hbm>>) dst(%dma_wait3A_285 : memref<128x16xf32, #tpu.memory_space<vmem>>)
      %dma_wait3A_292 = arith.constant 4 : i32
      %dma_wait3A_293 = arith.constant 512 : i32
      %dma_wait3A_294 = arith.constant 0 : i32
      %dma_wait3A_295 = tpu.memref_slice %arg10[%dma_wait3A_293, %dma_wait3A_294] : memref<1024x16xf32, #tpu.memory_space<vmem>> -> memref<128x16xf32, #tpu.memory_space<vmem>>
      %dma_wait3A_296 = arith.constant 0 : i32
      %dma_wait3A_297 = tpu.memref_slice %arg8[%dma_wait3A_292, %dma_wait3A_296] : memref<8x128xi32, #tpu.memory_space<vmem>> -> memref<1x128xi32, #tpu.memory_space<vmem>>
      %dma_wait3A_298 = tpu.memref_squeeze %dma_wait3A_297 : memref<1x128xi32, #tpu.memory_space<vmem>> -> memref<128xi32, #tpu.memory_space<vmem>>
      %dma_wait3A_299 = arith.constant 0 : i32
      %dma_wait3A_300 = arith.constant 0 : i32
      %dma_wait3A_301 = tpu.memref_slice %arg4[%dma_wait3A_299, %dma_wait3A_300] : memref<50000x16xf32, #tpu.memory_space<hbm>> -> memref<50000x16xf32, #tpu.memory_space<hbm>>
      tpu.wait_indirect_dma semaphore(%arg14 : memref<!tpu.dma_semaphore, #tpu.memory_space<semaphore_mem>>) src(%dma_wait3A_301 : memref<50000x16xf32, #tpu.memory_space<hbm>>) dst(%dma_wait3A_295 : memref<128x16xf32, #tpu.memory_space<vmem>>)
      %dma_wait3A_302 = arith.constant 4 : i32
      %dma_wait3A_303 = arith.constant 512 : i32
      %dma_wait3A_304 = arith.constant 0 : i32
      %dma_wait3A_305 = tpu.memref_slice %arg11[%dma_wait3A_303, %dma_wait3A_304] : memref<1024x16xf32, #tpu.memory_space<vmem>> -> memref<128x16xf32, #tpu.memory_space<vmem>>
      %dma_wait3A_306 = arith.constant 0 : i32
      %dma_wait3A_307 = tpu.memref_slice %arg9[%dma_wait3A_302, %dma_wait3A_306] : memref<8x128xi32, #tpu.memory_space<vmem>> -> memref<1x128xi32, #tpu.memory_space<vmem>>
      %dma_wait3A_308 = tpu.memref_squeeze %dma_wait3A_307 : memref<1x128xi32, #tpu.memory_space<vmem>> -> memref<128xi32, #tpu.memory_space<vmem>>
      %dma_wait3A_309 = arith.constant 0 : i32
      %dma_wait3A_310 = arith.constant 0 : i32
      %dma_wait3A_311 = tpu.memref_slice %arg5[%dma_wait3A_309, %dma_wait3A_310] : memref<50008x16xf32, #tpu.memory_space<hbm>> -> memref<50008x16xf32, #tpu.memory_space<hbm>>
      tpu.wait_indirect_dma semaphore(%arg14 : memref<!tpu.dma_semaphore, #tpu.memory_space<semaphore_mem>>) src(%dma_wait3A_311 : memref<50008x16xf32, #tpu.memory_space<hbm>>) dst(%dma_wait3A_305 : memref<128x16xf32, #tpu.memory_space<vmem>>)
      %dma_wait3A_312 = arith.constant 5 : i32
      %dma_wait3A_313 = arith.constant 640 : i32
      %dma_wait3A_314 = arith.constant 0 : i32
      %dma_wait3A_315 = tpu.memref_slice %arg10[%dma_wait3A_313, %dma_wait3A_314] : memref<1024x16xf32, #tpu.memory_space<vmem>> -> memref<128x16xf32, #tpu.memory_space<vmem>>
      %dma_wait3A_316 = arith.constant 0 : i32
      %dma_wait3A_317 = tpu.memref_slice %arg8[%dma_wait3A_312, %dma_wait3A_316] : memref<8x128xi32, #tpu.memory_space<vmem>> -> memref<1x128xi32, #tpu.memory_space<vmem>>
      %dma_wait3A_318 = tpu.memref_squeeze %dma_wait3A_317 : memref<1x128xi32, #tpu.memory_space<vmem>> -> memref<128xi32, #tpu.memory_space<vmem>>
      %dma_wait3A_319 = arith.constant 0 : i32
      %dma_wait3A_320 = arith.constant 0 : i32
      %dma_wait3A_321 = tpu.memref_slice %arg4[%dma_wait3A_319, %dma_wait3A_320] : memref<50000x16xf32, #tpu.memory_space<hbm>> -> memref<50000x16xf32, #tpu.memory_space<hbm>>
      tpu.wait_indirect_dma semaphore(%arg14 : memref<!tpu.dma_semaphore, #tpu.memory_space<semaphore_mem>>) src(%dma_wait3A_321 : memref<50000x16xf32, #tpu.memory_space<hbm>>) dst(%dma_wait3A_315 : memref<128x16xf32, #tpu.memory_space<vmem>>)
      %dma_wait3A_322 = arith.constant 5 : i32
      %dma_wait3A_323 = arith.constant 640 : i32
      %dma_wait3A_324 = arith.constant 0 : i32
      %dma_wait3A_325 = tpu.memref_slice %arg11[%dma_wait3A_323, %dma_wait3A_324] : memref<1024x16xf32, #tpu.memory_space<vmem>> -> memref<128x16xf32, #tpu.memory_space<vmem>>
      %dma_wait3A_326 = arith.constant 0 : i32
      %dma_wait3A_327 = tpu.memref_slice %arg9[%dma_wait3A_322, %dma_wait3A_326] : memref<8x128xi32, #tpu.memory_space<vmem>> -> memref<1x128xi32, #tpu.memory_space<vmem>>
      %dma_wait3A_328 = tpu.memref_squeeze %dma_wait3A_327 : memref<1x128xi32, #tpu.memory_space<vmem>> -> memref<128xi32, #tpu.memory_space<vmem>>
      %dma_wait3A_329 = arith.constant 0 : i32
      %dma_wait3A_330 = arith.constant 0 : i32
      %dma_wait3A_331 = tpu.memref_slice %arg5[%dma_wait3A_329, %dma_wait3A_330] : memref<50008x16xf32, #tpu.memory_space<hbm>> -> memref<50008x16xf32, #tpu.memory_space<hbm>>
      tpu.wait_indirect_dma semaphore(%arg14 : memref<!tpu.dma_semaphore, #tpu.memory_space<semaphore_mem>>) src(%dma_wait3A_331 : memref<50008x16xf32, #tpu.memory_space<hbm>>) dst(%dma_wait3A_325 : memref<128x16xf32, #tpu.memory_space<vmem>>)
      %dma_wait3A_332 = arith.constant 6 : i32
      %dma_wait3A_333 = arith.constant 768 : i32
      %dma_wait3A_334 = arith.constant 0 : i32
      %dma_wait3A_335 = tpu.memref_slice %arg10[%dma_wait3A_333, %dma_wait3A_334] : memref<1024x16xf32, #tpu.memory_space<vmem>> -> memref<128x16xf32, #tpu.memory_space<vmem>>
      %dma_wait3A_336 = arith.constant 0 : i32
      %dma_wait3A_337 = tpu.memref_slice %arg8[%dma_wait3A_332, %dma_wait3A_336] : memref<8x128xi32, #tpu.memory_space<vmem>> -> memref<1x128xi32, #tpu.memory_space<vmem>>
      %dma_wait3A_338 = tpu.memref_squeeze %dma_wait3A_337 : memref<1x128xi32, #tpu.memory_space<vmem>> -> memref<128xi32, #tpu.memory_space<vmem>>
      %dma_wait3A_339 = arith.constant 0 : i32
      %dma_wait3A_340 = arith.constant 0 : i32
      %dma_wait3A_341 = tpu.memref_slice %arg4[%dma_wait3A_339, %dma_wait3A_340] : memref<50000x16xf32, #tpu.memory_space<hbm>> -> memref<50000x16xf32, #tpu.memory_space<hbm>>
      tpu.wait_indirect_dma semaphore(%arg14 : memref<!tpu.dma_semaphore, #tpu.memory_space<semaphore_mem>>) src(%dma_wait3A_341 : memref<50000x16xf32, #tpu.memory_space<hbm>>) dst(%dma_wait3A_335 : memref<128x16xf32, #tpu.memory_space<vmem>>)
      %dma_wait3A_342 = arith.constant 6 : i32
      %dma_wait3A_343 = arith.constant 768 : i32
      %dma_wait3A_344 = arith.constant 0 : i32
      %dma_wait3A_345 = tpu.memref_slice %arg11[%dma_wait3A_343, %dma_wait3A_344] : memref<1024x16xf32, #tpu.memory_space<vmem>> -> memref<128x16xf32, #tpu.memory_space<vmem>>
      %dma_wait3A_346 = arith.constant 0 : i32
      %dma_wait3A_347 = tpu.memref_slice %arg9[%dma_wait3A_342, %dma_wait3A_346] : memref<8x128xi32, #tpu.memory_space<vmem>> -> memref<1x128xi32, #tpu.memory_space<vmem>>
      %dma_wait3A_348 = tpu.memref_squeeze %dma_wait3A_347 : memref<1x128xi32, #tpu.memory_space<vmem>> -> memref<128xi32, #tpu.memory_space<vmem>>
      %dma_wait3A_349 = arith.constant 0 : i32
      %dma_wait3A_350 = arith.constant 0 : i32
      %dma_wait3A_351 = tpu.memref_slice %arg5[%dma_wait3A_349, %dma_wait3A_350] : memref<50008x16xf32, #tpu.memory_space<hbm>> -> memref<50008x16xf32, #tpu.memory_space<hbm>>
      tpu.wait_indirect_dma semaphore(%arg14 : memref<!tpu.dma_semaphore, #tpu.memory_space<semaphore_mem>>) src(%dma_wait3A_351 : memref<50008x16xf32, #tpu.memory_space<hbm>>) dst(%dma_wait3A_345 : memref<128x16xf32, #tpu.memory_space<vmem>>)
      %dma_wait3A_352 = arith.constant 7 : i32
      %dma_wait3A_353 = arith.constant 896 : i32
      %dma_wait3A_354 = arith.constant 0 : i32
      %dma_wait3A_355 = tpu.memref_slice %arg10[%dma_wait3A_353, %dma_wait3A_354] : memref<1024x16xf32, #tpu.memory_space<vmem>> -> memref<128x16xf32, #tpu.memory_space<vmem>>
      %dma_wait3A_356 = arith.constant 0 : i32
      %dma_wait3A_357 = tpu.memref_slice %arg8[%dma_wait3A_352, %dma_wait3A_356] : memref<8x128xi32, #tpu.memory_space<vmem>> -> memref<1x128xi32, #tpu.memory_space<vmem>>
      %dma_wait3A_358 = tpu.memref_squeeze %dma_wait3A_357 : memref<1x128xi32, #tpu.memory_space<vmem>> -> memref<128xi32, #tpu.memory_space<vmem>>
      %dma_wait3A_359 = arith.constant 0 : i32
      %dma_wait3A_360 = arith.constant 0 : i32
      %dma_wait3A_361 = tpu.memref_slice %arg4[%dma_wait3A_359, %dma_wait3A_360] : memref<50000x16xf32, #tpu.memory_space<hbm>> -> memref<50000x16xf32, #tpu.memory_space<hbm>>
      tpu.wait_indirect_dma semaphore(%arg14 : memref<!tpu.dma_semaphore, #tpu.memory_space<semaphore_mem>>) src(%dma_wait3A_361 : memref<50000x16xf32, #tpu.memory_space<hbm>>) dst(%dma_wait3A_355 : memref<128x16xf32, #tpu.memory_space<vmem>>)
      %dma_wait3A_362 = arith.constant 7 : i32
      %dma_wait3A_363 = arith.constant 896 : i32
      %dma_wait3A_364 = arith.constant 0 : i32
      %dma_wait3A_365 = tpu.memref_slice %arg11[%dma_wait3A_363, %dma_wait3A_364] : memref<1024x16xf32, #tpu.memory_space<vmem>> -> memref<128x16xf32, #tpu.memory_space<vmem>>
      %dma_wait3A_366 = arith.constant 0 : i32
      %dma_wait3A_367 = tpu.memref_slice %arg9[%dma_wait3A_362, %dma_wait3A_366] : memref<8x128xi32, #tpu.memory_space<vmem>> -> memref<1x128xi32, #tpu.memory_space<vmem>>
      %dma_wait3A_368 = tpu.memref_squeeze %dma_wait3A_367 : memref<1x128xi32, #tpu.memory_space<vmem>> -> memref<128xi32, #tpu.memory_space<vmem>>
      %dma_wait3A_369 = arith.constant 0 : i32
      %dma_wait3A_370 = arith.constant 0 : i32
      %dma_wait3A_371 = tpu.memref_slice %arg5[%dma_wait3A_369, %dma_wait3A_370] : memref<50008x16xf32, #tpu.memory_space<hbm>> -> memref<50008x16xf32, #tpu.memory_space<hbm>>
      tpu.wait_indirect_dma semaphore(%arg14 : memref<!tpu.dma_semaphore, #tpu.memory_space<semaphore_mem>>) src(%dma_wait3A_371 : memref<50008x16xf32, #tpu.memory_space<hbm>>) dst(%dma_wait3A_365 : memref<128x16xf32, #tpu.memory_space<vmem>>)
      %scan3A_372 = arith.constant 0 : i32
      %scan3A_373 = arith.constant 0 : i32
      %scan3A_374 = arith.constant 64 : i32
      %scan3A_375 = arith.addi %scan3A_373, %scan3A_374 : i32
      %scan3A_376 = arith.constant 1 : i32
      scf.for %scan3A_385 = %scan3A_373 to %scan3A_375 step %scan3A_376  : i32 {
        %mul3A_386 = arith.constant 16 : i32
        %mul3A_387 = arith.muli %scan3A_385, %mul3A_386 : i32
        %add3A_388 = vector.broadcast %mul3A_387 : i32 to vector<16xi32>
        %add3A_389 = arith.addi %add3A_388, %iota3A : vector<16xi32>
        %gather3A = tpu.vector_load_idx %arg10[%add3A_389, %broadcast_in_dim3A_3] : memref<1024x16xf32, #tpu.memory_space<vmem>>[vector<16xi32>, vector<16xi32>], vector<16xf32>,
        %gather3A_390 = tpu.vector_load_idx %arg10[%add3A_389, %broadcast_in_dim3A_5] : memref<1024x16xf32, #tpu.memory_space<vmem>>[vector<16xi32>, vector<16xi32>], vector<16xf32>,
        %gather3A_391 = tpu.vector_load_idx %arg10[%add3A_389, %broadcast_in_dim3A_7] : memref<1024x16xf32, #tpu.memory_space<vmem>>[vector<16xi32>, vector<16xi32>], vector<16xf32>,
        %gather3A_392 = tpu.vector_load_idx %arg10[%add3A_389, %broadcast_in_dim3A_9] : memref<1024x16xf32, #tpu.memory_space<vmem>>[vector<16xi32>, vector<16xi32>], vector<16xf32>,
        %gather3A_393 = tpu.vector_load_idx %arg11[%add3A_389, %broadcast_in_dim3A_3] : memref<1024x16xf32, #tpu.memory_space<vmem>>[vector<16xi32>, vector<16xi32>], vector<16xf32>,
        %gather3A_394 = tpu.vector_load_idx %arg11[%add3A_389, %broadcast_in_dim3A_5] : memref<1024x16xf32, #tpu.memory_space<vmem>>[vector<16xi32>, vector<16xi32>], vector<16xf32>,
        %gather3A_395 = tpu.vector_load_idx %arg11[%add3A_389, %broadcast_in_dim3A_7] : memref<1024x16xf32, #tpu.memory_space<vmem>>[vector<16xi32>, vector<16xi32>], vector<16xf32>,
        %gather3A_396 = tpu.vector_load_idx %arg11[%add3A_389, %broadcast_in_dim3A_9] : memref<1024x16xf32, #tpu.memory_space<vmem>>[vector<16xi32>, vector<16xi32>], vector<16xf32>,
        %add3A_397 = arith.addf %gather3A_390, %gather3A_393 : vector<16xf32>
        %ge3A = arith.constant 0.000000e+00 : f32
        %ge3A_398 = vector.broadcast %ge3A : f32 to vector<16xf32>
        %ge3A_399 = arith.cmpf oge, %add3A_397, %ge3A_398 : vector<16xf32>
        %mul3A_400 = arith.constant 2.000000e-01 : f32
        %mul3A_401 = vector.broadcast %mul3A_400 : f32 to vector<16xf32>
        %mul3A_402 = arith.mulf %mul3A_401, %add3A_397 : vector<16xf32>
        %select_n3A = arith.select %ge3A_399, %add3A_397, %mul3A_402 : vector<16xi1>, vector<16xf32>
        %sub3A = arith.subf %select_n3A, %gather3A_394 : vector<16xf32>
        %exp3A = math.exp %sub3A : vector<16xf32>
        %add3A_403 = arith.addf %gather3A_392, %gather3A_395 : vector<16xf32>
        %ge3A_404 = arith.constant 0.000000e+00 : f32
        %ge3A_405 = vector.broadcast %ge3A_404 : f32 to vector<16xf32>
        %ge3A_406 = arith.cmpf oge, %add3A_403, %ge3A_405 : vector<16xf32>
        %mul3A_407 = arith.constant 2.000000e-01 : f32
        %mul3A_408 = vector.broadcast %mul3A_407 : f32 to vector<16xf32>
        %mul3A_409 = arith.mulf %mul3A_408, %add3A_403 : vector<16xf32>
        %select_n3A_410 = arith.select %ge3A_406, %add3A_403, %mul3A_409 : vector<16xi1>, vector<16xf32>
        %sub3A_411 = arith.subf %select_n3A_410, %gather3A_396 : vector<16xf32>
        %exp3A_412 = math.exp %sub3A_411 : vector<16xf32>
        tpu.vector_store_idx %arg12[%add3A_389, %broadcast_in_dim3A_3], %exp3A : memref<1024x16xf32, #tpu.memory_space<vmem>>[vector<16xi32>, vector<16xi32>], vector<16xf32>,
        %mul3A_413 = arith.mulf %exp3A, %gather3A : vector<16xf32>
        tpu.vector_store_idx %arg12[%add3A_389, %broadcast_in_dim3A_5], %mul3A_413 : memref<1024x16xf32, #tpu.memory_space<vmem>>[vector<16xi32>, vector<16xi32>], vector<16xf32>,
        tpu.vector_store_idx %arg12[%add3A_389, %broadcast_in_dim3A_7], %exp3A_412 : memref<1024x16xf32, #tpu.memory_space<vmem>>[vector<16xi32>, vector<16xi32>], vector<16xf32>,
        %mul3A_414 = arith.mulf %exp3A_412, %gather3A_391 : vector<16xf32>
        tpu.vector_store_idx %arg12[%add3A_389, %broadcast_in_dim3A_9], %mul3A_414 : memref<1024x16xf32, #tpu.memory_space<vmem>>[vector<16xi32>, vector<16xi32>], vector<16xf32>,
        %gather3A_415 = tpu.vector_load_idx %arg10[%add3A_389, %broadcast_in_dim3A_11] : memref<1024x16xf32, #tpu.memory_space<vmem>>[vector<16xi32>, vector<16xi32>], vector<16xf32>,
        tpu.vector_store_idx %arg12[%add3A_389, %broadcast_in_dim3A_11], %gather3A_415 : memref<1024x16xf32, #tpu.memory_space<vmem>>[vector<16xi32>, vector<16xi32>], vector<16xf32>,
        %gather3A_416 = tpu.vector_load_idx %arg10[%add3A_389, %broadcast_in_dim3A_13] : memref<1024x16xf32, #tpu.memory_space<vmem>>[vector<16xi32>, vector<16xi32>], vector<16xf32>,
        tpu.vector_store_idx %arg12[%add3A_389, %broadcast_in_dim3A_13], %gather3A_416 : memref<1024x16xf32, #tpu.memory_space<vmem>>[vector<16xi32>, vector<16xi32>], vector<16xf32>,
        %gather3A_417 = tpu.vector_load_idx %arg10[%add3A_389, %broadcast_in_dim3A_15] : memref<1024x16xf32, #tpu.memory_space<vmem>>[vector<16xi32>, vector<16xi32>], vector<16xf32>,
        tpu.vector_store_idx %arg12[%add3A_389, %broadcast_in_dim3A_15], %gather3A_417 : memref<1024x16xf32, #tpu.memory_space<vmem>>[vector<16xi32>, vector<16xi32>], vector<16xf32>,
        %gather3A_418 = tpu.vector_load_idx %arg10[%add3A_389, %broadcast_in_dim3A_17] : memref<1024x16xf32, #tpu.memory_space<vmem>>[vector<16xi32>, vector<16xi32>], vector<16xf32>,
        tpu.vector_store_idx %arg12[%add3A_389, %broadcast_in_dim3A_17], %gather3A_418 : memref<1024x16xf32, #tpu.memory_space<vmem>>[vector<16xi32>, vector<16xi32>], vector<16xf32>,
        %gather3A_419 = tpu.vector_load_idx %arg10[%add3A_389, %broadcast_in_dim3A_19] : memref<1024x16xf32, #tpu.memory_space<vmem>>[vector<16xi32>, vector<16xi32>], vector<16xf32>,
        tpu.vector_store_idx %arg12[%add3A_389, %broadcast_in_dim3A_19], %gather3A_419 : memref<1024x16xf32, #tpu.memory_space<vmem>>[vector<16xi32>, vector<16xi32>], vector<16xf32>,
        %gather3A_420 = tpu.vector_load_idx %arg10[%add3A_389, %broadcast_in_dim3A_21] : memref<1024x16xf32, #tpu.memory_space<vmem>>[vector<16xi32>, vector<16xi32>], vector<16xf32>,
        tpu.vector_store_idx %arg12[%add3A_389, %broadcast_in_dim3A_21], %gather3A_420 : memref<1024x16xf32, #tpu.memory_space<vmem>>[vector<16xi32>, vector<16xi32>], vector<16xf32>,
        %gather3A_421 = tpu.vector_load_idx %arg10[%add3A_389, %broadcast_in_dim3A_23] : memref<1024x16xf32, #tpu.memory_space<vmem>>[vector<16xi32>, vector<16xi32>], vector<16xf32>,
        tpu.vector_store_idx %arg12[%add3A_389, %broadcast_in_dim3A_23], %gather3A_421 : memref<1024x16xf32, #tpu.memory_space<vmem>>[vector<16xi32>, vector<16xi32>], vector<16xf32>,
        %gather3A_422 = tpu.vector_load_idx %arg10[%add3A_389, %broadcast_in_dim3A_25] : memref<1024x16xf32, #tpu.memory_space<vmem>>[vector<16xi32>, vector<16xi32>], vector<16xf32>,
        tpu.vector_store_idx %arg12[%add3A_389, %broadcast_in_dim3A_25], %gather3A_422 : memref<1024x16xf32, #tpu.memory_space<vmem>>[vector<16xi32>, vector<16xi32>], vector<16xf32>,
        %gather3A_423 = tpu.vector_load_idx %arg10[%add3A_389, %broadcast_in_dim3A_27] : memref<1024x16xf32, #tpu.memory_space<vmem>>[vector<16xi32>, vector<16xi32>], vector<16xf32>,
        tpu.vector_store_idx %arg12[%add3A_389, %broadcast_in_dim3A_27], %gather3A_423 : memref<1024x16xf32, #tpu.memory_space<vmem>>[vector<16xi32>, vector<16xi32>], vector<16xf32>,
        %gather3A_424 = tpu.vector_load_idx %arg10[%add3A_389, %broadcast_in_dim3A_29] : memref<1024x16xf32, #tpu.memory_space<vmem>>[vector<16xi32>, vector<16xi32>], vector<16xf32>,
        tpu.vector_store_idx %arg12[%add3A_389, %broadcast_in_dim3A_29], %gather3A_424 : memref<1024x16xf32, #tpu.memory_space<vmem>>[vector<16xi32>, vector<16xi32>], vector<16xf32>,
        tpu.vector_store_idx %arg12[%add3A_389, %broadcast_in_dim3A_31], %broadcast_in_dim3A_37 : memref<1024x16xf32, #tpu.memory_space<vmem>>[vector<16xi32>, vector<16xi32>], vector<16xf32>,
        tpu.vector_store_idx %arg12[%add3A_389, %broadcast_in_dim3A_33], %broadcast_in_dim3A_37 : memref<1024x16xf32, #tpu.memory_space<vmem>>[vector<16xi32>, vector<16xi32>], vector<16xf32>,
      }
      %scan3A_377 = arith.constant 64 : i32
      %run_scoped3A = arith.constant 0 : i32
      "tpu.region"() ({
        %run_scoped3A_385 = tpu.sem_alloc : memref<!tpu.dma_semaphore, #tpu.memory_space<semaphore_mem>>
        %dma_start3A_386 = arith.constant 0 : i32
        %dma_start3A_387 = arith.constant 0 : i32
        %dma_start3A_388 = tpu.memref_slice %arg12[%dma_start3A_386, %dma_start3A_387] : memref<1024x16xf32, #tpu.memory_space<vmem>> -> memref<128x16xf32, #tpu.memory_space<vmem>>
        %dma_start3A_389 = arith.constant 0 : i32
        %dma_start3A_390 = tpu.memref_slice %arg9[%run_scoped3A, %dma_start3A_389] : memref<8x128xi32, #tpu.memory_space<vmem>> -> memref<1x128xi32, #tpu.memory_space<vmem>>
        %dma_start3A_391 = tpu.memref_squeeze %dma_start3A_390 : memref<1x128xi32, #tpu.memory_space<vmem>> -> memref<128xi32, #tpu.memory_space<vmem>>
        %dma_start3A_392 = arith.constant 0 : i32
        %dma_start3A_393 = arith.constant 0 : i32
        %dma_start3A_394 = tpu.memref_slice %arg13[%dma_start3A_392, %dma_start3A_393] : memref<50048x16xf32, #tpu.memory_space<vmem_shared>> -> memref<50048x16xf32, #tpu.memory_space<vmem_shared>>
        tpu.enqueue_indirect_dma source(%dma_start3A_388 : memref<128x16xf32, #tpu.memory_space<vmem>>) target(%dma_start3A_394 : memref<50048x16xf32, #tpu.memory_space<vmem_shared>>) offsets(%dma_start3A_391 : memref<128xi32, #tpu.memory_space<vmem>>) semaphore(%run_scoped3A_385 : memref<!tpu.dma_semaphore, #tpu.memory_space<semaphore_mem>>) {add = true}
        %dma_wait3A_395 = arith.constant 0 : i32
        %dma_wait3A_396 = arith.constant 0 : i32
        %dma_wait3A_397 = tpu.memref_slice %arg12[%dma_wait3A_395, %dma_wait3A_396] : memref<1024x16xf32, #tpu.memory_space<vmem>> -> memref<128x16xf32, #tpu.memory_space<vmem>>
        %dma_wait3A_398 = arith.constant 0 : i32
        %dma_wait3A_399 = tpu.memref_slice %arg9[%run_scoped3A, %dma_wait3A_398] : memref<8x128xi32, #tpu.memory_space<vmem>> -> memref<1x128xi32, #tpu.memory_space<vmem>>
        %dma_wait3A_400 = tpu.memref_squeeze %dma_wait3A_399 : memref<1x128xi32, #tpu.memory_space<vmem>> -> memref<128xi32, #tpu.memory_space<vmem>>
        %dma_wait3A_401 = arith.constant 0 : i32
        %dma_wait3A_402 = arith.constant 0 : i32
        %dma_wait3A_403 = tpu.memref_slice %arg13[%dma_wait3A_401, %dma_wait3A_402] : memref<50048x16xf32, #tpu.memory_space<vmem_shared>> -> memref<50048x16xf32, #tpu.memory_space<vmem_shared>>
        tpu.wait_indirect_dma semaphore(%run_scoped3A_385 : memref<!tpu.dma_semaphore, #tpu.memory_space<semaphore_mem>>) src(%dma_wait3A_397 : memref<128x16xf32, #tpu.memory_space<vmem>>) dst(%dma_wait3A_403 : memref<50048x16xf32, #tpu.memory_space<vmem_shared>>)
        tpu.yield
      }) : () -> ()
      %run_scoped3A_378 = arith.constant 1 : i32
      "tpu.region"() ({
        %run_scoped3A_385 = tpu.sem_alloc : memref<!tpu.dma_semaphore, #tpu.memory_space<semaphore_mem>>
        %dma_start3A_386 = arith.constant 128 : i32
        %dma_start3A_387 = arith.constant 0 : i32
        %dma_start3A_388 = tpu.memref_slice %arg12[%dma_start3A_386, %dma_start3A_387] : memref<1024x16xf32, #tpu.memory_space<vmem>> -> memref<128x16xf32, #tpu.memory_space<vmem>>
        %dma_start3A_389 = arith.constant 0 : i32
        %dma_start3A_390 = tpu.memref_slice %arg9[%run_scoped3A_378, %dma_start3A_389] : memref<8x128xi32, #tpu.memory_space<vmem>> -> memref<1x128xi32, #tpu.memory_space<vmem>>
        %dma_start3A_391 = tpu.memref_squeeze %dma_start3A_390 : memref<1x128xi32, #tpu.memory_space<vmem>> -> memref<128xi32, #tpu.memory_space<vmem>>
        %dma_start3A_392 = arith.constant 0 : i32
        %dma_start3A_393 = arith.constant 0 : i32
        %dma_start3A_394 = tpu.memref_slice %arg13[%dma_start3A_392, %dma_start3A_393] : memref<50048x16xf32, #tpu.memory_space<vmem_shared>> -> memref<50048x16xf32, #tpu.memory_space<vmem_shared>>
        tpu.enqueue_indirect_dma source(%dma_start3A_388 : memref<128x16xf32, #tpu.memory_space<vmem>>) target(%dma_start3A_394 : memref<50048x16xf32, #tpu.memory_space<vmem_shared>>) offsets(%dma_start3A_391 : memref<128xi32, #tpu.memory_space<vmem>>) semaphore(%run_scoped3A_385 : memref<!tpu.dma_semaphore, #tpu.memory_space<semaphore_mem>>) {add = true}
        %dma_wait3A_395 = arith.constant 128 : i32
        %dma_wait3A_396 = arith.constant 0 : i32
        %dma_wait3A_397 = tpu.memref_slice %arg12[%dma_wait3A_395, %dma_wait3A_396] : memref<1024x16xf32, #tpu.memory_space<vmem>> -> memref<128x16xf32, #tpu.memory_space<vmem>>
        %dma_wait3A_398 = arith.constant 0 : i32
        %dma_wait3A_399 = tpu.memref_slice %arg9[%run_scoped3A_378, %dma_wait3A_398] : memref<8x128xi32, #tpu.memory_space<vmem>> -> memref<1x128xi32, #tpu.memory_space<vmem>>
        %dma_wait3A_400 = tpu.memref_squeeze %dma_wait3A_399 : memref<1x128xi32, #tpu.memory_space<vmem>> -> memref<128xi32, #tpu.memory_space<vmem>>
        %dma_wait3A_401 = arith.constant 0 : i32
        %dma_wait3A_402 = arith.constant 0 : i32
        %dma_wait3A_403 = tpu.memref_slice %arg13[%dma_wait3A_401, %dma_wait3A_402] : memref<50048x16xf32, #tpu.memory_space<vmem_shared>> -> memref<50048x16xf32, #tpu.memory_space<vmem_shared>>
        tpu.wait_indirect_dma semaphore(%run_scoped3A_385 : memref<!tpu.dma_semaphore, #tpu.memory_space<semaphore_mem>>) src(%dma_wait3A_397 : memref<128x16xf32, #tpu.memory_space<vmem>>) dst(%dma_wait3A_403 : memref<50048x16xf32, #tpu.memory_space<vmem_shared>>)
        tpu.yield
      }) : () -> ()
      %run_scoped3A_379 = arith.constant 2 : i32
      "tpu.region"() ({
        %run_scoped3A_385 = tpu.sem_alloc : memref<!tpu.dma_semaphore, #tpu.memory_space<semaphore_mem>>
        %dma_start3A_386 = arith.constant 256 : i32
        %dma_start3A_387 = arith.constant 0 : i32
        %dma_start3A_388 = tpu.memref_slice %arg12[%dma_start3A_386, %dma_start3A_387] : memref<1024x16xf32, #tpu.memory_space<vmem>> -> memref<128x16xf32, #tpu.memory_space<vmem>>
        %dma_start3A_389 = arith.constant 0 : i32
        %dma_start3A_390 = tpu.memref_slice %arg9[%run_scoped3A_379, %dma_start3A_389] : memref<8x128xi32, #tpu.memory_space<vmem>> -> memref<1x128xi32, #tpu.memory_space<vmem>>
        %dma_start3A_391 = tpu.memref_squeeze %dma_start3A_390 : memref<1x128xi32, #tpu.memory_space<vmem>> -> memref<128xi32, #tpu.memory_space<vmem>>
        %dma_start3A_392 = arith.constant 0 : i32
        %dma_start3A_393 = arith.constant 0 : i32
        %dma_start3A_394 = tpu.memref_slice %arg13[%dma_start3A_392, %dma_start3A_393] : memref<50048x16xf32, #tpu.memory_space<vmem_shared>> -> memref<50048x16xf32, #tpu.memory_space<vmem_shared>>
        tpu.enqueue_indirect_dma source(%dma_start3A_388 : memref<128x16xf32, #tpu.memory_space<vmem>>) target(%dma_start3A_394 : memref<50048x16xf32, #tpu.memory_space<vmem_shared>>) offsets(%dma_start3A_391 : memref<128xi32, #tpu.memory_space<vmem>>) semaphore(%run_scoped3A_385 : memref<!tpu.dma_semaphore, #tpu.memory_space<semaphore_mem>>) {add = true}
        %dma_wait3A_395 = arith.constant 256 : i32
        %dma_wait3A_396 = arith.constant 0 : i32
        %dma_wait3A_397 = tpu.memref_slice %arg12[%dma_wait3A_395, %dma_wait3A_396] : memref<1024x16xf32, #tpu.memory_space<vmem>> -> memref<128x16xf32, #tpu.memory_space<vmem>>
        %dma_wait3A_398 = arith.constant 0 : i32
        %dma_wait3A_399 = tpu.memref_slice %arg9[%run_scoped3A_379, %dma_wait3A_398] : memref<8x128xi32, #tpu.memory_space<vmem>> -> memref<1x128xi32, #tpu.memory_space<vmem>>
        %dma_wait3A_400 = tpu.memref_squeeze %dma_wait3A_399 : memref<1x128xi32, #tpu.memory_space<vmem>> -> memref<128xi32, #tpu.memory_space<vmem>>
        %dma_wait3A_401 = arith.constant 0 : i32
        %dma_wait3A_402 = arith.constant 0 : i32
        %dma_wait3A_403 = tpu.memref_slice %arg13[%dma_wait3A_401, %dma_wait3A_402] : memref<50048x16xf32, #tpu.memory_space<vmem_shared>> -> memref<50048x16xf32, #tpu.memory_space<vmem_shared>>
        tpu.wait_indirect_dma semaphore(%run_scoped3A_385 : memref<!tpu.dma_semaphore, #tpu.memory_space<semaphore_mem>>) src(%dma_wait3A_397 : memref<128x16xf32, #tpu.memory_space<vmem>>) dst(%dma_wait3A_403 : memref<50048x16xf32, #tpu.memory_space<vmem_shared>>)
        tpu.yield
      }) : () -> ()
      %run_scoped3A_380 = arith.constant 3 : i32
      "tpu.region"() ({
        %run_scoped3A_385 = tpu.sem_alloc : memref<!tpu.dma_semaphore, #tpu.memory_space<semaphore_mem>>
        %dma_start3A_386 = arith.constant 384 : i32
        %dma_start3A_387 = arith.constant 0 : i32
        %dma_start3A_388 = tpu.memref_slice %arg12[%dma_start3A_386, %dma_start3A_387] : memref<1024x16xf32, #tpu.memory_space<vmem>> -> memref<128x16xf32, #tpu.memory_space<vmem>>
        %dma_start3A_389 = arith.constant 0 : i32
        %dma_start3A_390 = tpu.memref_slice %arg9[%run_scoped3A_380, %dma_start3A_389] : memref<8x128xi32, #tpu.memory_space<vmem>> -> memref<1x128xi32, #tpu.memory_space<vmem>>
        %dma_start3A_391 = tpu.memref_squeeze %dma_start3A_390 : memref<1x128xi32, #tpu.memory_space<vmem>> -> memref<128xi32, #tpu.memory_space<vmem>>
        %dma_start3A_392 = arith.constant 0 : i32
        %dma_start3A_393 = arith.constant 0 : i32
        %dma_start3A_394 = tpu.memref_slice %arg13[%dma_start3A_392, %dma_start3A_393] : memref<50048x16xf32, #tpu.memory_space<vmem_shared>> -> memref<50048x16xf32, #tpu.memory_space<vmem_shared>>
        tpu.enqueue_indirect_dma source(%dma_start3A_388 : memref<128x16xf32, #tpu.memory_space<vmem>>) target(%dma_start3A_394 : memref<50048x16xf32, #tpu.memory_space<vmem_shared>>) offsets(%dma_start3A_391 : memref<128xi32, #tpu.memory_space<vmem>>) semaphore(%run_scoped3A_385 : memref<!tpu.dma_semaphore, #tpu.memory_space<semaphore_mem>>) {add = true}
        %dma_wait3A_395 = arith.constant 384 : i32
        %dma_wait3A_396 = arith.constant 0 : i32
        %dma_wait3A_397 = tpu.memref_slice %arg12[%dma_wait3A_395, %dma_wait3A_396] : memref<1024x16xf32, #tpu.memory_space<vmem>> -> memref<128x16xf32, #tpu.memory_space<vmem>>
        %dma_wait3A_398 = arith.constant 0 : i32
        %dma_wait3A_399 = tpu.memref_slice %arg9[%run_scoped3A_380, %dma_wait3A_398] : memref<8x128xi32, #tpu.memory_space<vmem>> -> memref<1x128xi32, #tpu.memory_space<vmem>>
        %dma_wait3A_400 = tpu.memref_squeeze %dma_wait3A_399 : memref<1x128xi32, #tpu.memory_space<vmem>> -> memref<128xi32, #tpu.memory_space<vmem>>
        %dma_wait3A_401 = arith.constant 0 : i32
        %dma_wait3A_402 = arith.constant 0 : i32
        %dma_wait3A_403 = tpu.memref_slice %arg13[%dma_wait3A_401, %dma_wait3A_402] : memref<50048x16xf32, #tpu.memory_space<vmem_shared>> -> memref<50048x16xf32, #tpu.memory_space<vmem_shared>>
        tpu.wait_indirect_dma semaphore(%run_scoped3A_385 : memref<!tpu.dma_semaphore, #tpu.memory_space<semaphore_mem>>) src(%dma_wait3A_397 : memref<128x16xf32, #tpu.memory_space<vmem>>) dst(%dma_wait3A_403 : memref<50048x16xf32, #tpu.memory_space<vmem_shared>>)
        tpu.yield
      }) : () -> ()
      %run_scoped3A_381 = arith.constant 4 : i32
      "tpu.region"() ({
        %run_scoped3A_385 = tpu.sem_alloc : memref<!tpu.dma_semaphore, #tpu.memory_space<semaphore_mem>>
        %dma_start3A_386 = arith.constant 512 : i32
        %dma_start3A_387 = arith.constant 0 : i32
        %dma_start3A_388 = tpu.memref_slice %arg12[%dma_start3A_386, %dma_start3A_387] : memref<1024x16xf32, #tpu.memory_space<vmem>> -> memref<128x16xf32, #tpu.memory_space<vmem>>
        %dma_start3A_389 = arith.constant 0 : i32
        %dma_start3A_390 = tpu.memref_slice %arg9[%run_scoped3A_381, %dma_start3A_389] : memref<8x128xi32, #tpu.memory_space<vmem>> -> memref<1x128xi32, #tpu.memory_space<vmem>>
        %dma_start3A_391 = tpu.memref_squeeze %dma_start3A_390 : memref<1x128xi32, #tpu.memory_space<vmem>> -> memref<128xi32, #tpu.memory_space<vmem>>
        %dma_start3A_392 = arith.constant 0 : i32
        %dma_start3A_393 = arith.constant 0 : i32
        %dma_start3A_394 = tpu.memref_slice %arg13[%dma_start3A_392, %dma_start3A_393] : memref<50048x16xf32, #tpu.memory_space<vmem_shared>> -> memref<50048x16xf32, #tpu.memory_space<vmem_shared>>
        tpu.enqueue_indirect_dma source(%dma_start3A_388 : memref<128x16xf32, #tpu.memory_space<vmem>>) target(%dma_start3A_394 : memref<50048x16xf32, #tpu.memory_space<vmem_shared>>) offsets(%dma_start3A_391 : memref<128xi32, #tpu.memory_space<vmem>>) semaphore(%run_scoped3A_385 : memref<!tpu.dma_semaphore, #tpu.memory_space<semaphore_mem>>) {add = true}
        %dma_wait3A_395 = arith.constant 512 : i32
        %dma_wait3A_396 = arith.constant 0 : i32
        %dma_wait3A_397 = tpu.memref_slice %arg12[%dma_wait3A_395, %dma_wait3A_396] : memref<1024x16xf32, #tpu.memory_space<vmem>> -> memref<128x16xf32, #tpu.memory_space<vmem>>
        %dma_wait3A_398 = arith.constant 0 : i32
        %dma_wait3A_399 = tpu.memref_slice %arg9[%run_scoped3A_381, %dma_wait3A_398] : memref<8x128xi32, #tpu.memory_space<vmem>> -> memref<1x128xi32, #tpu.memory_space<vmem>>
        %dma_wait3A_400 = tpu.memref_squeeze %dma_wait3A_399 : memref<1x128xi32, #tpu.memory_space<vmem>> -> memref<128xi32, #tpu.memory_space<vmem>>
        %dma_wait3A_401 = arith.constant 0 : i32
        %dma_wait3A_402 = arith.constant 0 : i32
        %dma_wait3A_403 = tpu.memref_slice %arg13[%dma_wait3A_401, %dma_wait3A_402] : memref<50048x16xf32, #tpu.memory_space<vmem_shared>> -> memref<50048x16xf32, #tpu.memory_space<vmem_shared>>
        tpu.wait_indirect_dma semaphore(%run_scoped3A_385 : memref<!tpu.dma_semaphore, #tpu.memory_space<semaphore_mem>>) src(%dma_wait3A_397 : memref<128x16xf32, #tpu.memory_space<vmem>>) dst(%dma_wait3A_403 : memref<50048x16xf32, #tpu.memory_space<vmem_shared>>)
        tpu.yield
      }) : () -> ()
      %run_scoped3A_382 = arith.constant 5 : i32
      "tpu.region"() ({
        %run_scoped3A_385 = tpu.sem_alloc : memref<!tpu.dma_semaphore, #tpu.memory_space<semaphore_mem>>
        %dma_start3A_386 = arith.constant 640 : i32
        %dma_start3A_387 = arith.constant 0 : i32
        %dma_start3A_388 = tpu.memref_slice %arg12[%dma_start3A_386, %dma_start3A_387] : memref<1024x16xf32, #tpu.memory_space<vmem>> -> memref<128x16xf32, #tpu.memory_space<vmem>>
        %dma_start3A_389 = arith.constant 0 : i32
        %dma_start3A_390 = tpu.memref_slice %arg9[%run_scoped3A_382, %dma_start3A_389] : memref<8x128xi32, #tpu.memory_space<vmem>> -> memref<1x128xi32, #tpu.memory_space<vmem>>
        %dma_start3A_391 = tpu.memref_squeeze %dma_start3A_390 : memref<1x128xi32, #tpu.memory_space<vmem>> -> memref<128xi32, #tpu.memory_space<vmem>>
        %dma_start3A_392 = arith.constant 0 : i32
        %dma_start3A_393 = arith.constant 0 : i32
        %dma_start3A_394 = tpu.memref_slice %arg13[%dma_start3A_392, %dma_start3A_393] : memref<50048x16xf32, #tpu.memory_space<vmem_shared>> -> memref<50048x16xf32, #tpu.memory_space<vmem_shared>>
        tpu.enqueue_indirect_dma source(%dma_start3A_388 : memref<128x16xf32, #tpu.memory_space<vmem>>) target(%dma_start3A_394 : memref<50048x16xf32, #tpu.memory_space<vmem_shared>>) offsets(%dma_start3A_391 : memref<128xi32, #tpu.memory_space<vmem>>) semaphore(%run_scoped3A_385 : memref<!tpu.dma_semaphore, #tpu.memory_space<semaphore_mem>>) {add = true}
        %dma_wait3A_395 = arith.constant 640 : i32
        %dma_wait3A_396 = arith.constant 0 : i32
        %dma_wait3A_397 = tpu.memref_slice %arg12[%dma_wait3A_395, %dma_wait3A_396] : memref<1024x16xf32, #tpu.memory_space<vmem>> -> memref<128x16xf32, #tpu.memory_space<vmem>>
        %dma_wait3A_398 = arith.constant 0 : i32
        %dma_wait3A_399 = tpu.memref_slice %arg9[%run_scoped3A_382, %dma_wait3A_398] : memref<8x128xi32, #tpu.memory_space<vmem>> -> memref<1x128xi32, #tpu.memory_space<vmem>>
        %dma_wait3A_400 = tpu.memref_squeeze %dma_wait3A_399 : memref<1x128xi32, #tpu.memory_space<vmem>> -> memref<128xi32, #tpu.memory_space<vmem>>
        %dma_wait3A_401 = arith.constant 0 : i32
        %dma_wait3A_402 = arith.constant 0 : i32
        %dma_wait3A_403 = tpu.memref_slice %arg13[%dma_wait3A_401, %dma_wait3A_402] : memref<50048x16xf32, #tpu.memory_space<vmem_shared>> -> memref<50048x16xf32, #tpu.memory_space<vmem_shared>>
        tpu.wait_indirect_dma semaphore(%run_scoped3A_385 : memref<!tpu.dma_semaphore, #tpu.memory_space<semaphore_mem>>) src(%dma_wait3A_397 : memref<128x16xf32, #tpu.memory_space<vmem>>) dst(%dma_wait3A_403 : memref<50048x16xf32, #tpu.memory_space<vmem_shared>>)
        tpu.yield
      }) : () -> ()
      %run_scoped3A_383 = arith.constant 6 : i32
      "tpu.region"() ({
        %run_scoped3A_385 = tpu.sem_alloc : memref<!tpu.dma_semaphore, #tpu.memory_space<semaphore_mem>>
        %dma_start3A_386 = arith.constant 768 : i32
        %dma_start3A_387 = arith.constant 0 : i32
        %dma_start3A_388 = tpu.memref_slice %arg12[%dma_start3A_386, %dma_start3A_387] : memref<1024x16xf32, #tpu.memory_space<vmem>> -> memref<128x16xf32, #tpu.memory_space<vmem>>
        %dma_start3A_389 = arith.constant 0 : i32
        %dma_start3A_390 = tpu.memref_slice %arg9[%run_scoped3A_383, %dma_start3A_389] : memref<8x128xi32, #tpu.memory_space<vmem>> -> memref<1x128xi32, #tpu.memory_space<vmem>>
        %dma_start3A_391 = tpu.memref_squeeze %dma_start3A_390 : memref<1x128xi32, #tpu.memory_space<vmem>> -> memref<128xi32, #tpu.memory_space<vmem>>
        %dma_start3A_392 = arith.constant 0 : i32
        %dma_start3A_393 = arith.constant 0 : i32
        %dma_start3A_394 = tpu.memref_slice %arg13[%dma_start3A_392, %dma_start3A_393] : memref<50048x16xf32, #tpu.memory_space<vmem_shared>> -> memref<50048x16xf32, #tpu.memory_space<vmem_shared>>
        tpu.enqueue_indirect_dma source(%dma_start3A_388 : memref<128x16xf32, #tpu.memory_space<vmem>>) target(%dma_start3A_394 : memref<50048x16xf32, #tpu.memory_space<vmem_shared>>) offsets(%dma_start3A_391 : memref<128xi32, #tpu.memory_space<vmem>>) semaphore(%run_scoped3A_385 : memref<!tpu.dma_semaphore, #tpu.memory_space<semaphore_mem>>) {add = true}
        %dma_wait3A_395 = arith.constant 768 : i32
        %dma_wait3A_396 = arith.constant 0 : i32
        %dma_wait3A_397 = tpu.memref_slice %arg12[%dma_wait3A_395, %dma_wait3A_396] : memref<1024x16xf32, #tpu.memory_space<vmem>> -> memref<128x16xf32, #tpu.memory_space<vmem>>
        %dma_wait3A_398 = arith.constant 0 : i32
        %dma_wait3A_399 = tpu.memref_slice %arg9[%run_scoped3A_383, %dma_wait3A_398] : memref<8x128xi32, #tpu.memory_space<vmem>> -> memref<1x128xi32, #tpu.memory_space<vmem>>
        %dma_wait3A_400 = tpu.memref_squeeze %dma_wait3A_399 : memref<1x128xi32, #tpu.memory_space<vmem>> -> memref<128xi32, #tpu.memory_space<vmem>>
        %dma_wait3A_401 = arith.constant 0 : i32
        %dma_wait3A_402 = arith.constant 0 : i32
        %dma_wait3A_403 = tpu.memref_slice %arg13[%dma_wait3A_401, %dma_wait3A_402] : memref<50048x16xf32, #tpu.memory_space<vmem_shared>> -> memref<50048x16xf32, #tpu.memory_space<vmem_shared>>
        tpu.wait_indirect_dma semaphore(%run_scoped3A_385 : memref<!tpu.dma_semaphore, #tpu.memory_space<semaphore_mem>>) src(%dma_wait3A_397 : memref<128x16xf32, #tpu.memory_space<vmem>>) dst(%dma_wait3A_403 : memref<50048x16xf32, #tpu.memory_space<vmem_shared>>)
        tpu.yield
      }) : () -> ()
      %run_scoped3A_384 = arith.constant 7 : i32
      "tpu.region"() ({
        %run_scoped3A_385 = tpu.sem_alloc : memref<!tpu.dma_semaphore, #tpu.memory_space<semaphore_mem>>
        %dma_start3A_386 = arith.constant 896 : i32
        %dma_start3A_387 = arith.constant 0 : i32
        %dma_start3A_388 = tpu.memref_slice %arg12[%dma_start3A_386, %dma_start3A_387] : memref<1024x16xf32, #tpu.memory_space<vmem>> -> memref<128x16xf32, #tpu.memory_space<vmem>>
        %dma_start3A_389 = arith.constant 0 : i32
        %dma_start3A_390 = tpu.memref_slice %arg9[%run_scoped3A_384, %dma_start3A_389] : memref<8x128xi32, #tpu.memory_space<vmem>> -> memref<1x128xi32, #tpu.memory_space<vmem>>
        %dma_start3A_391 = tpu.memref_squeeze %dma_start3A_390 : memref<1x128xi32, #tpu.memory_space<vmem>> -> memref<128xi32, #tpu.memory_space<vmem>>
        %dma_start3A_392 = arith.constant 0 : i32
        %dma_start3A_393 = arith.constant 0 : i32
        %dma_start3A_394 = tpu.memref_slice %arg13[%dma_start3A_392, %dma_start3A_393] : memref<50048x16xf32, #tpu.memory_space<vmem_shared>> -> memref<50048x16xf32, #tpu.memory_space<vmem_shared>>
        tpu.enqueue_indirect_dma source(%dma_start3A_388 : memref<128x16xf32, #tpu.memory_space<vmem>>) target(%dma_start3A_394 : memref<50048x16xf32, #tpu.memory_space<vmem_shared>>) offsets(%dma_start3A_391 : memref<128xi32, #tpu.memory_space<vmem>>) semaphore(%run_scoped3A_385 : memref<!tpu.dma_semaphore, #tpu.memory_space<semaphore_mem>>) {add = true}
        %dma_wait3A_395 = arith.constant 896 : i32
        %dma_wait3A_396 = arith.constant 0 : i32
        %dma_wait3A_397 = tpu.memref_slice %arg12[%dma_wait3A_395, %dma_wait3A_396] : memref<1024x16xf32, #tpu.memory_space<vmem>> -> memref<128x16xf32, #tpu.memory_space<vmem>>
        %dma_wait3A_398 = arith.constant 0 : i32
        %dma_wait3A_399 = tpu.memref_slice %arg9[%run_scoped3A_384, %dma_wait3A_398] : memref<8x128xi32, #tpu.memory_space<vmem>> -> memref<1x128xi32, #tpu.memory_space<vmem>>
        %dma_wait3A_400 = tpu.memref_squeeze %dma_wait3A_399 : memref<1x128xi32, #tpu.memory_space<vmem>> -> memref<128xi32, #tpu.memory_space<vmem>>
        %dma_wait3A_401 = arith.constant 0 : i32
        %dma_wait3A_402 = arith.constant 0 : i32
        %dma_wait3A_403 = tpu.memref_slice %arg13[%dma_wait3A_401, %dma_wait3A_402] : memref<50048x16xf32, #tpu.memory_space<vmem_shared>> -> memref<50048x16xf32, #tpu.memory_space<vmem_shared>>
        tpu.wait_indirect_dma semaphore(%run_scoped3A_385 : memref<!tpu.dma_semaphore, #tpu.memory_space<semaphore_mem>>) src(%dma_wait3A_397 : memref<128x16xf32, #tpu.memory_space<vmem>>) dst(%dma_wait3A_403 : memref<50048x16xf32, #tpu.memory_space<vmem_shared>>)
        tpu.yield
      }) : () -> ()
    }
    %scan3A_42 = arith.constant 49 : i32
    %barrier3A_43 = arith.constant 0 : index
    tpu.barrier barrier_id(%barrier3A_43)
    %mul3A_44 = arith.constant 3128 : i32
    %mul3A_45 = arith.muli %arg1, %mul3A_44 : i32
    %mul3A_46 = arith.constant 3128 : i32
    %mul3A_47 = arith.muli %arg1, %mul3A_46 : i32
    "tpu.region"() ({
      %run_scoped3A = tpu.sem_alloc : memref<!tpu.dma_semaphore, #tpu.memory_space<semaphore_mem>>
      %dma_start3A = arith.constant 0 : i32
      %dma_start3A_48 = tpu.memref_slice %arg7[%arg0, %mul3A_47, %dma_start3A] : memref<2x50048x16xf32, #tpu.memory_space<hbm>> -> memref<1x3128x16xf32, #tpu.memory_space<hbm>>
      %dma_start3A_49 = tpu.memref_squeeze %dma_start3A_48 : memref<1x3128x16xf32, #tpu.memory_space<hbm>> -> memref<3128x16xf32, #tpu.memory_space<hbm>>
      %dma_start3A_50 = arith.constant 0 : i32
      %dma_start3A_51 = tpu.memref_slice %arg13[%mul3A_45, %dma_start3A_50] : memref<50048x16xf32, #tpu.memory_space<vmem_shared>> -> memref<3128x16xf32, #tpu.memory_space<vmem_shared>>
      tpu.enqueue_dma source(%dma_start3A_51 : memref<3128x16xf32, #tpu.memory_space<vmem_shared>>) target(%dma_start3A_49 : memref<3128x16xf32, #tpu.memory_space<hbm>>) target_semaphore(%run_scoped3A : memref<!tpu.dma_semaphore, #tpu.memory_space<semaphore_mem>>)
      %dma_wait3A = arith.constant 0 : i32
      %dma_wait3A_52 = tpu.memref_slice %arg7[%arg0, %mul3A_47, %dma_wait3A] : memref<2x50048x16xf32, #tpu.memory_space<hbm>> -> memref<1x3128x16xf32, #tpu.memory_space<hbm>>
      %dma_wait3A_53 = tpu.memref_squeeze %dma_wait3A_52 : memref<1x3128x16xf32, #tpu.memory_space<hbm>> -> memref<3128x16xf32, #tpu.memory_space<hbm>>
      %dma_wait3A_54 = arith.constant 0 : i32
      %dma_wait3A_55 = tpu.memref_slice %arg13[%mul3A_45, %dma_wait3A_54] : memref<50048x16xf32, #tpu.memory_space<vmem_shared>> -> memref<3128x16xf32, #tpu.memory_space<vmem_shared>>
      tpu.wait_dma2 semaphore(%run_scoped3A : memref<!tpu.dma_semaphore, #tpu.memory_space<semaphore_mem>>) src(%dma_wait3A_55 : memref<3128x16xf32, #tpu.memory_space<vmem_shared>>) dst(%dma_wait3A_53 : memref<3128x16xf32, #tpu.memory_space<hbm>>)
      tpu.yield
    }) : () -> ()
    return
  }
}

#map = affine_map<(d0, d1) -> (0, 0, 0)>
#map1 = affine_map<(d0, d1) -> (0, 0)>
module attributes {stable_mosaic.version = 14 : i64} {
  func.func @_pass1_body(%arg0: i32, %arg1: i32, %arg2: memref<2x12544x128xi32, #tpu.memory_space<hbm>>, %arg3: memref<12544x128xi32, #tpu.memory_space<hbm>>, %arg4: memref<100000x16xf32, #tpu.memory_space<hbm>>, %arg5: memref<50008x16xf32, #tpu.memory_space<hbm>>, %arg6: memref<50048x24xf32, #tpu.memory_space<hbm>>, %arg7: memref<2x50048x24xf32, #tpu.memory_space<hbm>>, %arg8: memref<4x128xi32, #tpu.memory_space<vmem>>, %arg9: memref<4x128xi32, #tpu.memory_space<vmem>>, %arg10: memref<512x16xf32, #tpu.memory_space<vmem>>, %arg11: memref<512x16xf32, #tpu.memory_space<vmem>>, %arg12: memref<512x24xf32, #tpu.memory_space<vmem>>, %arg13: memref<50048x24xf32, #tpu.memory_space<vmem_shared>>, %arg14: memref<!tpu.dma_semaphore, #tpu.memory_space<semaphore_mem>>) attributes {dimension_semantics = [#tpu.dimension_semantics<core_parallel>, #tpu.dimension_semantics<subcore_parallel>], iteration_bounds = array<i64: 2, 16>, scalar_prefetch = 0 : i64, scratch_operands = 7 : i64, tpu.core_type = #tpu.core_type<sc_vector_subcore>, window_params = [{transform_indices = #map}, {transform_indices = #map1}, {transform_indices = #map1}, {transform_indices = #map1}, {transform_indices = #map1}, {transform_indices = #map}]} {
    %mul3A = arith.constant 3128 : i32
    %mul3A_0 = arith.muli %arg1, %mul3A : i32
    %mul3A_1 = arith.constant 3128 : i32
    %mul3A_2 = arith.muli %arg1, %mul3A_1 : i32
    "tpu.region"() ({
      %run_scoped3A = tpu.sem_alloc : memref<!tpu.dma_semaphore, #tpu.memory_space<semaphore_mem>>
      %dma_start3A = arith.constant 0 : i32
      %dma_start3A_69 = tpu.memref_slice %arg13[%mul3A_2, %dma_start3A] : memref<50048x24xf32, #tpu.memory_space<vmem_shared>> -> memref<3128x24xf32, #tpu.memory_space<vmem_shared>>
      %dma_start3A_70 = arith.constant 0 : i32
      %dma_start3A_71 = tpu.memref_slice %arg6[%mul3A_0, %dma_start3A_70] : memref<50048x24xf32, #tpu.memory_space<hbm>> -> memref<3128x24xf32, #tpu.memory_space<hbm>>
      tpu.enqueue_dma source(%dma_start3A_71 : memref<3128x24xf32, #tpu.memory_space<hbm>>) target(%dma_start3A_69 : memref<3128x24xf32, #tpu.memory_space<vmem_shared>>) target_semaphore(%run_scoped3A : memref<!tpu.dma_semaphore, #tpu.memory_space<semaphore_mem>>)
      %dma_wait3A = arith.constant 0 : i32
      %dma_wait3A_72 = tpu.memref_slice %arg13[%mul3A_2, %dma_wait3A] : memref<50048x24xf32, #tpu.memory_space<vmem_shared>> -> memref<3128x24xf32, #tpu.memory_space<vmem_shared>>
      %dma_wait3A_73 = arith.constant 0 : i32
      %dma_wait3A_74 = tpu.memref_slice %arg6[%mul3A_0, %dma_wait3A_73] : memref<50048x24xf32, #tpu.memory_space<hbm>> -> memref<3128x24xf32, #tpu.memory_space<hbm>>
      tpu.wait_dma2 semaphore(%run_scoped3A : memref<!tpu.dma_semaphore, #tpu.memory_space<semaphore_mem>>) src(%dma_wait3A_74 : memref<3128x24xf32, #tpu.memory_space<hbm>>) dst(%dma_wait3A_72 : memref<3128x24xf32, #tpu.memory_space<vmem_shared>>)
      tpu.yield
    }) : () -> ()
    %iota3A = tpu.iota {dimensions = array<i32: 0>} : vector<16xi32>
    %broadcast_in_dim3A = arith.constant 0 : i32
    %broadcast_in_dim3A_3 = vector.broadcast %broadcast_in_dim3A : i32 to vector<16xi32>
    %broadcast_in_dim3A_4 = arith.constant 1 : i32
    %broadcast_in_dim3A_5 = vector.broadcast %broadcast_in_dim3A_4 : i32 to vector<16xi32>
    %broadcast_in_dim3A_6 = arith.constant 2 : i32
    %broadcast_in_dim3A_7 = vector.broadcast %broadcast_in_dim3A_6 : i32 to vector<16xi32>
    %broadcast_in_dim3A_8 = arith.constant 3 : i32
    %broadcast_in_dim3A_9 = vector.broadcast %broadcast_in_dim3A_8 : i32 to vector<16xi32>
    %broadcast_in_dim3A_10 = arith.constant 4 : i32
    %broadcast_in_dim3A_11 = vector.broadcast %broadcast_in_dim3A_10 : i32 to vector<16xi32>
    %broadcast_in_dim3A_12 = arith.constant 5 : i32
    %broadcast_in_dim3A_13 = vector.broadcast %broadcast_in_dim3A_12 : i32 to vector<16xi32>
    %broadcast_in_dim3A_14 = arith.constant 6 : i32
    %broadcast_in_dim3A_15 = vector.broadcast %broadcast_in_dim3A_14 : i32 to vector<16xi32>
    %broadcast_in_dim3A_16 = arith.constant 7 : i32
    %broadcast_in_dim3A_17 = vector.broadcast %broadcast_in_dim3A_16 : i32 to vector<16xi32>
    %broadcast_in_dim3A_18 = arith.constant 8 : i32
    %broadcast_in_dim3A_19 = vector.broadcast %broadcast_in_dim3A_18 : i32 to vector<16xi32>
    %broadcast_in_dim3A_20 = arith.constant 9 : i32
    %broadcast_in_dim3A_21 = vector.broadcast %broadcast_in_dim3A_20 : i32 to vector<16xi32>
    %broadcast_in_dim3A_22 = arith.constant 10 : i32
    %broadcast_in_dim3A_23 = vector.broadcast %broadcast_in_dim3A_22 : i32 to vector<16xi32>
    %broadcast_in_dim3A_24 = arith.constant 11 : i32
    %broadcast_in_dim3A_25 = vector.broadcast %broadcast_in_dim3A_24 : i32 to vector<16xi32>
    %broadcast_in_dim3A_26 = arith.constant 12 : i32
    %broadcast_in_dim3A_27 = vector.broadcast %broadcast_in_dim3A_26 : i32 to vector<16xi32>
    %broadcast_in_dim3A_28 = arith.constant 13 : i32
    %broadcast_in_dim3A_29 = vector.broadcast %broadcast_in_dim3A_28 : i32 to vector<16xi32>
    %broadcast_in_dim3A_30 = arith.constant 14 : i32
    %broadcast_in_dim3A_31 = vector.broadcast %broadcast_in_dim3A_30 : i32 to vector<16xi32>
    %broadcast_in_dim3A_32 = arith.constant 15 : i32
    %broadcast_in_dim3A_33 = vector.broadcast %broadcast_in_dim3A_32 : i32 to vector<16xi32>
    %broadcast_in_dim3A_34 = arith.constant 16 : i32
    %broadcast_in_dim3A_35 = vector.broadcast %broadcast_in_dim3A_34 : i32 to vector<16xi32>
    %broadcast_in_dim3A_36 = arith.constant 17 : i32
    %broadcast_in_dim3A_37 = vector.broadcast %broadcast_in_dim3A_36 : i32 to vector<16xi32>
    %broadcast_in_dim3A_38 = arith.constant 18 : i32
    %broadcast_in_dim3A_39 = vector.broadcast %broadcast_in_dim3A_38 : i32 to vector<16xi32>
    %broadcast_in_dim3A_40 = arith.constant 19 : i32
    %broadcast_in_dim3A_41 = vector.broadcast %broadcast_in_dim3A_40 : i32 to vector<16xi32>
    %broadcast_in_dim3A_42 = arith.constant 20 : i32
    %broadcast_in_dim3A_43 = vector.broadcast %broadcast_in_dim3A_42 : i32 to vector<16xi32>
    %broadcast_in_dim3A_44 = arith.constant 21 : i32
    %broadcast_in_dim3A_45 = vector.broadcast %broadcast_in_dim3A_44 : i32 to vector<16xi32>
    %broadcast_in_dim3A_46 = arith.constant 22 : i32
    %broadcast_in_dim3A_47 = vector.broadcast %broadcast_in_dim3A_46 : i32 to vector<16xi32>
    %broadcast_in_dim3A_48 = arith.constant 23 : i32
    %broadcast_in_dim3A_49 = vector.broadcast %broadcast_in_dim3A_48 : i32 to vector<16xi32>
    %mul3A_50 = arith.constant 4 : i32
    %mul3A_51 = arith.muli %arg0, %mul3A_50 : i32
    %add3A = vector.broadcast %mul3A_51 : i32 to vector<16xi32>
    %add3A_52 = arith.addi %broadcast_in_dim3A_3, %add3A : vector<16xi32>
    %add3A_53 = vector.broadcast %mul3A_51 : i32 to vector<16xi32>
    %add3A_54 = arith.addi %broadcast_in_dim3A_5, %add3A_53 : vector<16xi32>
    %add3A_55 = vector.broadcast %mul3A_51 : i32 to vector<16xi32>
    %add3A_56 = arith.addi %broadcast_in_dim3A_7, %add3A_55 : vector<16xi32>
    %add3A_57 = vector.broadcast %mul3A_51 : i32 to vector<16xi32>
    %add3A_58 = arith.addi %broadcast_in_dim3A_9, %add3A_57 : vector<16xi32>
    %barrier3A = arith.constant 0 : index
    tpu.barrier barrier_id(%barrier3A)
    %scan3A = arith.constant 0 : i32
    %scan3A_59 = arith.constant 0 : i32
    %scan3A_60 = arith.constant 196 : i32
    %scan3A_61 = arith.addi %scan3A_59, %scan3A_60 : i32
    %scan3A_62 = arith.constant 1 : i32
    scf.for %scan3A_69 = %scan3A_59 to %scan3A_61 step %scan3A_62  : i32 {
      %mul3A_70 = arith.constant 784 : i32
      %mul3A_71 = arith.muli %arg1, %mul3A_70 : i32
      %mul3A_72 = arith.constant 4 : i32
      %mul3A_73 = arith.muli %scan3A_69, %mul3A_72 : i32
      %add3A_74 = arith.addi %mul3A_71, %mul3A_73 : i32
      "tpu.region"() ({
        %run_scoped3A_242 = tpu.sem_alloc : memref<!tpu.dma_semaphore, #tpu.memory_space<semaphore_mem>>
        %dma_start3A_243 = arith.constant 0 : i32
        %dma_start3A_244 = tpu.memref_slice %arg2[%arg0, %add3A_74, %dma_start3A_243] : memref<2x12544x128xi32, #tpu.memory_space<hbm>> -> memref<1x4x128xi32, #tpu.memory_space<hbm>>
        %dma_start3A_245 = tpu.memref_squeeze %dma_start3A_244 : memref<1x4x128xi32, #tpu.memory_space<hbm>> -> memref<4x128xi32, #tpu.memory_space<hbm>>
        %dma_start3A_246 = arith.constant 0 : i32
        %dma_start3A_247 = tpu.memref_slice %arg2[%arg0, %add3A_74, %dma_start3A_246] : memref<2x12544x128xi32, #tpu.memory_space<hbm>> -> memref<1x4x128xi32, #tpu.memory_space<hbm>>
        %dma_start3A_248 = tpu.memref_squeeze %dma_start3A_247 : memref<1x4x128xi32, #tpu.memory_space<hbm>> -> memref<4x128xi32, #tpu.memory_space<hbm>>
        tpu.enqueue_dma source(%dma_start3A_248 : memref<4x128xi32, #tpu.memory_space<hbm>>) target(%arg8 : memref<4x128xi32, #tpu.memory_space<vmem>>) target_semaphore(%run_scoped3A_242 : memref<!tpu.dma_semaphore, #tpu.memory_space<semaphore_mem>>)
        %dma_wait3A_249 = arith.constant 0 : i32
        %dma_wait3A_250 = tpu.memref_slice %arg2[%arg0, %add3A_74, %dma_wait3A_249] : memref<2x12544x128xi32, #tpu.memory_space<hbm>> -> memref<1x4x128xi32, #tpu.memory_space<hbm>>
        %dma_wait3A_251 = tpu.memref_squeeze %dma_wait3A_250 : memref<1x4x128xi32, #tpu.memory_space<hbm>> -> memref<4x128xi32, #tpu.memory_space<hbm>>
        %dma_wait3A_252 = arith.constant 0 : i32
        %dma_wait3A_253 = tpu.memref_slice %arg2[%arg0, %add3A_74, %dma_wait3A_252] : memref<2x12544x128xi32, #tpu.memory_space<hbm>> -> memref<1x4x128xi32, #tpu.memory_space<hbm>>
        %dma_wait3A_254 = tpu.memref_squeeze %dma_wait3A_253 : memref<1x4x128xi32, #tpu.memory_space<hbm>> -> memref<4x128xi32, #tpu.memory_space<hbm>>
        tpu.wait_dma2 semaphore(%run_scoped3A_242 : memref<!tpu.dma_semaphore, #tpu.memory_space<semaphore_mem>>) src(%dma_wait3A_254 : memref<4x128xi32, #tpu.memory_space<hbm>>) dst(%arg8 : memref<4x128xi32, #tpu.memory_space<vmem>>)
        tpu.yield
      }) : () -> ()
      "tpu.region"() ({
        %run_scoped3A_242 = tpu.sem_alloc : memref<!tpu.dma_semaphore, #tpu.memory_space<semaphore_mem>>
        %dma_start3A_243 = arith.constant 0 : i32
        %dma_start3A_244 = tpu.memref_slice %arg3[%add3A_74, %dma_start3A_243] : memref<12544x128xi32, #tpu.memory_space<hbm>> -> memref<4x128xi32, #tpu.memory_space<hbm>>
        %dma_start3A_245 = arith.constant 0 : i32
        %dma_start3A_246 = tpu.memref_slice %arg3[%add3A_74, %dma_start3A_245] : memref<12544x128xi32, #tpu.memory_space<hbm>> -> memref<4x128xi32, #tpu.memory_space<hbm>>
        tpu.enqueue_dma source(%dma_start3A_246 : memref<4x128xi32, #tpu.memory_space<hbm>>) target(%arg9 : memref<4x128xi32, #tpu.memory_space<vmem>>) target_semaphore(%run_scoped3A_242 : memref<!tpu.dma_semaphore, #tpu.memory_space<semaphore_mem>>)
        %dma_wait3A_247 = arith.constant 0 : i32
        %dma_wait3A_248 = tpu.memref_slice %arg3[%add3A_74, %dma_wait3A_247] : memref<12544x128xi32, #tpu.memory_space<hbm>> -> memref<4x128xi32, #tpu.memory_space<hbm>>
        %dma_wait3A_249 = arith.constant 0 : i32
        %dma_wait3A_250 = tpu.memref_slice %arg3[%add3A_74, %dma_wait3A_249] : memref<12544x128xi32, #tpu.memory_space<hbm>> -> memref<4x128xi32, #tpu.memory_space<hbm>>
        tpu.wait_dma2 semaphore(%run_scoped3A_242 : memref<!tpu.dma_semaphore, #tpu.memory_space<semaphore_mem>>) src(%dma_wait3A_250 : memref<4x128xi32, #tpu.memory_space<hbm>>) dst(%arg9 : memref<4x128xi32, #tpu.memory_space<vmem>>)
        tpu.yield
      }) : () -> ()
      %dma_start3A = arith.constant 0 : i32
      %dma_start3A_75 = arith.constant 0 : i32
      %dma_start3A_76 = arith.constant 0 : i32
      %dma_start3A_77 = tpu.memref_slice %arg10[%dma_start3A_75, %dma_start3A_76] : memref<512x16xf32, #tpu.memory_space<vmem>> -> memref<128x16xf32, #tpu.memory_space<vmem>>
      %dma_start3A_78 = arith.constant 0 : i32
      %dma_start3A_79 = tpu.memref_slice %arg8[%dma_start3A, %dma_start3A_78] : memref<4x128xi32, #tpu.memory_space<vmem>> -> memref<1x128xi32, #tpu.memory_space<vmem>>
      %dma_start3A_80 = tpu.memref_squeeze %dma_start3A_79 : memref<1x128xi32, #tpu.memory_space<vmem>> -> memref<128xi32, #tpu.memory_space<vmem>>
      %dma_start3A_81 = arith.constant 0 : i32
      %dma_start3A_82 = arith.constant 0 : i32
      %dma_start3A_83 = tpu.memref_slice %arg4[%dma_start3A_81, %dma_start3A_82] : memref<100000x16xf32, #tpu.memory_space<hbm>> -> memref<100000x16xf32, #tpu.memory_space<hbm>>
      tpu.enqueue_indirect_dma source(%dma_start3A_83 : memref<100000x16xf32, #tpu.memory_space<hbm>>) target(%dma_start3A_77 : memref<128x16xf32, #tpu.memory_space<vmem>>) offsets(%dma_start3A_80 : memref<128xi32, #tpu.memory_space<vmem>>) semaphore(%arg14 : memref<!tpu.dma_semaphore, #tpu.memory_space<semaphore_mem>>)
      %dma_start3A_84 = arith.constant 0 : i32
      %dma_start3A_85 = arith.constant 0 : i32
      %dma_start3A_86 = arith.constant 0 : i32
      %dma_start3A_87 = tpu.memref_slice %arg11[%dma_start3A_85, %dma_start3A_86] : memref<512x16xf32, #tpu.memory_space<vmem>> -> memref<128x16xf32, #tpu.memory_space<vmem>>
      %dma_start3A_88 = arith.constant 0 : i32
      %dma_start3A_89 = tpu.memref_slice %arg9[%dma_start3A_84, %dma_start3A_88] : memref<4x128xi32, #tpu.memory_space<vmem>> -> memref<1x128xi32, #tpu.memory_space<vmem>>
      %dma_start3A_90 = tpu.memref_squeeze %dma_start3A_89 : memref<1x128xi32, #tpu.memory_space<vmem>> -> memref<128xi32, #tpu.memory_space<vmem>>
      %dma_start3A_91 = arith.constant 0 : i32
      %dma_start3A_92 = arith.constant 0 : i32
      %dma_start3A_93 = tpu.memref_slice %arg5[%dma_start3A_91, %dma_start3A_92] : memref<50008x16xf32, #tpu.memory_space<hbm>> -> memref<50008x16xf32, #tpu.memory_space<hbm>>
      tpu.enqueue_indirect_dma source(%dma_start3A_93 : memref<50008x16xf32, #tpu.memory_space<hbm>>) target(%dma_start3A_87 : memref<128x16xf32, #tpu.memory_space<vmem>>) offsets(%dma_start3A_90 : memref<128xi32, #tpu.memory_space<vmem>>) semaphore(%arg14 : memref<!tpu.dma_semaphore, #tpu.memory_space<semaphore_mem>>)
      %dma_start3A_94 = arith.constant 1 : i32
      %dma_start3A_95 = arith.constant 128 : i32
      %dma_start3A_96 = arith.constant 0 : i32
      %dma_start3A_97 = tpu.memref_slice %arg10[%dma_start3A_95, %dma_start3A_96] : memref<512x16xf32, #tpu.memory_space<vmem>> -> memref<128x16xf32, #tpu.memory_space<vmem>>
      %dma_start3A_98 = arith.constant 0 : i32
      %dma_start3A_99 = tpu.memref_slice %arg8[%dma_start3A_94, %dma_start3A_98] : memref<4x128xi32, #tpu.memory_space<vmem>> -> memref<1x128xi32, #tpu.memory_space<vmem>>
      %dma_start3A_100 = tpu.memref_squeeze %dma_start3A_99 : memref<1x128xi32, #tpu.memory_space<vmem>> -> memref<128xi32, #tpu.memory_space<vmem>>
      %dma_start3A_101 = arith.constant 0 : i32
      %dma_start3A_102 = arith.constant 0 : i32
      %dma_start3A_103 = tpu.memref_slice %arg4[%dma_start3A_101, %dma_start3A_102] : memref<100000x16xf32, #tpu.memory_space<hbm>> -> memref<100000x16xf32, #tpu.memory_space<hbm>>
      tpu.enqueue_indirect_dma source(%dma_start3A_103 : memref<100000x16xf32, #tpu.memory_space<hbm>>) target(%dma_start3A_97 : memref<128x16xf32, #tpu.memory_space<vmem>>) offsets(%dma_start3A_100 : memref<128xi32, #tpu.memory_space<vmem>>) semaphore(%arg14 : memref<!tpu.dma_semaphore, #tpu.memory_space<semaphore_mem>>)
      %dma_start3A_104 = arith.constant 1 : i32
      %dma_start3A_105 = arith.constant 128 : i32
      %dma_start3A_106 = arith.constant 0 : i32
      %dma_start3A_107 = tpu.memref_slice %arg11[%dma_start3A_105, %dma_start3A_106] : memref<512x16xf32, #tpu.memory_space<vmem>> -> memref<128x16xf32, #tpu.memory_space<vmem>>
      %dma_start3A_108 = arith.constant 0 : i32
      %dma_start3A_109 = tpu.memref_slice %arg9[%dma_start3A_104, %dma_start3A_108] : memref<4x128xi32, #tpu.memory_space<vmem>> -> memref<1x128xi32, #tpu.memory_space<vmem>>
      %dma_start3A_110 = tpu.memref_squeeze %dma_start3A_109 : memref<1x128xi32, #tpu.memory_space<vmem>> -> memref<128xi32, #tpu.memory_space<vmem>>
      %dma_start3A_111 = arith.constant 0 : i32
      %dma_start3A_112 = arith.constant 0 : i32
      %dma_start3A_113 = tpu.memref_slice %arg5[%dma_start3A_111, %dma_start3A_112] : memref<50008x16xf32, #tpu.memory_space<hbm>> -> memref<50008x16xf32, #tpu.memory_space<hbm>>
      tpu.enqueue_indirect_dma source(%dma_start3A_113 : memref<50008x16xf32, #tpu.memory_space<hbm>>) target(%dma_start3A_107 : memref<128x16xf32, #tpu.memory_space<vmem>>) offsets(%dma_start3A_110 : memref<128xi32, #tpu.memory_space<vmem>>) semaphore(%arg14 : memref<!tpu.dma_semaphore, #tpu.memory_space<semaphore_mem>>)
      %dma_start3A_114 = arith.constant 2 : i32
      %dma_start3A_115 = arith.constant 256 : i32
      %dma_start3A_116 = arith.constant 0 : i32
      %dma_start3A_117 = tpu.memref_slice %arg10[%dma_start3A_115, %dma_start3A_116] : memref<512x16xf32, #tpu.memory_space<vmem>> -> memref<128x16xf32, #tpu.memory_space<vmem>>
      %dma_start3A_118 = arith.constant 0 : i32
      %dma_start3A_119 = tpu.memref_slice %arg8[%dma_start3A_114, %dma_start3A_118] : memref<4x128xi32, #tpu.memory_space<vmem>> -> memref<1x128xi32, #tpu.memory_space<vmem>>
      %dma_start3A_120 = tpu.memref_squeeze %dma_start3A_119 : memref<1x128xi32, #tpu.memory_space<vmem>> -> memref<128xi32, #tpu.memory_space<vmem>>
      %dma_start3A_121 = arith.constant 0 : i32
      %dma_start3A_122 = arith.constant 0 : i32
      %dma_start3A_123 = tpu.memref_slice %arg4[%dma_start3A_121, %dma_start3A_122] : memref<100000x16xf32, #tpu.memory_space<hbm>> -> memref<100000x16xf32, #tpu.memory_space<hbm>>
      tpu.enqueue_indirect_dma source(%dma_start3A_123 : memref<100000x16xf32, #tpu.memory_space<hbm>>) target(%dma_start3A_117 : memref<128x16xf32, #tpu.memory_space<vmem>>) offsets(%dma_start3A_120 : memref<128xi32, #tpu.memory_space<vmem>>) semaphore(%arg14 : memref<!tpu.dma_semaphore, #tpu.memory_space<semaphore_mem>>)
      %dma_start3A_124 = arith.constant 2 : i32
      %dma_start3A_125 = arith.constant 256 : i32
      %dma_start3A_126 = arith.constant 0 : i32
      %dma_start3A_127 = tpu.memref_slice %arg11[%dma_start3A_125, %dma_start3A_126] : memref<512x16xf32, #tpu.memory_space<vmem>> -> memref<128x16xf32, #tpu.memory_space<vmem>>
      %dma_start3A_128 = arith.constant 0 : i32
      %dma_start3A_129 = tpu.memref_slice %arg9[%dma_start3A_124, %dma_start3A_128] : memref<4x128xi32, #tpu.memory_space<vmem>> -> memref<1x128xi32, #tpu.memory_space<vmem>>
      %dma_start3A_130 = tpu.memref_squeeze %dma_start3A_129 : memref<1x128xi32, #tpu.memory_space<vmem>> -> memref<128xi32, #tpu.memory_space<vmem>>
      %dma_start3A_131 = arith.constant 0 : i32
      %dma_start3A_132 = arith.constant 0 : i32
      %dma_start3A_133 = tpu.memref_slice %arg5[%dma_start3A_131, %dma_start3A_132] : memref<50008x16xf32, #tpu.memory_space<hbm>> -> memref<50008x16xf32, #tpu.memory_space<hbm>>
      tpu.enqueue_indirect_dma source(%dma_start3A_133 : memref<50008x16xf32, #tpu.memory_space<hbm>>) target(%dma_start3A_127 : memref<128x16xf32, #tpu.memory_space<vmem>>) offsets(%dma_start3A_130 : memref<128xi32, #tpu.memory_space<vmem>>) semaphore(%arg14 : memref<!tpu.dma_semaphore, #tpu.memory_space<semaphore_mem>>)
      %dma_start3A_134 = arith.constant 3 : i32
      %dma_start3A_135 = arith.constant 384 : i32
      %dma_start3A_136 = arith.constant 0 : i32
      %dma_start3A_137 = tpu.memref_slice %arg10[%dma_start3A_135, %dma_start3A_136] : memref<512x16xf32, #tpu.memory_space<vmem>> -> memref<128x16xf32, #tpu.memory_space<vmem>>
      %dma_start3A_138 = arith.constant 0 : i32
      %dma_start3A_139 = tpu.memref_slice %arg8[%dma_start3A_134, %dma_start3A_138] : memref<4x128xi32, #tpu.memory_space<vmem>> -> memref<1x128xi32, #tpu.memory_space<vmem>>
      %dma_start3A_140 = tpu.memref_squeeze %dma_start3A_139 : memref<1x128xi32, #tpu.memory_space<vmem>> -> memref<128xi32, #tpu.memory_space<vmem>>
      %dma_start3A_141 = arith.constant 0 : i32
      %dma_start3A_142 = arith.constant 0 : i32
      %dma_start3A_143 = tpu.memref_slice %arg4[%dma_start3A_141, %dma_start3A_142] : memref<100000x16xf32, #tpu.memory_space<hbm>> -> memref<100000x16xf32, #tpu.memory_space<hbm>>
      tpu.enqueue_indirect_dma source(%dma_start3A_143 : memref<100000x16xf32, #tpu.memory_space<hbm>>) target(%dma_start3A_137 : memref<128x16xf32, #tpu.memory_space<vmem>>) offsets(%dma_start3A_140 : memref<128xi32, #tpu.memory_space<vmem>>) semaphore(%arg14 : memref<!tpu.dma_semaphore, #tpu.memory_space<semaphore_mem>>)
      %dma_start3A_144 = arith.constant 3 : i32
      %dma_start3A_145 = arith.constant 384 : i32
      %dma_start3A_146 = arith.constant 0 : i32
      %dma_start3A_147 = tpu.memref_slice %arg11[%dma_start3A_145, %dma_start3A_146] : memref<512x16xf32, #tpu.memory_space<vmem>> -> memref<128x16xf32, #tpu.memory_space<vmem>>
      %dma_start3A_148 = arith.constant 0 : i32
      %dma_start3A_149 = tpu.memref_slice %arg9[%dma_start3A_144, %dma_start3A_148] : memref<4x128xi32, #tpu.memory_space<vmem>> -> memref<1x128xi32, #tpu.memory_space<vmem>>
      %dma_start3A_150 = tpu.memref_squeeze %dma_start3A_149 : memref<1x128xi32, #tpu.memory_space<vmem>> -> memref<128xi32, #tpu.memory_space<vmem>>
      %dma_start3A_151 = arith.constant 0 : i32
      %dma_start3A_152 = arith.constant 0 : i32
      %dma_start3A_153 = tpu.memref_slice %arg5[%dma_start3A_151, %dma_start3A_152] : memref<50008x16xf32, #tpu.memory_space<hbm>> -> memref<50008x16xf32, #tpu.memory_space<hbm>>
      tpu.enqueue_indirect_dma source(%dma_start3A_153 : memref<50008x16xf32, #tpu.memory_space<hbm>>) target(%dma_start3A_147 : memref<128x16xf32, #tpu.memory_space<vmem>>) offsets(%dma_start3A_150 : memref<128xi32, #tpu.memory_space<vmem>>) semaphore(%arg14 : memref<!tpu.dma_semaphore, #tpu.memory_space<semaphore_mem>>)
      %dma_wait3A = arith.constant 0 : i32
      %dma_wait3A_154 = arith.constant 0 : i32
      %dma_wait3A_155 = arith.constant 0 : i32
      %dma_wait3A_156 = tpu.memref_slice %arg10[%dma_wait3A_154, %dma_wait3A_155] : memref<512x16xf32, #tpu.memory_space<vmem>> -> memref<128x16xf32, #tpu.memory_space<vmem>>
      %dma_wait3A_157 = arith.constant 0 : i32
      %dma_wait3A_158 = tpu.memref_slice %arg8[%dma_wait3A, %dma_wait3A_157] : memref<4x128xi32, #tpu.memory_space<vmem>> -> memref<1x128xi32, #tpu.memory_space<vmem>>
      %dma_wait3A_159 = tpu.memref_squeeze %dma_wait3A_158 : memref<1x128xi32, #tpu.memory_space<vmem>> -> memref<128xi32, #tpu.memory_space<vmem>>
      %dma_wait3A_160 = arith.constant 0 : i32
      %dma_wait3A_161 = arith.constant 0 : i32
      %dma_wait3A_162 = tpu.memref_slice %arg4[%dma_wait3A_160, %dma_wait3A_161] : memref<100000x16xf32, #tpu.memory_space<hbm>> -> memref<100000x16xf32, #tpu.memory_space<hbm>>
      tpu.wait_indirect_dma semaphore(%arg14 : memref<!tpu.dma_semaphore, #tpu.memory_space<semaphore_mem>>) src(%dma_wait3A_162 : memref<100000x16xf32, #tpu.memory_space<hbm>>) dst(%dma_wait3A_156 : memref<128x16xf32, #tpu.memory_space<vmem>>)
      %dma_wait3A_163 = arith.constant 0 : i32
      %dma_wait3A_164 = arith.constant 0 : i32
      %dma_wait3A_165 = arith.constant 0 : i32
      %dma_wait3A_166 = tpu.memref_slice %arg11[%dma_wait3A_164, %dma_wait3A_165] : memref<512x16xf32, #tpu.memory_space<vmem>> -> memref<128x16xf32, #tpu.memory_space<vmem>>
      %dma_wait3A_167 = arith.constant 0 : i32
      %dma_wait3A_168 = tpu.memref_slice %arg9[%dma_wait3A_163, %dma_wait3A_167] : memref<4x128xi32, #tpu.memory_space<vmem>> -> memref<1x128xi32, #tpu.memory_space<vmem>>
      %dma_wait3A_169 = tpu.memref_squeeze %dma_wait3A_168 : memref<1x128xi32, #tpu.memory_space<vmem>> -> memref<128xi32, #tpu.memory_space<vmem>>
      %dma_wait3A_170 = arith.constant 0 : i32
      %dma_wait3A_171 = arith.constant 0 : i32
      %dma_wait3A_172 = tpu.memref_slice %arg5[%dma_wait3A_170, %dma_wait3A_171] : memref<50008x16xf32, #tpu.memory_space<hbm>> -> memref<50008x16xf32, #tpu.memory_space<hbm>>
      tpu.wait_indirect_dma semaphore(%arg14 : memref<!tpu.dma_semaphore, #tpu.memory_space<semaphore_mem>>) src(%dma_wait3A_172 : memref<50008x16xf32, #tpu.memory_space<hbm>>) dst(%dma_wait3A_166 : memref<128x16xf32, #tpu.memory_space<vmem>>)
      %dma_wait3A_173 = arith.constant 1 : i32
      %dma_wait3A_174 = arith.constant 128 : i32
      %dma_wait3A_175 = arith.constant 0 : i32
      %dma_wait3A_176 = tpu.memref_slice %arg10[%dma_wait3A_174, %dma_wait3A_175] : memref<512x16xf32, #tpu.memory_space<vmem>> -> memref<128x16xf32, #tpu.memory_space<vmem>>
      %dma_wait3A_177 = arith.constant 0 : i32
      %dma_wait3A_178 = tpu.memref_slice %arg8[%dma_wait3A_173, %dma_wait3A_177] : memref<4x128xi32, #tpu.memory_space<vmem>> -> memref<1x128xi32, #tpu.memory_space<vmem>>
      %dma_wait3A_179 = tpu.memref_squeeze %dma_wait3A_178 : memref<1x128xi32, #tpu.memory_space<vmem>> -> memref<128xi32, #tpu.memory_space<vmem>>
      %dma_wait3A_180 = arith.constant 0 : i32
      %dma_wait3A_181 = arith.constant 0 : i32
      %dma_wait3A_182 = tpu.memref_slice %arg4[%dma_wait3A_180, %dma_wait3A_181] : memref<100000x16xf32, #tpu.memory_space<hbm>> -> memref<100000x16xf32, #tpu.memory_space<hbm>>
      tpu.wait_indirect_dma semaphore(%arg14 : memref<!tpu.dma_semaphore, #tpu.memory_space<semaphore_mem>>) src(%dma_wait3A_182 : memref<100000x16xf32, #tpu.memory_space<hbm>>) dst(%dma_wait3A_176 : memref<128x16xf32, #tpu.memory_space<vmem>>)
      %dma_wait3A_183 = arith.constant 1 : i32
      %dma_wait3A_184 = arith.constant 128 : i32
      %dma_wait3A_185 = arith.constant 0 : i32
      %dma_wait3A_186 = tpu.memref_slice %arg11[%dma_wait3A_184, %dma_wait3A_185] : memref<512x16xf32, #tpu.memory_space<vmem>> -> memref<128x16xf32, #tpu.memory_space<vmem>>
      %dma_wait3A_187 = arith.constant 0 : i32
      %dma_wait3A_188 = tpu.memref_slice %arg9[%dma_wait3A_183, %dma_wait3A_187] : memref<4x128xi32, #tpu.memory_space<vmem>> -> memref<1x128xi32, #tpu.memory_space<vmem>>
      %dma_wait3A_189 = tpu.memref_squeeze %dma_wait3A_188 : memref<1x128xi32, #tpu.memory_space<vmem>> -> memref<128xi32, #tpu.memory_space<vmem>>
      %dma_wait3A_190 = arith.constant 0 : i32
      %dma_wait3A_191 = arith.constant 0 : i32
      %dma_wait3A_192 = tpu.memref_slice %arg5[%dma_wait3A_190, %dma_wait3A_191] : memref<50008x16xf32, #tpu.memory_space<hbm>> -> memref<50008x16xf32, #tpu.memory_space<hbm>>
      tpu.wait_indirect_dma semaphore(%arg14 : memref<!tpu.dma_semaphore, #tpu.memory_space<semaphore_mem>>) src(%dma_wait3A_192 : memref<50008x16xf32, #tpu.memory_space<hbm>>) dst(%dma_wait3A_186 : memref<128x16xf32, #tpu.memory_space<vmem>>)
      %dma_wait3A_193 = arith.constant 2 : i32
      %dma_wait3A_194 = arith.constant 256 : i32
      %dma_wait3A_195 = arith.constant 0 : i32
      %dma_wait3A_196 = tpu.memref_slice %arg10[%dma_wait3A_194, %dma_wait3A_195] : memref<512x16xf32, #tpu.memory_space<vmem>> -> memref<128x16xf32, #tpu.memory_space<vmem>>
      %dma_wait3A_197 = arith.constant 0 : i32
      %dma_wait3A_198 = tpu.memref_slice %arg8[%dma_wait3A_193, %dma_wait3A_197] : memref<4x128xi32, #tpu.memory_space<vmem>> -> memref<1x128xi32, #tpu.memory_space<vmem>>
      %dma_wait3A_199 = tpu.memref_squeeze %dma_wait3A_198 : memref<1x128xi32, #tpu.memory_space<vmem>> -> memref<128xi32, #tpu.memory_space<vmem>>
      %dma_wait3A_200 = arith.constant 0 : i32
      %dma_wait3A_201 = arith.constant 0 : i32
      %dma_wait3A_202 = tpu.memref_slice %arg4[%dma_wait3A_200, %dma_wait3A_201] : memref<100000x16xf32, #tpu.memory_space<hbm>> -> memref<100000x16xf32, #tpu.memory_space<hbm>>
      tpu.wait_indirect_dma semaphore(%arg14 : memref<!tpu.dma_semaphore, #tpu.memory_space<semaphore_mem>>) src(%dma_wait3A_202 : memref<100000x16xf32, #tpu.memory_space<hbm>>) dst(%dma_wait3A_196 : memref<128x16xf32, #tpu.memory_space<vmem>>)
      %dma_wait3A_203 = arith.constant 2 : i32
      %dma_wait3A_204 = arith.constant 256 : i32
      %dma_wait3A_205 = arith.constant 0 : i32
      %dma_wait3A_206 = tpu.memref_slice %arg11[%dma_wait3A_204, %dma_wait3A_205] : memref<512x16xf32, #tpu.memory_space<vmem>> -> memref<128x16xf32, #tpu.memory_space<vmem>>
      %dma_wait3A_207 = arith.constant 0 : i32
      %dma_wait3A_208 = tpu.memref_slice %arg9[%dma_wait3A_203, %dma_wait3A_207] : memref<4x128xi32, #tpu.memory_space<vmem>> -> memref<1x128xi32, #tpu.memory_space<vmem>>
      %dma_wait3A_209 = tpu.memref_squeeze %dma_wait3A_208 : memref<1x128xi32, #tpu.memory_space<vmem>> -> memref<128xi32, #tpu.memory_space<vmem>>
      %dma_wait3A_210 = arith.constant 0 : i32
      %dma_wait3A_211 = arith.constant 0 : i32
      %dma_wait3A_212 = tpu.memref_slice %arg5[%dma_wait3A_210, %dma_wait3A_211] : memref<50008x16xf32, #tpu.memory_space<hbm>> -> memref<50008x16xf32, #tpu.memory_space<hbm>>
      tpu.wait_indirect_dma semaphore(%arg14 : memref<!tpu.dma_semaphore, #tpu.memory_space<semaphore_mem>>) src(%dma_wait3A_212 : memref<50008x16xf32, #tpu.memory_space<hbm>>) dst(%dma_wait3A_206 : memref<128x16xf32, #tpu.memory_space<vmem>>)
      %dma_wait3A_213 = arith.constant 3 : i32
      %dma_wait3A_214 = arith.constant 384 : i32
      %dma_wait3A_215 = arith.constant 0 : i32
      %dma_wait3A_216 = tpu.memref_slice %arg10[%dma_wait3A_214, %dma_wait3A_215] : memref<512x16xf32, #tpu.memory_space<vmem>> -> memref<128x16xf32, #tpu.memory_space<vmem>>
      %dma_wait3A_217 = arith.constant 0 : i32
      %dma_wait3A_218 = tpu.memref_slice %arg8[%dma_wait3A_213, %dma_wait3A_217] : memref<4x128xi32, #tpu.memory_space<vmem>> -> memref<1x128xi32, #tpu.memory_space<vmem>>
      %dma_wait3A_219 = tpu.memref_squeeze %dma_wait3A_218 : memref<1x128xi32, #tpu.memory_space<vmem>> -> memref<128xi32, #tpu.memory_space<vmem>>
      %dma_wait3A_220 = arith.constant 0 : i32
      %dma_wait3A_221 = arith.constant 0 : i32
      %dma_wait3A_222 = tpu.memref_slice %arg4[%dma_wait3A_220, %dma_wait3A_221] : memref<100000x16xf32, #tpu.memory_space<hbm>> -> memref<100000x16xf32, #tpu.memory_space<hbm>>
      tpu.wait_indirect_dma semaphore(%arg14 : memref<!tpu.dma_semaphore, #tpu.memory_space<semaphore_mem>>) src(%dma_wait3A_222 : memref<100000x16xf32, #tpu.memory_space<hbm>>) dst(%dma_wait3A_216 : memref<128x16xf32, #tpu.memory_space<vmem>>)
      %dma_wait3A_223 = arith.constant 3 : i32
      %dma_wait3A_224 = arith.constant 384 : i32
      %dma_wait3A_225 = arith.constant 0 : i32
      %dma_wait3A_226 = tpu.memref_slice %arg11[%dma_wait3A_224, %dma_wait3A_225] : memref<512x16xf32, #tpu.memory_space<vmem>> -> memref<128x16xf32, #tpu.memory_space<vmem>>
      %dma_wait3A_227 = arith.constant 0 : i32
      %dma_wait3A_228 = tpu.memref_slice %arg9[%dma_wait3A_223, %dma_wait3A_227] : memref<4x128xi32, #tpu.memory_space<vmem>> -> memref<1x128xi32, #tpu.memory_space<vmem>>
      %dma_wait3A_229 = tpu.memref_squeeze %dma_wait3A_228 : memref<1x128xi32, #tpu.memory_space<vmem>> -> memref<128xi32, #tpu.memory_space<vmem>>
      %dma_wait3A_230 = arith.constant 0 : i32
      %dma_wait3A_231 = arith.constant 0 : i32
      %dma_wait3A_232 = tpu.memref_slice %arg5[%dma_wait3A_230, %dma_wait3A_231] : memref<50008x16xf32, #tpu.memory_space<hbm>> -> memref<50008x16xf32, #tpu.memory_space<hbm>>
      tpu.wait_indirect_dma semaphore(%arg14 : memref<!tpu.dma_semaphore, #tpu.memory_space<semaphore_mem>>) src(%dma_wait3A_232 : memref<50008x16xf32, #tpu.memory_space<hbm>>) dst(%dma_wait3A_226 : memref<128x16xf32, #tpu.memory_space<vmem>>)
      %scan3A_233 = arith.constant 0 : i32
      %scan3A_234 = arith.constant 0 : i32
      %scan3A_235 = arith.constant 32 : i32
      %scan3A_236 = arith.addi %scan3A_234, %scan3A_235 : i32
      %scan3A_237 = arith.constant 1 : i32
      scf.for %scan3A_242 = %scan3A_234 to %scan3A_236 step %scan3A_237  : i32 {
        %mul3A_243 = arith.constant 16 : i32
        %mul3A_244 = arith.muli %scan3A_242, %mul3A_243 : i32
        %add3A_245 = vector.broadcast %mul3A_244 : i32 to vector<16xi32>
        %add3A_246 = arith.addi %add3A_245, %iota3A : vector<16xi32>
        %gather3A = tpu.vector_load_idx %arg10[%add3A_246, %broadcast_in_dim3A_3] : memref<512x16xf32, #tpu.memory_space<vmem>>[vector<16xi32>, vector<16xi32>], vector<16xf32>,
        %gather3A_247 = tpu.vector_load_idx %arg10[%add3A_246, %broadcast_in_dim3A_5] : memref<512x16xf32, #tpu.memory_space<vmem>>[vector<16xi32>, vector<16xi32>], vector<16xf32>,
        %gather3A_248 = tpu.vector_load_idx %arg10[%add3A_246, %broadcast_in_dim3A_7] : memref<512x16xf32, #tpu.memory_space<vmem>>[vector<16xi32>, vector<16xi32>], vector<16xf32>,
        %gather3A_249 = tpu.vector_load_idx %arg10[%add3A_246, %broadcast_in_dim3A_9] : memref<512x16xf32, #tpu.memory_space<vmem>>[vector<16xi32>, vector<16xi32>], vector<16xf32>,
        %gather3A_250 = tpu.vector_load_idx %arg10[%add3A_246, %broadcast_in_dim3A_11] : memref<512x16xf32, #tpu.memory_space<vmem>>[vector<16xi32>, vector<16xi32>], vector<16xf32>,
        %gather3A_251 = tpu.vector_load_idx %arg10[%add3A_246, %broadcast_in_dim3A_13] : memref<512x16xf32, #tpu.memory_space<vmem>>[vector<16xi32>, vector<16xi32>], vector<16xf32>,
        %gather3A_252 = tpu.vector_load_idx %arg10[%add3A_246, %broadcast_in_dim3A_15] : memref<512x16xf32, #tpu.memory_space<vmem>>[vector<16xi32>, vector<16xi32>], vector<16xf32>,
        %gather3A_253 = tpu.vector_load_idx %arg10[%add3A_246, %broadcast_in_dim3A_17] : memref<512x16xf32, #tpu.memory_space<vmem>>[vector<16xi32>, vector<16xi32>], vector<16xf32>,
        %gather3A_254 = tpu.vector_load_idx %arg10[%add3A_246, %broadcast_in_dim3A_19] : memref<512x16xf32, #tpu.memory_space<vmem>>[vector<16xi32>, vector<16xi32>], vector<16xf32>,
        %gather3A_255 = tpu.vector_load_idx %arg10[%add3A_246, %broadcast_in_dim3A_21] : memref<512x16xf32, #tpu.memory_space<vmem>>[vector<16xi32>, vector<16xi32>], vector<16xf32>,
        %gather3A_256 = tpu.vector_load_idx %arg10[%add3A_246, %broadcast_in_dim3A_23] : memref<512x16xf32, #tpu.memory_space<vmem>>[vector<16xi32>, vector<16xi32>], vector<16xf32>,
        %gather3A_257 = tpu.vector_load_idx %arg10[%add3A_246, %broadcast_in_dim3A_25] : memref<512x16xf32, #tpu.memory_space<vmem>>[vector<16xi32>, vector<16xi32>], vector<16xf32>,
        %gather3A_258 = tpu.vector_load_idx %arg10[%add3A_246, %broadcast_in_dim3A_27] : memref<512x16xf32, #tpu.memory_space<vmem>>[vector<16xi32>, vector<16xi32>], vector<16xf32>,
        %gather3A_259 = tpu.vector_load_idx %arg11[%add3A_246, %add3A_52] : memref<512x16xf32, #tpu.memory_space<vmem>>[vector<16xi32>, vector<16xi32>], vector<16xf32>,
        %gather3A_260 = tpu.vector_load_idx %arg11[%add3A_246, %add3A_54] : memref<512x16xf32, #tpu.memory_space<vmem>>[vector<16xi32>, vector<16xi32>], vector<16xf32>,
        %gather3A_261 = tpu.vector_load_idx %arg11[%add3A_246, %add3A_56] : memref<512x16xf32, #tpu.memory_space<vmem>>[vector<16xi32>, vector<16xi32>], vector<16xf32>,
        %gather3A_262 = tpu.vector_load_idx %arg11[%add3A_246, %add3A_58] : memref<512x16xf32, #tpu.memory_space<vmem>>[vector<16xi32>, vector<16xi32>], vector<16xf32>,
        %add3A_263 = arith.addf %gather3A_257, %gather3A_259 : vector<16xf32>
        %ge3A = arith.constant 0.000000e+00 : f32
        %ge3A_264 = vector.broadcast %ge3A : f32 to vector<16xf32>
        %ge3A_265 = arith.cmpf oge, %add3A_263, %ge3A_264 : vector<16xf32>
        %mul3A_266 = arith.constant 2.000000e-01 : f32
        %mul3A_267 = vector.broadcast %mul3A_266 : f32 to vector<16xf32>
        %mul3A_268 = arith.mulf %mul3A_267, %add3A_263 : vector<16xf32>
        %select_n3A = arith.select %ge3A_265, %add3A_263, %mul3A_268 : vector<16xi1>, vector<16xf32>
        %sub3A = arith.subf %select_n3A, %gather3A_261 : vector<16xf32>
        %exp3A = math.exp %sub3A : vector<16xf32>
        %add3A_269 = arith.addf %gather3A_258, %gather3A_260 : vector<16xf32>
        %ge3A_270 = arith.constant 0.000000e+00 : f32
        %ge3A_271 = vector.broadcast %ge3A_270 : f32 to vector<16xf32>
        %ge3A_272 = arith.cmpf oge, %add3A_269, %ge3A_271 : vector<16xf32>
        %mul3A_273 = arith.constant 2.000000e-01 : f32
        %mul3A_274 = vector.broadcast %mul3A_273 : f32 to vector<16xf32>
        %mul3A_275 = arith.mulf %mul3A_274, %add3A_269 : vector<16xf32>
        %select_n3A_276 = arith.select %ge3A_272, %add3A_269, %mul3A_275 : vector<16xi1>, vector<16xf32>
        %sub3A_277 = arith.subf %select_n3A_276, %gather3A_262 : vector<16xf32>
        %exp3A_278 = math.exp %sub3A_277 : vector<16xf32>
        tpu.vector_store_idx %arg12[%add3A_246, %broadcast_in_dim3A_3], %exp3A : memref<512x24xf32, #tpu.memory_space<vmem>>[vector<16xi32>, vector<16xi32>], vector<16xf32>,
        tpu.vector_store_idx %arg12[%add3A_246, %broadcast_in_dim3A_5], %exp3A_278 : memref<512x24xf32, #tpu.memory_space<vmem>>[vector<16xi32>, vector<16xi32>], vector<16xf32>,
        %mul3A_279 = arith.mulf %exp3A, %gather3A : vector<16xf32>
        tpu.vector_store_idx %arg12[%add3A_246, %broadcast_in_dim3A_7], %mul3A_279 : memref<512x24xf32, #tpu.memory_space<vmem>>[vector<16xi32>, vector<16xi32>], vector<16xf32>,
        %mul3A_280 = arith.mulf %exp3A_278, %gather3A : vector<16xf32>
        tpu.vector_store_idx %arg12[%add3A_246, %broadcast_in_dim3A_29], %mul3A_280 : memref<512x24xf32, #tpu.memory_space<vmem>>[vector<16xi32>, vector<16xi32>], vector<16xf32>,
        %mul3A_281 = arith.mulf %exp3A, %gather3A_247 : vector<16xf32>
        tpu.vector_store_idx %arg12[%add3A_246, %broadcast_in_dim3A_9], %mul3A_281 : memref<512x24xf32, #tpu.memory_space<vmem>>[vector<16xi32>, vector<16xi32>], vector<16xf32>,
        %mul3A_282 = arith.mulf %exp3A_278, %gather3A_247 : vector<16xf32>
        tpu.vector_store_idx %arg12[%add3A_246, %broadcast_in_dim3A_31], %mul3A_282 : memref<512x24xf32, #tpu.memory_space<vmem>>[vector<16xi32>, vector<16xi32>], vector<16xf32>,
        %mul3A_283 = arith.mulf %exp3A, %gather3A_248 : vector<16xf32>
        tpu.vector_store_idx %arg12[%add3A_246, %broadcast_in_dim3A_11], %mul3A_283 : memref<512x24xf32, #tpu.memory_space<vmem>>[vector<16xi32>, vector<16xi32>], vector<16xf32>,
        %mul3A_284 = arith.mulf %exp3A_278, %gather3A_248 : vector<16xf32>
        tpu.vector_store_idx %arg12[%add3A_246, %broadcast_in_dim3A_33], %mul3A_284 : memref<512x24xf32, #tpu.memory_space<vmem>>[vector<16xi32>, vector<16xi32>], vector<16xf32>,
        %mul3A_285 = arith.mulf %exp3A, %gather3A_249 : vector<16xf32>
        tpu.vector_store_idx %arg12[%add3A_246, %broadcast_in_dim3A_13], %mul3A_285 : memref<512x24xf32, #tpu.memory_space<vmem>>[vector<16xi32>, vector<16xi32>], vector<16xf32>,
        %mul3A_286 = arith.mulf %exp3A_278, %gather3A_249 : vector<16xf32>
        tpu.vector_store_idx %arg12[%add3A_246, %broadcast_in_dim3A_35], %mul3A_286 : memref<512x24xf32, #tpu.memory_space<vmem>>[vector<16xi32>, vector<16xi32>], vector<16xf32>,
        %mul3A_287 = arith.mulf %exp3A, %gather3A_250 : vector<16xf32>
        tpu.vector_store_idx %arg12[%add3A_246, %broadcast_in_dim3A_15], %mul3A_287 : memref<512x24xf32, #tpu.memory_space<vmem>>[vector<16xi32>, vector<16xi32>], vector<16xf32>,
        %mul3A_288 = arith.mulf %exp3A_278, %gather3A_250 : vector<16xf32>
        tpu.vector_store_idx %arg12[%add3A_246, %broadcast_in_dim3A_37], %mul3A_288 : memref<512x24xf32, #tpu.memory_space<vmem>>[vector<16xi32>, vector<16xi32>], vector<16xf32>,
        %mul3A_289 = arith.mulf %exp3A, %gather3A_251 : vector<16xf32>
        tpu.vector_store_idx %arg12[%add3A_246, %broadcast_in_dim3A_17], %mul3A_289 : memref<512x24xf32, #tpu.memory_space<vmem>>[vector<16xi32>, vector<16xi32>], vector<16xf32>,
        %mul3A_290 = arith.mulf %exp3A_278, %gather3A_251 : vector<16xf32>
        tpu.vector_store_idx %arg12[%add3A_246, %broadcast_in_dim3A_39], %mul3A_290 : memref<512x24xf32, #tpu.memory_space<vmem>>[vector<16xi32>, vector<16xi32>], vector<16xf32>,
        %mul3A_291 = arith.mulf %exp3A, %gather3A_252 : vector<16xf32>
        tpu.vector_store_idx %arg12[%add3A_246, %broadcast_in_dim3A_19], %mul3A_291 : memref<512x24xf32, #tpu.memory_space<vmem>>[vector<16xi32>, vector<16xi32>], vector<16xf32>,
        %mul3A_292 = arith.mulf %exp3A_278, %gather3A_252 : vector<16xf32>
        tpu.vector_store_idx %arg12[%add3A_246, %broadcast_in_dim3A_41], %mul3A_292 : memref<512x24xf32, #tpu.memory_space<vmem>>[vector<16xi32>, vector<16xi32>], vector<16xf32>,
        %mul3A_293 = arith.mulf %exp3A, %gather3A_253 : vector<16xf32>
        tpu.vector_store_idx %arg12[%add3A_246, %broadcast_in_dim3A_21], %mul3A_293 : memref<512x24xf32, #tpu.memory_space<vmem>>[vector<16xi32>, vector<16xi32>], vector<16xf32>,
        %mul3A_294 = arith.mulf %exp3A_278, %gather3A_253 : vector<16xf32>
        tpu.vector_store_idx %arg12[%add3A_246, %broadcast_in_dim3A_43], %mul3A_294 : memref<512x24xf32, #tpu.memory_space<vmem>>[vector<16xi32>, vector<16xi32>], vector<16xf32>,
        %mul3A_295 = arith.mulf %exp3A, %gather3A_254 : vector<16xf32>
        tpu.vector_store_idx %arg12[%add3A_246, %broadcast_in_dim3A_23], %mul3A_295 : memref<512x24xf32, #tpu.memory_space<vmem>>[vector<16xi32>, vector<16xi32>], vector<16xf32>,
        %mul3A_296 = arith.mulf %exp3A_278, %gather3A_254 : vector<16xf32>
        tpu.vector_store_idx %arg12[%add3A_246, %broadcast_in_dim3A_45], %mul3A_296 : memref<512x24xf32, #tpu.memory_space<vmem>>[vector<16xi32>, vector<16xi32>], vector<16xf32>,
        %mul3A_297 = arith.mulf %exp3A, %gather3A_255 : vector<16xf32>
        tpu.vector_store_idx %arg12[%add3A_246, %broadcast_in_dim3A_25], %mul3A_297 : memref<512x24xf32, #tpu.memory_space<vmem>>[vector<16xi32>, vector<16xi32>], vector<16xf32>,
        %mul3A_298 = arith.mulf %exp3A_278, %gather3A_255 : vector<16xf32>
        tpu.vector_store_idx %arg12[%add3A_246, %broadcast_in_dim3A_47], %mul3A_298 : memref<512x24xf32, #tpu.memory_space<vmem>>[vector<16xi32>, vector<16xi32>], vector<16xf32>,
        %mul3A_299 = arith.mulf %exp3A, %gather3A_256 : vector<16xf32>
        tpu.vector_store_idx %arg12[%add3A_246, %broadcast_in_dim3A_27], %mul3A_299 : memref<512x24xf32, #tpu.memory_space<vmem>>[vector<16xi32>, vector<16xi32>], vector<16xf32>,
        %mul3A_300 = arith.mulf %exp3A_278, %gather3A_256 : vector<16xf32>
        tpu.vector_store_idx %arg12[%add3A_246, %broadcast_in_dim3A_49], %mul3A_300 : memref<512x24xf32, #tpu.memory_space<vmem>>[vector<16xi32>, vector<16xi32>], vector<16xf32>,
      }
      %scan3A_238 = arith.constant 32 : i32
      %run_scoped3A = arith.constant 0 : i32
      "tpu.region"() ({
        %run_scoped3A_242 = tpu.sem_alloc : memref<!tpu.dma_semaphore, #tpu.memory_space<semaphore_mem>>
        %dma_start3A_243 = arith.constant 0 : i32
        %dma_start3A_244 = arith.constant 0 : i32
        %dma_start3A_245 = tpu.memref_slice %arg12[%dma_start3A_243, %dma_start3A_244] : memref<512x24xf32, #tpu.memory_space<vmem>> -> memref<128x24xf32, #tpu.memory_space<vmem>>
        %dma_start3A_246 = arith.constant 0 : i32
        %dma_start3A_247 = tpu.memref_slice %arg9[%run_scoped3A, %dma_start3A_246] : memref<4x128xi32, #tpu.memory_space<vmem>> -> memref<1x128xi32, #tpu.memory_space<vmem>>
        %dma_start3A_248 = tpu.memref_squeeze %dma_start3A_247 : memref<1x128xi32, #tpu.memory_space<vmem>> -> memref<128xi32, #tpu.memory_space<vmem>>
        %dma_start3A_249 = arith.constant 0 : i32
        %dma_start3A_250 = arith.constant 0 : i32
        %dma_start3A_251 = tpu.memref_slice %arg13[%dma_start3A_249, %dma_start3A_250] : memref<50048x24xf32, #tpu.memory_space<vmem_shared>> -> memref<50048x24xf32, #tpu.memory_space<vmem_shared>>
        tpu.enqueue_indirect_dma source(%dma_start3A_245 : memref<128x24xf32, #tpu.memory_space<vmem>>) target(%dma_start3A_251 : memref<50048x24xf32, #tpu.memory_space<vmem_shared>>) offsets(%dma_start3A_248 : memref<128xi32, #tpu.memory_space<vmem>>) semaphore(%run_scoped3A_242 : memref<!tpu.dma_semaphore, #tpu.memory_space<semaphore_mem>>) {add = true}
        %dma_wait3A_252 = arith.constant 0 : i32
        %dma_wait3A_253 = arith.constant 0 : i32
        %dma_wait3A_254 = tpu.memref_slice %arg12[%dma_wait3A_252, %dma_wait3A_253] : memref<512x24xf32, #tpu.memory_space<vmem>> -> memref<128x24xf32, #tpu.memory_space<vmem>>
        %dma_wait3A_255 = arith.constant 0 : i32
        %dma_wait3A_256 = tpu.memref_slice %arg9[%run_scoped3A, %dma_wait3A_255] : memref<4x128xi32, #tpu.memory_space<vmem>> -> memref<1x128xi32, #tpu.memory_space<vmem>>
        %dma_wait3A_257 = tpu.memref_squeeze %dma_wait3A_256 : memref<1x128xi32, #tpu.memory_space<vmem>> -> memref<128xi32, #tpu.memory_space<vmem>>
        %dma_wait3A_258 = arith.constant 0 : i32
        %dma_wait3A_259 = arith.constant 0 : i32
        %dma_wait3A_260 = tpu.memref_slice %arg13[%dma_wait3A_258, %dma_wait3A_259] : memref<50048x24xf32, #tpu.memory_space<vmem_shared>> -> memref<50048x24xf32, #tpu.memory_space<vmem_shared>>
        tpu.wait_indirect_dma semaphore(%run_scoped3A_242 : memref<!tpu.dma_semaphore, #tpu.memory_space<semaphore_mem>>) src(%dma_wait3A_254 : memref<128x24xf32, #tpu.memory_space<vmem>>) dst(%dma_wait3A_260 : memref<50048x24xf32, #tpu.memory_space<vmem_shared>>)
        tpu.yield
      }) : () -> ()
      %run_scoped3A_239 = arith.constant 1 : i32
      "tpu.region"() ({
        %run_scoped3A_242 = tpu.sem_alloc : memref<!tpu.dma_semaphore, #tpu.memory_space<semaphore_mem>>
        %dma_start3A_243 = arith.constant 128 : i32
        %dma_start3A_244 = arith.constant 0 : i32
        %dma_start3A_245 = tpu.memref_slice %arg12[%dma_start3A_243, %dma_start3A_244] : memref<512x24xf32, #tpu.memory_space<vmem>> -> memref<128x24xf32, #tpu.memory_space<vmem>>
        %dma_start3A_246 = arith.constant 0 : i32
        %dma_start3A_247 = tpu.memref_slice %arg9[%run_scoped3A_239, %dma_start3A_246] : memref<4x128xi32, #tpu.memory_space<vmem>> -> memref<1x128xi32, #tpu.memory_space<vmem>>
        %dma_start3A_248 = tpu.memref_squeeze %dma_start3A_247 : memref<1x128xi32, #tpu.memory_space<vmem>> -> memref<128xi32, #tpu.memory_space<vmem>>
        %dma_start3A_249 = arith.constant 0 : i32
        %dma_start3A_250 = arith.constant 0 : i32
        %dma_start3A_251 = tpu.memref_slice %arg13[%dma_start3A_249, %dma_start3A_250] : memref<50048x24xf32, #tpu.memory_space<vmem_shared>> -> memref<50048x24xf32, #tpu.memory_space<vmem_shared>>
        tpu.enqueue_indirect_dma source(%dma_start3A_245 : memref<128x24xf32, #tpu.memory_space<vmem>>) target(%dma_start3A_251 : memref<50048x24xf32, #tpu.memory_space<vmem_shared>>) offsets(%dma_start3A_248 : memref<128xi32, #tpu.memory_space<vmem>>) semaphore(%run_scoped3A_242 : memref<!tpu.dma_semaphore, #tpu.memory_space<semaphore_mem>>) {add = true}
        %dma_wait3A_252 = arith.constant 128 : i32
        %dma_wait3A_253 = arith.constant 0 : i32
        %dma_wait3A_254 = tpu.memref_slice %arg12[%dma_wait3A_252, %dma_wait3A_253] : memref<512x24xf32, #tpu.memory_space<vmem>> -> memref<128x24xf32, #tpu.memory_space<vmem>>
        %dma_wait3A_255 = arith.constant 0 : i32
        %dma_wait3A_256 = tpu.memref_slice %arg9[%run_scoped3A_239, %dma_wait3A_255] : memref<4x128xi32, #tpu.memory_space<vmem>> -> memref<1x128xi32, #tpu.memory_space<vmem>>
        %dma_wait3A_257 = tpu.memref_squeeze %dma_wait3A_256 : memref<1x128xi32, #tpu.memory_space<vmem>> -> memref<128xi32, #tpu.memory_space<vmem>>
        %dma_wait3A_258 = arith.constant 0 : i32
        %dma_wait3A_259 = arith.constant 0 : i32
        %dma_wait3A_260 = tpu.memref_slice %arg13[%dma_wait3A_258, %dma_wait3A_259] : memref<50048x24xf32, #tpu.memory_space<vmem_shared>> -> memref<50048x24xf32, #tpu.memory_space<vmem_shared>>
        tpu.wait_indirect_dma semaphore(%run_scoped3A_242 : memref<!tpu.dma_semaphore, #tpu.memory_space<semaphore_mem>>) src(%dma_wait3A_254 : memref<128x24xf32, #tpu.memory_space<vmem>>) dst(%dma_wait3A_260 : memref<50048x24xf32, #tpu.memory_space<vmem_shared>>)
        tpu.yield
      }) : () -> ()
      %run_scoped3A_240 = arith.constant 2 : i32
      "tpu.region"() ({
        %run_scoped3A_242 = tpu.sem_alloc : memref<!tpu.dma_semaphore, #tpu.memory_space<semaphore_mem>>
        %dma_start3A_243 = arith.constant 256 : i32
        %dma_start3A_244 = arith.constant 0 : i32
        %dma_start3A_245 = tpu.memref_slice %arg12[%dma_start3A_243, %dma_start3A_244] : memref<512x24xf32, #tpu.memory_space<vmem>> -> memref<128x24xf32, #tpu.memory_space<vmem>>
        %dma_start3A_246 = arith.constant 0 : i32
        %dma_start3A_247 = tpu.memref_slice %arg9[%run_scoped3A_240, %dma_start3A_246] : memref<4x128xi32, #tpu.memory_space<vmem>> -> memref<1x128xi32, #tpu.memory_space<vmem>>
        %dma_start3A_248 = tpu.memref_squeeze %dma_start3A_247 : memref<1x128xi32, #tpu.memory_space<vmem>> -> memref<128xi32, #tpu.memory_space<vmem>>
        %dma_start3A_249 = arith.constant 0 : i32
        %dma_start3A_250 = arith.constant 0 : i32
        %dma_start3A_251 = tpu.memref_slice %arg13[%dma_start3A_249, %dma_start3A_250] : memref<50048x24xf32, #tpu.memory_space<vmem_shared>> -> memref<50048x24xf32, #tpu.memory_space<vmem_shared>>
        tpu.enqueue_indirect_dma source(%dma_start3A_245 : memref<128x24xf32, #tpu.memory_space<vmem>>) target(%dma_start3A_251 : memref<50048x24xf32, #tpu.memory_space<vmem_shared>>) offsets(%dma_start3A_248 : memref<128xi32, #tpu.memory_space<vmem>>) semaphore(%run_scoped3A_242 : memref<!tpu.dma_semaphore, #tpu.memory_space<semaphore_mem>>) {add = true}
        %dma_wait3A_252 = arith.constant 256 : i32
        %dma_wait3A_253 = arith.constant 0 : i32
        %dma_wait3A_254 = tpu.memref_slice %arg12[%dma_wait3A_252, %dma_wait3A_253] : memref<512x24xf32, #tpu.memory_space<vmem>> -> memref<128x24xf32, #tpu.memory_space<vmem>>
        %dma_wait3A_255 = arith.constant 0 : i32
        %dma_wait3A_256 = tpu.memref_slice %arg9[%run_scoped3A_240, %dma_wait3A_255] : memref<4x128xi32, #tpu.memory_space<vmem>> -> memref<1x128xi32, #tpu.memory_space<vmem>>
        %dma_wait3A_257 = tpu.memref_squeeze %dma_wait3A_256 : memref<1x128xi32, #tpu.memory_space<vmem>> -> memref<128xi32, #tpu.memory_space<vmem>>
        %dma_wait3A_258 = arith.constant 0 : i32
        %dma_wait3A_259 = arith.constant 0 : i32
        %dma_wait3A_260 = tpu.memref_slice %arg13[%dma_wait3A_258, %dma_wait3A_259] : memref<50048x24xf32, #tpu.memory_space<vmem_shared>> -> memref<50048x24xf32, #tpu.memory_space<vmem_shared>>
        tpu.wait_indirect_dma semaphore(%run_scoped3A_242 : memref<!tpu.dma_semaphore, #tpu.memory_space<semaphore_mem>>) src(%dma_wait3A_254 : memref<128x24xf32, #tpu.memory_space<vmem>>) dst(%dma_wait3A_260 : memref<50048x24xf32, #tpu.memory_space<vmem_shared>>)
        tpu.yield
      }) : () -> ()
      %run_scoped3A_241 = arith.constant 3 : i32
      "tpu.region"() ({
        %run_scoped3A_242 = tpu.sem_alloc : memref<!tpu.dma_semaphore, #tpu.memory_space<semaphore_mem>>
        %dma_start3A_243 = arith.constant 384 : i32
        %dma_start3A_244 = arith.constant 0 : i32
        %dma_start3A_245 = tpu.memref_slice %arg12[%dma_start3A_243, %dma_start3A_244] : memref<512x24xf32, #tpu.memory_space<vmem>> -> memref<128x24xf32, #tpu.memory_space<vmem>>
        %dma_start3A_246 = arith.constant 0 : i32
        %dma_start3A_247 = tpu.memref_slice %arg9[%run_scoped3A_241, %dma_start3A_246] : memref<4x128xi32, #tpu.memory_space<vmem>> -> memref<1x128xi32, #tpu.memory_space<vmem>>
        %dma_start3A_248 = tpu.memref_squeeze %dma_start3A_247 : memref<1x128xi32, #tpu.memory_space<vmem>> -> memref<128xi32, #tpu.memory_space<vmem>>
        %dma_start3A_249 = arith.constant 0 : i32
        %dma_start3A_250 = arith.constant 0 : i32
        %dma_start3A_251 = tpu.memref_slice %arg13[%dma_start3A_249, %dma_start3A_250] : memref<50048x24xf32, #tpu.memory_space<vmem_shared>> -> memref<50048x24xf32, #tpu.memory_space<vmem_shared>>
        tpu.enqueue_indirect_dma source(%dma_start3A_245 : memref<128x24xf32, #tpu.memory_space<vmem>>) target(%dma_start3A_251 : memref<50048x24xf32, #tpu.memory_space<vmem_shared>>) offsets(%dma_start3A_248 : memref<128xi32, #tpu.memory_space<vmem>>) semaphore(%run_scoped3A_242 : memref<!tpu.dma_semaphore, #tpu.memory_space<semaphore_mem>>) {add = true}
        %dma_wait3A_252 = arith.constant 384 : i32
        %dma_wait3A_253 = arith.constant 0 : i32
        %dma_wait3A_254 = tpu.memref_slice %arg12[%dma_wait3A_252, %dma_wait3A_253] : memref<512x24xf32, #tpu.memory_space<vmem>> -> memref<128x24xf32, #tpu.memory_space<vmem>>
        %dma_wait3A_255 = arith.constant 0 : i32
        %dma_wait3A_256 = tpu.memref_slice %arg9[%run_scoped3A_241, %dma_wait3A_255] : memref<4x128xi32, #tpu.memory_space<vmem>> -> memref<1x128xi32, #tpu.memory_space<vmem>>
        %dma_wait3A_257 = tpu.memref_squeeze %dma_wait3A_256 : memref<1x128xi32, #tpu.memory_space<vmem>> -> memref<128xi32, #tpu.memory_space<vmem>>
        %dma_wait3A_258 = arith.constant 0 : i32
        %dma_wait3A_259 = arith.constant 0 : i32
        %dma_wait3A_260 = tpu.memref_slice %arg13[%dma_wait3A_258, %dma_wait3A_259] : memref<50048x24xf32, #tpu.memory_space<vmem_shared>> -> memref<50048x24xf32, #tpu.memory_space<vmem_shared>>
        tpu.wait_indirect_dma semaphore(%run_scoped3A_242 : memref<!tpu.dma_semaphore, #tpu.memory_space<semaphore_mem>>) src(%dma_wait3A_254 : memref<128x24xf32, #tpu.memory_space<vmem>>) dst(%dma_wait3A_260 : memref<50048x24xf32, #tpu.memory_space<vmem_shared>>)
        tpu.yield
      }) : () -> ()
    }
    %scan3A_63 = arith.constant 196 : i32
    %barrier3A_64 = arith.constant 0 : index
    tpu.barrier barrier_id(%barrier3A_64)
    %mul3A_65 = arith.constant 3128 : i32
    %mul3A_66 = arith.muli %arg1, %mul3A_65 : i32
    %mul3A_67 = arith.constant 3128 : i32
    %mul3A_68 = arith.muli %arg1, %mul3A_67 : i32
    "tpu.region"() ({
      %run_scoped3A = tpu.sem_alloc : memref<!tpu.dma_semaphore, #tpu.memory_space<semaphore_mem>>
      %dma_start3A = arith.constant 0 : i32
      %dma_start3A_69 = tpu.memref_slice %arg7[%arg0, %mul3A_68, %dma_start3A] : memref<2x50048x24xf32, #tpu.memory_space<hbm>> -> memref<1x3128x24xf32, #tpu.memory_space<hbm>>
      %dma_start3A_70 = tpu.memref_squeeze %dma_start3A_69 : memref<1x3128x24xf32, #tpu.memory_space<hbm>> -> memref<3128x24xf32, #tpu.memory_space<hbm>>
      %dma_start3A_71 = arith.constant 0 : i32
      %dma_start3A_72 = tpu.memref_slice %arg13[%mul3A_66, %dma_start3A_71] : memref<50048x24xf32, #tpu.memory_space<vmem_shared>> -> memref<3128x24xf32, #tpu.memory_space<vmem_shared>>
      tpu.enqueue_dma source(%dma_start3A_72 : memref<3128x24xf32, #tpu.memory_space<vmem_shared>>) target(%dma_start3A_70 : memref<3128x24xf32, #tpu.memory_space<hbm>>) target_semaphore(%run_scoped3A : memref<!tpu.dma_semaphore, #tpu.memory_space<semaphore_mem>>)
      %dma_wait3A = arith.constant 0 : i32
      %dma_wait3A_73 = tpu.memref_slice %arg7[%arg0, %mul3A_68, %dma_wait3A] : memref<2x50048x24xf32, #tpu.memory_space<hbm>> -> memref<1x3128x24xf32, #tpu.memory_space<hbm>>
      %dma_wait3A_74 = tpu.memref_squeeze %dma_wait3A_73 : memref<1x3128x24xf32, #tpu.memory_space<hbm>> -> memref<3128x24xf32, #tpu.memory_space<hbm>>
      %dma_wait3A_75 = arith.constant 0 : i32
      %dma_wait3A_76 = tpu.memref_slice %arg13[%mul3A_66, %dma_wait3A_75] : memref<50048x24xf32, #tpu.memory_space<vmem_shared>> -> memref<3128x24xf32, #tpu.memory_space<vmem_shared>>
      tpu.wait_dma2 semaphore(%run_scoped3A : memref<!tpu.dma_semaphore, #tpu.memory_space<semaphore_mem>>) src(%dma_wait3A_76 : memref<3128x24xf32, #tpu.memory_space<vmem_shared>>) dst(%dma_wait3A_74 : memref<3128x24xf32, #tpu.memory_space<hbm>>)
      tpu.yield
    }) : () -> ()
    return
  }
}

module attributes {stable_mosaic.version = 14 : i64} {
  func.func @_stage_a_body(%arg0: i32, %arg1: memref<1000x6xf32, #tpu.memory_space<vmem>>, %arg2: memref<6x16xf32, #tpu.memory_space<vmem>>, %arg3: memref<1x16xf32, #tpu.memory_space<vmem>>, %arg4: memref<16x8xf32, #tpu.memory_space<vmem>>, %arg5: memref<1x8xf32, #tpu.memory_space<vmem>>, %arg6: memref<11x2xf32, #tpu.memory_space<vmem>>, %arg7: memref<11x2xf32, #tpu.memory_space<vmem>>, %arg8: memref<11x2xf32, #tpu.memory_space<vmem>>, %arg9: memref<11x2xf32, #tpu.memory_space<vmem>>, %arg10: memref<2x1000x16xf32, #tpu.memory_space<vmem>>, %arg11: memref<1000x16xf32, #tpu.memory_space<vmem>>) attributes {dimension_semantics = [#tpu.dimension_semantics<arbitrary>], iteration_bounds = array<i64: 50>, scalar_prefetch = 0 : i64, scratch_operands = 0 : i64, tpu.core_type = #tpu.core_type<tc>, window_params = [{transform_indices = @transform_0, window_bounds = array<i64: 1000, 6>}, {pipeline_mode = #tpu.pipeline_mode<synchronous>, transform_indices = @transform_1, window_bounds = array<i64: 6, 16>}, {pipeline_mode = #tpu.pipeline_mode<synchronous>, transform_indices = @transform_2, window_bounds = array<i64: 1, 16>}, {pipeline_mode = #tpu.pipeline_mode<synchronous>, transform_indices = @transform_3, window_bounds = array<i64: 16, 8>}, {pipeline_mode = #tpu.pipeline_mode<synchronous>, transform_indices = @transform_4, window_bounds = array<i64: 1, 8>}, {pipeline_mode = #tpu.pipeline_mode<synchronous>, transform_indices = @transform_5, window_bounds = array<i64: 11, 2>}, {pipeline_mode = #tpu.pipeline_mode<synchronous>, transform_indices = @transform_6, window_bounds = array<i64: 11, 2>}, {pipeline_mode = #tpu.pipeline_mode<synchronous>, transform_indices = @transform_7, window_bounds = array<i64: 11, 2>}, {pipeline_mode = #tpu.pipeline_mode<synchronous>, transform_indices = @transform_8, window_bounds = array<i64: 11, 2>}, {transform_indices = @transform_9, window_bounds = array<i64: 2, 1000, 16>}, {transform_indices = @transform_10, window_bounds = array<i64: 1000, 16>}]} {
    %get3A = arith.constant 0 : index
    %get3A_0 = arith.constant 0 : index
    %get3A_1 = vector.load %arg1[%get3A, %get3A_0] : memref<1000x6xf32, #tpu.memory_space<vmem>>, vector<1000x6xf32>
    %get3A_2 = arith.constant 0 : index
    %get3A_3 = arith.constant 0 : index
    %get3A_4 = vector.load %arg2[%get3A_2, %get3A_3] : memref<6x16xf32, #tpu.memory_space<vmem>>, vector<6x16xf32>
    %dot_general3A = arith.constant dense<0.000000e+00> : vector<1000x16xf32>
    %dot_general3A_5 = tpu.matmul %get3A_1, %get3A_4, %dot_general3A {dimension_numbers = #tpu.dot_dimension_numbers<[1], [0], [0], [1], [0, 0, 1, 1], [], []>, transpose_lhs_hint = false} : vector<1000x6xf32>, vector<6x16xf32>, vector<1000x16xf32> -> vector<1000x16xf32>
    %get3A_6 = arith.constant 0 : index
    %get3A_7 = arith.constant 0 : index
    %get3A_8 = vector.load %arg3[%get3A_6, %get3A_7] : memref<1x16xf32, #tpu.memory_space<vmem>>, vector<1x16xf32>
    %add3A = vector.broadcast %get3A_8 : vector<1x16xf32> to vector<1000x16xf32>
    %add3A_9 = arith.addf %dot_general3A_5, %add3A : vector<1000x16xf32>
    %max3A = arith.constant 0.000000e+00 : f32
    %max3A_10 = vector.broadcast %max3A : f32 to vector<1000x16xf32>
    %max3A_11 = arith.maximumf %add3A_9, %max3A_10 : vector<1000x16xf32>
    %get3A_12 = arith.constant 0 : index
    %get3A_13 = arith.constant 0 : index
    %get3A_14 = vector.load %arg4[%get3A_12, %get3A_13] : memref<16x8xf32, #tpu.memory_space<vmem>>, vector<16x8xf32>
    %dot_general3A_15 = arith.constant dense<0.000000e+00> : vector<1000x8xf32>
    %dot_general3A_16 = tpu.matmul %max3A_11, %get3A_14, %dot_general3A_15 {dimension_numbers = #tpu.dot_dimension_numbers<[1], [0], [0], [1], [0, 0, 1, 1], [], []>, transpose_lhs_hint = false} : vector<1000x16xf32>, vector<16x8xf32>, vector<1000x8xf32> -> vector<1000x8xf32>
    %get3A_17 = arith.constant 0 : index
    %get3A_18 = arith.constant 0 : index
    %get3A_19 = vector.load %arg5[%get3A_17, %get3A_18] : memref<1x8xf32, #tpu.memory_space<vmem>>, vector<1x8xf32>
    %add3A_20 = vector.broadcast %get3A_19 : vector<1x8xf32> to vector<1000x8xf32>
    %add3A_21 = arith.addf %dot_general3A_16, %add3A_20 : vector<1000x8xf32>
    %slice3A = vector.extract_strided_slice %get3A_1 {offsets = [0, 0], sizes = [1000, 1], strides = [1, 1]} : vector<1000x6xf32> to vector<1000x1xf32>
    %slice3A_22 = vector.extract_strided_slice %get3A_1 {offsets = [0, 1], sizes = [1000, 1], strides = [1, 1]} : vector<1000x6xf32> to vector<1000x1xf32>
    %slice3A_23 = vector.extract_strided_slice %get3A_1 {offsets = [0, 5], sizes = [1000, 1], strides = [1, 1]} : vector<1000x6xf32> to vector<1000x1xf32>
    %concatenate3A = tpu.concatenate %slice3A, %slice3A_22, %slice3A_23, %add3A_21 in 1 : vector<1000x1xf32>, vector<1000x1xf32>, vector<1000x1xf32>, vector<1000x8xf32> -> vector<1000x11xf32>
    %slice3A_24 = vector.extract_strided_slice %get3A_1 {offsets = [0, 0], sizes = [1000, 1], strides = [1, 1]} : vector<1000x6xf32> to vector<1000x1xf32>
    %slice3A_25 = vector.extract_strided_slice %get3A_1 {offsets = [0, 1], sizes = [1000, 1], strides = [1, 1]} : vector<1000x6xf32> to vector<1000x1xf32>
    %slice3A_26 = vector.extract_strided_slice %get3A_1 {offsets = [0, 2], sizes = [1000, 1], strides = [1, 1]} : vector<1000x6xf32> to vector<1000x1xf32>
    %concatenate3A_27 = tpu.concatenate %slice3A_24, %slice3A_25, %slice3A_26, %add3A_21 in 1 : vector<1000x1xf32>, vector<1000x1xf32>, vector<1000x1xf32>, vector<1000x8xf32> -> vector<1000x11xf32>
    %get3A_28 = arith.constant 0 : index
    %get3A_29 = arith.constant 0 : index
    %get3A_30 = vector.load %arg6[%get3A_28, %get3A_29] : memref<11x2xf32, #tpu.memory_space<vmem>>, vector<11x2xf32>
    %dot_general3A_31 = arith.constant dense<0.000000e+00> : vector<1000x2xf32>
    %dot_general3A_32 = tpu.matmul %concatenate3A, %get3A_30, %dot_general3A_31 {dimension_numbers = #tpu.dot_dimension_numbers<[1], [0], [0], [1], [0, 0, 1, 1], [], []>, transpose_lhs_hint = false} : vector<1000x11xf32>, vector<11x2xf32>, vector<1000x2xf32> -> vector<1000x2xf32>
    %get3A_33 = arith.constant 0 : index
    %get3A_34 = arith.constant 0 : index
    %get3A_35 = vector.load %arg7[%get3A_33, %get3A_34] : memref<11x2xf32, #tpu.memory_space<vmem>>, vector<11x2xf32>
    %dot_general3A_36 = arith.constant dense<0.000000e+00> : vector<1000x2xf32>
    %dot_general3A_37 = tpu.matmul %concatenate3A, %get3A_35, %dot_general3A_36 {dimension_numbers = #tpu.dot_dimension_numbers<[1], [0], [0], [1], [0, 0, 1, 1], [], []>, transpose_lhs_hint = false} : vector<1000x11xf32>, vector<11x2xf32>, vector<1000x2xf32> -> vector<1000x2xf32>
    %get3A_38 = arith.constant 0 : index
    %get3A_39 = arith.constant 0 : index
    %get3A_40 = vector.load %arg8[%get3A_38, %get3A_39] : memref<11x2xf32, #tpu.memory_space<vmem>>, vector<11x2xf32>
    %dot_general3A_41 = arith.constant dense<0.000000e+00> : vector<1000x2xf32>
    %dot_general3A_42 = tpu.matmul %concatenate3A_27, %get3A_40, %dot_general3A_41 {dimension_numbers = #tpu.dot_dimension_numbers<[1], [0], [0], [1], [0, 0, 1, 1], [], []>, transpose_lhs_hint = false} : vector<1000x11xf32>, vector<11x2xf32>, vector<1000x2xf32> -> vector<1000x2xf32>
    %get3A_43 = arith.constant 0 : index
    %get3A_44 = arith.constant 0 : index
    %get3A_45 = vector.load %arg9[%get3A_43, %get3A_44] : memref<11x2xf32, #tpu.memory_space<vmem>>, vector<11x2xf32>
    %dot_general3A_46 = arith.constant dense<0.000000e+00> : vector<1000x2xf32>
    %dot_general3A_47 = tpu.matmul %concatenate3A_27, %get3A_45, %dot_general3A_46 {dimension_numbers = #tpu.dot_dimension_numbers<[1], [0], [0], [1], [0, 0, 1, 1], [], []>, transpose_lhs_hint = false} : vector<1000x11xf32>, vector<11x2xf32>, vector<1000x2xf32> -> vector<1000x2xf32>
    %add3A_48 = arith.addf %dot_general3A_32, %dot_general3A_37 : vector<1000x2xf32>
    %ge3A = arith.constant 0.000000e+00 : f32
    %ge3A_49 = vector.broadcast %ge3A : f32 to vector<1000x2xf32>
    %ge3A_50 = arith.cmpf oge, %add3A_48, %ge3A_49 : vector<1000x2xf32>
    %mul3A = arith.constant 2.000000e-01 : f32
    %mul3A_51 = vector.broadcast %mul3A : f32 to vector<1000x2xf32>
    %mul3A_52 = arith.mulf %mul3A_51, %add3A_48 : vector<1000x2xf32>
    %select_n3A = arith.select %ge3A_50, %add3A_48, %mul3A_52 : vector<1000x2xi1>, vector<1000x2xf32>
    %add3A_53 = arith.addf %dot_general3A_42, %dot_general3A_47 : vector<1000x2xf32>
    %ge3A_54 = arith.constant 0.000000e+00 : f32
    %ge3A_55 = vector.broadcast %ge3A_54 : f32 to vector<1000x2xf32>
    %ge3A_56 = arith.cmpf oge, %add3A_53, %ge3A_55 : vector<1000x2xf32>
    %mul3A_57 = arith.constant 2.000000e-01 : f32
    %mul3A_58 = vector.broadcast %mul3A_57 : f32 to vector<1000x2xf32>
    %mul3A_59 = arith.mulf %mul3A_58, %add3A_53 : vector<1000x2xf32>
    %select_n3A_60 = arith.select %ge3A_56, %add3A_53, %mul3A_59 : vector<1000x2xi1>, vector<1000x2xf32>
    %broadcast_in_dim3A = arith.constant 0.000000e+00 : f32
    %broadcast_in_dim3A_61 = vector.broadcast %broadcast_in_dim3A : f32 to vector<1000x3xf32>
    %concatenate3A_62 = tpu.concatenate %concatenate3A, %dot_general3A_32, %broadcast_in_dim3A_61 in 1 : vector<1000x11xf32>, vector<1000x2xf32>, vector<1000x3xf32> -> vector<1000x16xf32>
    %swap3A = arith.constant 0 : index
    %swap3A_63 = arith.constant 0 : index
    %swap3A_64 = arith.constant 0 : index
    %swap3A_65 = vector.load %arg10[%swap3A, %swap3A_63, %swap3A_64] : memref<2x1000x16xf32, #tpu.memory_space<vmem>>, vector<1x1000x16xf32>
    %swap3A_66 = vector.shape_cast %swap3A_65 : vector<1x1000x16xf32> to vector<1000x16xf32>
    %swap3A_67 = vector.shape_cast %concatenate3A_62 : vector<1000x16xf32> to vector<1x1000x16xf32>
    tpu.vector_store %arg10[%swap3A, %swap3A_63, %swap3A_64], %swap3A_67 {strides = array<i32>} : memref<2x1000x16xf32, #tpu.memory_space<vmem>>, vector<1x1000x16xf32>,
    %concatenate3A_68 = tpu.concatenate %concatenate3A_27, %dot_general3A_42, %broadcast_in_dim3A_61 in 1 : vector<1000x11xf32>, vector<1000x2xf32>, vector<1000x3xf32> -> vector<1000x16xf32>
    %swap3A_69 = arith.constant 1 : index
    %swap3A_70 = arith.constant 0 : index
    %swap3A_71 = arith.constant 0 : index
    %swap3A_72 = vector.load %arg10[%swap3A_69, %swap3A_70, %swap3A_71] : memref<2x1000x16xf32, #tpu.memory_space<vmem>>, vector<1x1000x16xf32>
    %swap3A_73 = vector.shape_cast %swap3A_72 : vector<1x1000x16xf32> to vector<1000x16xf32>
    %swap3A_74 = vector.shape_cast %concatenate3A_68 : vector<1000x16xf32> to vector<1x1000x16xf32>
    tpu.vector_store %arg10[%swap3A_69, %swap3A_70, %swap3A_71], %swap3A_74 {strides = array<i32>} : memref<2x1000x16xf32, #tpu.memory_space<vmem>>, vector<1x1000x16xf32>,
    %broadcast_in_dim3A_75 = arith.constant 0.000000e+00 : f32
    %broadcast_in_dim3A_76 = vector.broadcast %broadcast_in_dim3A_75 : f32 to vector<1000x8xf32>
    %concatenate3A_77 = tpu.concatenate %dot_general3A_37, %select_n3A, %dot_general3A_47, %select_n3A_60, %broadcast_in_dim3A_76 in 1 : vector<1000x2xf32>, vector<1000x2xf32>, vector<1000x2xf32>, vector<1000x2xf32>, vector<1000x8xf32> -> vector<1000x16xf32>
    %swap3A_78 = arith.constant 0 : index
    %swap3A_79 = arith.constant 0 : index
    %swap3A_80 = vector.load %arg11[%swap3A_78, %swap3A_79] : memref<1000x16xf32, #tpu.memory_space<vmem>>, vector<1000x16xf32>
    tpu.vector_store %arg11[%swap3A_78, %swap3A_79], %concatenate3A_77 {strides = array<i32>} : memref<1000x16xf32, #tpu.memory_space<vmem>>, vector<1000x16xf32>,
    return
  }
  func.func @transform_0(%arg0: i32) -> (i32, i32) {
    %c0_i32 = arith.constant 0 : i32
    %c0_i32_0 = arith.constant 0 : i32
    return %arg0, %c0_i32 : i32, i32
  }
  func.func @transform_1(%arg0: i32) -> (i32, i32) {
    %c0_i32 = arith.constant 0 : i32
    %c0_i32_0 = arith.constant 0 : i32
    %c0_i32_1 = arith.constant 0 : i32
    return %c0_i32, %c0_i32_0 : i32, i32
  }
  func.func @transform_2(%arg0: i32) -> (i32, i32) {
    %c0_i32 = arith.constant 0 : i32
    %c0_i32_0 = arith.constant 0 : i32
    %c0_i32_1 = arith.constant 0 : i32
    return %c0_i32, %c0_i32_0 : i32, i32
  }
  func.func @transform_3(%arg0: i32) -> (i32, i32) {
    %c0_i32 = arith.constant 0 : i32
    %c0_i32_0 = arith.constant 0 : i32
    %c0_i32_1 = arith.constant 0 : i32
    return %c0_i32, %c0_i32_0 : i32, i32
  }
  func.func @transform_4(%arg0: i32) -> (i32, i32) {
    %c0_i32 = arith.constant 0 : i32
    %c0_i32_0 = arith.constant 0 : i32
    %c0_i32_1 = arith.constant 0 : i32
    return %c0_i32, %c0_i32_0 : i32, i32
  }
  func.func @transform_5(%arg0: i32) -> (i32, i32) {
    %c0_i32 = arith.constant 0 : i32
    %c0_i32_0 = arith.constant 0 : i32
    %c0_i32_1 = arith.constant 0 : i32
    return %c0_i32, %c0_i32_0 : i32, i32
  }
  func.func @transform_6(%arg0: i32) -> (i32, i32) {
    %c0_i32 = arith.constant 0 : i32
    %c0_i32_0 = arith.constant 0 : i32
    %c0_i32_1 = arith.constant 0 : i32
    return %c0_i32, %c0_i32_0 : i32, i32
  }
  func.func @transform_7(%arg0: i32) -> (i32, i32) {
    %c0_i32 = arith.constant 0 : i32
    %c0_i32_0 = arith.constant 0 : i32
    %c0_i32_1 = arith.constant 0 : i32
    return %c0_i32, %c0_i32_0 : i32, i32
  }
  func.func @transform_8(%arg0: i32) -> (i32, i32) {
    %c0_i32 = arith.constant 0 : i32
    %c0_i32_0 = arith.constant 0 : i32
    %c0_i32_1 = arith.constant 0 : i32
    return %c0_i32, %c0_i32_0 : i32, i32
  }
  func.func @transform_9(%arg0: i32) -> (i32, i32, i32) {
    %c0_i32 = arith.constant 0 : i32
    %c0_i32_0 = arith.constant 0 : i32
    %c0_i32_1 = arith.constant 0 : i32
    return %c0_i32, %arg0, %c0_i32_0 : i32, i32, i32
  }
  func.func @transform_10(%arg0: i32) -> (i32, i32) {
    %c0_i32 = arith.constant 0 : i32
    %c0_i32_0 = arith.constant 0 : i32
    return %arg0, %c0_i32 : i32, i32
  }
}

module attributes {stable_mosaic.version = 14 : i64} {
  func.func @_stage_b_body(%arg0: i32, %arg1: memref<1000x24xf32, #tpu.memory_space<vmem>>, %arg2: memref<1000x24xf32, #tpu.memory_space<vmem>>, %arg3: memref<2x1000x16xf32, #tpu.memory_space<vmem>>, %arg4: memref<1000x6xf32, #tpu.memory_space<vmem>>, %arg5: memref<22x32xf32, #tpu.memory_space<vmem>>, %arg6: memref<1x32xf32, #tpu.memory_space<vmem>>, %arg7: memref<22x32xf32, #tpu.memory_space<vmem>>, %arg8: memref<1x32xf32, #tpu.memory_space<vmem>>, %arg9: memref<32x1xf32, #tpu.memory_space<vmem>>, %arg10: memref<1x1xf32, #tpu.memory_space<vmem>>, %arg11: memref<1x1xf32, #tpu.memory_space<vmem>>, %arg12: memref<32x1xf32, #tpu.memory_space<vmem>>, %arg13: memref<1x1xf32, #tpu.memory_space<vmem>>, %arg14: memref<1x1xf32, #tpu.memory_space<vmem>>, %arg15: memref<8x32xf32, #tpu.memory_space<vmem>>, %arg16: memref<1x32xf32, #tpu.memory_space<vmem>>, %arg17: memref<32x3xf32, #tpu.memory_space<vmem>>, %arg18: memref<1x3xf32, #tpu.memory_space<vmem>>, %arg19: memref<1000x16xf32, #tpu.memory_space<vmem>>, %arg20: memref<1000x16xf32, #tpu.memory_space<vmem>>, %arg21: memref<1000x8xf32, #tpu.memory_space<vmem>>) attributes {dimension_semantics = [#tpu.dimension_semantics<arbitrary>], iteration_bounds = array<i64: 50>, scalar_prefetch = 0 : i64, scratch_operands = 0 : i64, tpu.core_type = #tpu.core_type<tc>, window_params = [{transform_indices = @transform_0, window_bounds = array<i64: 1000, 24>}, {transform_indices = @transform_1, window_bounds = array<i64: 1000, 24>}, {transform_indices = @transform_2, window_bounds = array<i64: 2, 1000, 16>}, {transform_indices = @transform_3, window_bounds = array<i64: 1000, 6>}, {pipeline_mode = #tpu.pipeline_mode<synchronous>, transform_indices = @transform_4, window_bounds = array<i64: 22, 32>}, {pipeline_mode = #tpu.pipeline_mode<synchronous>, transform_indices = @transform_5, window_bounds = array<i64: 1, 32>}, {pipeline_mode = #tpu.pipeline_mode<synchronous>, transform_indices = @transform_6, window_bounds = array<i64: 22, 32>}, {pipeline_mode = #tpu.pipeline_mode<synchronous>, transform_indices = @transform_7, window_bounds = array<i64: 1, 32>}, {pipeline_mode = #tpu.pipeline_mode<synchronous>, transform_indices = @transform_8, window_bounds = array<i64: 32, 1>}, {pipeline_mode = #tpu.pipeline_mode<synchronous>, transform_indices = @transform_9, window_bounds = array<i64: 1, 1>}, {pipeline_mode = #tpu.pipeline_mode<synchronous>, transform_indices = @transform_10, window_bounds = array<i64: 1, 1>}, {pipeline_mode = #tpu.pipeline_mode<synchronous>, transform_indices = @transform_11, window_bounds = array<i64: 32, 1>}, {pipeline_mode = #tpu.pipeline_mode<synchronous>, transform_indices = @transform_12, window_bounds = array<i64: 1, 1>}, {pipeline_mode = #tpu.pipeline_mode<synchronous>, transform_indices = @transform_13, window_bounds = array<i64: 1, 1>}, {pipeline_mode = #tpu.pipeline_mode<synchronous>, transform_indices = @transform_14, window_bounds = array<i64: 8, 32>}, {pipeline_mode = #tpu.pipeline_mode<synchronous>, transform_indices = @transform_15, window_bounds = array<i64: 1, 32>}, {pipeline_mode = #tpu.pipeline_mode<synchronous>, transform_indices = @transform_16, window_bounds = array<i64: 32, 3>}, {pipeline_mode = #tpu.pipeline_mode<synchronous>, transform_indices = @transform_17, window_bounds = array<i64: 1, 3>}, {transform_indices = @transform_18, window_bounds = array<i64: 1000, 16>}, {transform_indices = @transform_19, window_bounds = array<i64: 1000, 16>}, {transform_indices = @transform_20, window_bounds = array<i64: 1000, 8>}]} {
    %get3A = arith.constant 0 : index
    %get3A_0 = arith.constant 0 : index
    %get3A_1 = arith.constant 0 : index
    %get3A_2 = vector.load %arg3[%get3A, %get3A_0, %get3A_1] : memref<2x1000x16xf32, #tpu.memory_space<vmem>>, vector<1x1000x16xf32>
    %get3A_3 = vector.shape_cast %get3A_2 : vector<1x1000x16xf32> to vector<1000x16xf32>
    %slice3A = vector.extract_strided_slice %get3A_3 {offsets = [0, 0], sizes = [1000, 11], strides = [1, 1]} : vector<1000x16xf32> to vector<1000x11xf32>
    %get3A_4 = arith.constant 1 : index
    %get3A_5 = arith.constant 0 : index
    %get3A_6 = arith.constant 0 : index
    %get3A_7 = vector.load %arg3[%get3A_4, %get3A_5, %get3A_6] : memref<2x1000x16xf32, #tpu.memory_space<vmem>>, vector<1x1000x16xf32>
    %get3A_8 = vector.shape_cast %get3A_7 : vector<1x1000x16xf32> to vector<1000x16xf32>
    %slice3A_9 = vector.extract_strided_slice %get3A_8 {offsets = [0, 0], sizes = [1000, 11], strides = [1, 1]} : vector<1000x16xf32> to vector<1000x11xf32>
    %get3A_10 = arith.constant 0 : index
    %get3A_11 = arith.constant 0 : index
    %get3A_12 = vector.load %arg1[%get3A_10, %get3A_11] : memref<1000x24xf32, #tpu.memory_space<vmem>>, vector<1000x24xf32>
    %slice3A_13 = vector.extract_strided_slice %get3A_12 {offsets = [0, 0], sizes = [1000, 2], strides = [1, 1]} : vector<1000x24xf32> to vector<1000x2xf32>
    %add3A = arith.constant 1.000000e+00 : f32
    %add3A_14 = vector.broadcast %add3A : f32 to vector<1000x2xf32>
    %add3A_15 = arith.addf %slice3A_13, %add3A_14 : vector<1000x2xf32>
    %slice3A_16 = vector.extract_strided_slice %get3A_12 {offsets = [0, 2], sizes = [1000, 22], strides = [1, 1]} : vector<1000x24xf32> to vector<1000x22xf32>
    %concatenate3A = tpu.concatenate %slice3A, %slice3A in 1 : vector<1000x11xf32>, vector<1000x11xf32> -> vector<1000x22xf32>
    %add3A_17 = arith.addf %slice3A_16, %concatenate3A : vector<1000x22xf32>
    %slice3A_18 = vector.extract_strided_slice %add3A_15 {offsets = [0, 0], sizes = [1000, 1], strides = [1, 1]} : vector<1000x2xf32> to vector<1000x1xf32>
    %broadcast_in_dim3A = vector.shape_cast %slice3A_18 : vector<1000x1xf32> to vector<1000x1xf32>
    %broadcast_in_dim3A_19 = vector.broadcast %broadcast_in_dim3A : vector<1000x1xf32> to vector<1000x11xf32>
    %slice3A_20 = vector.extract_strided_slice %add3A_15 {offsets = [0, 1], sizes = [1000, 1], strides = [1, 1]} : vector<1000x2xf32> to vector<1000x1xf32>
    %broadcast_in_dim3A_21 = vector.shape_cast %slice3A_20 : vector<1000x1xf32> to vector<1000x1xf32>
    %broadcast_in_dim3A_22 = vector.broadcast %broadcast_in_dim3A_21 : vector<1000x1xf32> to vector<1000x11xf32>
    %concatenate3A_23 = tpu.concatenate %broadcast_in_dim3A_19, %broadcast_in_dim3A_22 in 1 : vector<1000x11xf32>, vector<1000x11xf32> -> vector<1000x22xf32>
    %add3A_24 = arith.constant 1.000000e-16 : f32
    %add3A_25 = vector.broadcast %add3A_24 : f32 to vector<1000x22xf32>
    %add3A_26 = arith.addf %concatenate3A_23, %add3A_25 : vector<1000x22xf32>
    %div3A = arith.divf %add3A_17, %add3A_26 : vector<1000x22xf32>
    %get3A_27 = arith.constant 0 : index
    %get3A_28 = arith.constant 0 : index
    %get3A_29 = vector.load %arg5[%get3A_27, %get3A_28] : memref<22x32xf32, #tpu.memory_space<vmem>>, vector<22x32xf32>
    %dot_general3A = arith.constant dense<0.000000e+00> : vector<1000x32xf32>
    %dot_general3A_30 = tpu.matmul %div3A, %get3A_29, %dot_general3A {dimension_numbers = #tpu.dot_dimension_numbers<[1], [0], [0], [1], [0, 0, 1, 1], [], []>, transpose_lhs_hint = false} : vector<1000x22xf32>, vector<22x32xf32>, vector<1000x32xf32> -> vector<1000x32xf32>
    %get3A_31 = arith.constant 0 : index
    %get3A_32 = arith.constant 0 : index
    %get3A_33 = vector.load %arg6[%get3A_31, %get3A_32] : memref<1x32xf32, #tpu.memory_space<vmem>>, vector<1x32xf32>
    %add3A_34 = vector.broadcast %get3A_33 : vector<1x32xf32> to vector<1000x32xf32>
    %add3A_35 = arith.addf %dot_general3A_30, %add3A_34 : vector<1000x32xf32>
    %gt3A = arith.constant 0.000000e+00 : f32
    %gt3A_36 = vector.broadcast %gt3A : f32 to vector<1000x32xf32>
    %gt3A_37 = arith.cmpf ogt, %add3A_35, %gt3A_36 : vector<1000x32xf32>
    %min3A = arith.constant 0.000000e+00 : f32
    %min3A_38 = vector.broadcast %min3A : f32 to vector<1000x32xf32>
    %min3A_39 = arith.minimumf %add3A_35, %min3A_38 : vector<1000x32xf32>
    %exp3A = math.exp %min3A_39 : vector<1000x32xf32>
    %sub3A = arith.constant 1.000000e+00 : f32
    %sub3A_40 = vector.broadcast %sub3A : f32 to vector<1000x32xf32>
    %sub3A_41 = arith.subf %exp3A, %sub3A_40 : vector<1000x32xf32>
    %select_n3A = arith.select %gt3A_37, %add3A_35, %sub3A_41 : vector<1000x32xi1>, vector<1000x32xf32>
    %get3A_42 = arith.constant 0 : index
    %get3A_43 = arith.constant 0 : index
    %get3A_44 = vector.load %arg2[%get3A_42, %get3A_43] : memref<1000x24xf32, #tpu.memory_space<vmem>>, vector<1000x24xf32>
    %slice3A_45 = vector.extract_strided_slice %get3A_44 {offsets = [0, 0], sizes = [1000, 2], strides = [1, 1]} : vector<1000x24xf32> to vector<1000x2xf32>
    %add3A_46 = arith.constant 1.000000e+00 : f32
    %add3A_47 = vector.broadcast %add3A_46 : f32 to vector<1000x2xf32>
    %add3A_48 = arith.addf %slice3A_45, %add3A_47 : vector<1000x2xf32>
    %slice3A_49 = vector.extract_strided_slice %get3A_44 {offsets = [0, 2], sizes = [1000, 22], strides = [1, 1]} : vector<1000x24xf32> to vector<1000x22xf32>
    %concatenate3A_50 = tpu.concatenate %slice3A_9, %slice3A_9 in 1 : vector<1000x11xf32>, vector<1000x11xf32> -> vector<1000x22xf32>
    %add3A_51 = arith.addf %slice3A_49, %concatenate3A_50 : vector<1000x22xf32>
    %slice3A_52 = vector.extract_strided_slice %add3A_48 {offsets = [0, 0], sizes = [1000, 1], strides = [1, 1]} : vector<1000x2xf32> to vector<1000x1xf32>
    %broadcast_in_dim3A_53 = vector.shape_cast %slice3A_52 : vector<1000x1xf32> to vector<1000x1xf32>
    %broadcast_in_dim3A_54 = vector.broadcast %broadcast_in_dim3A_53 : vector<1000x1xf32> to vector<1000x11xf32>
    %slice3A_55 = vector.extract_strided_slice %add3A_48 {offsets = [0, 1], sizes = [1000, 1], strides = [1, 1]} : vector<1000x2xf32> to vector<1000x1xf32>
    %broadcast_in_dim3A_56 = vector.shape_cast %slice3A_55 : vector<1000x1xf32> to vector<1000x1xf32>
    %broadcast_in_dim3A_57 = vector.broadcast %broadcast_in_dim3A_56 : vector<1000x1xf32> to vector<1000x11xf32>
    %concatenate3A_58 = tpu.concatenate %broadcast_in_dim3A_54, %broadcast_in_dim3A_57 in 1 : vector<1000x11xf32>, vector<1000x11xf32> -> vector<1000x22xf32>
    %add3A_59 = arith.constant 1.000000e-16 : f32
    %add3A_60 = vector.broadcast %add3A_59 : f32 to vector<1000x22xf32>
    %add3A_61 = arith.addf %concatenate3A_58, %add3A_60 : vector<1000x22xf32>
    %div3A_62 = arith.divf %add3A_51, %add3A_61 : vector<1000x22xf32>
    %get3A_63 = arith.constant 0 : index
    %get3A_64 = arith.constant 0 : index
    %get3A_65 = vector.load %arg7[%get3A_63, %get3A_64] : memref<22x32xf32, #tpu.memory_space<vmem>>, vector<22x32xf32>
    %dot_general3A_66 = arith.constant dense<0.000000e+00> : vector<1000x32xf32>
    %dot_general3A_67 = tpu.matmul %div3A_62, %get3A_65, %dot_general3A_66 {dimension_numbers = #tpu.dot_dimension_numbers<[1], [0], [0], [1], [0, 0, 1, 1], [], []>, transpose_lhs_hint = false} : vector<1000x22xf32>, vector<22x32xf32>, vector<1000x32xf32> -> vector<1000x32xf32>
    %get3A_68 = arith.constant 0 : index
    %get3A_69 = arith.constant 0 : index
    %get3A_70 = vector.load %arg8[%get3A_68, %get3A_69] : memref<1x32xf32, #tpu.memory_space<vmem>>, vector<1x32xf32>
    %add3A_71 = vector.broadcast %get3A_70 : vector<1x32xf32> to vector<1000x32xf32>
    %add3A_72 = arith.addf %dot_general3A_67, %add3A_71 : vector<1000x32xf32>
    %gt3A_73 = arith.constant 0.000000e+00 : f32
    %gt3A_74 = vector.broadcast %gt3A_73 : f32 to vector<1000x32xf32>
    %gt3A_75 = arith.cmpf ogt, %add3A_72, %gt3A_74 : vector<1000x32xf32>
    %min3A_76 = arith.constant 0.000000e+00 : f32
    %min3A_77 = vector.broadcast %min3A_76 : f32 to vector<1000x32xf32>
    %min3A_78 = arith.minimumf %add3A_72, %min3A_77 : vector<1000x32xf32>
    %exp3A_79 = math.exp %min3A_78 : vector<1000x32xf32>
    %sub3A_80 = arith.constant 1.000000e+00 : f32
    %sub3A_81 = vector.broadcast %sub3A_80 : f32 to vector<1000x32xf32>
    %sub3A_82 = arith.subf %exp3A_79, %sub3A_81 : vector<1000x32xf32>
    %select_n3A_83 = arith.select %gt3A_75, %add3A_72, %sub3A_82 : vector<1000x32xi1>, vector<1000x32xf32>
    %get3A_84 = arith.constant 0 : index
    %get3A_85 = arith.constant 0 : index
    %get3A_86 = vector.load %arg9[%get3A_84, %get3A_85] : memref<32x1xf32, #tpu.memory_space<vmem>>, vector<32x1xf32>
    %dot_general3A_87 = arith.constant dense<0.000000e+00> : vector<1000x1xf32>
    %dot_general3A_88 = tpu.matmul %select_n3A, %get3A_86, %dot_general3A_87 {dimension_numbers = #tpu.dot_dimension_numbers<[1], [0], [0], [1], [0, 0, 1, 1], [], []>, transpose_lhs_hint = false} : vector<1000x32xf32>, vector<32x1xf32>, vector<1000x1xf32> -> vector<1000x1xf32>
    %get3A_89 = arith.constant 0 : index
    %get3A_90 = arith.constant 0 : index
    %get3A_91 = vector.load %arg12[%get3A_89, %get3A_90] : memref<32x1xf32, #tpu.memory_space<vmem>>, vector<32x1xf32>
    %dot_general3A_92 = arith.constant dense<0.000000e+00> : vector<1000x1xf32>
    %dot_general3A_93 = tpu.matmul %select_n3A_83, %get3A_91, %dot_general3A_92 {dimension_numbers = #tpu.dot_dimension_numbers<[1], [0], [0], [1], [0, 0, 1, 1], [], []>, transpose_lhs_hint = false} : vector<1000x32xf32>, vector<32x1xf32>, vector<1000x1xf32> -> vector<1000x1xf32>
    %get3A_94 = arith.constant 0 : index
    %get3A_95 = arith.constant 0 : index
    %get3A_96 = vector.load %arg10[%get3A_94, %get3A_95] : memref<1x1xf32, #tpu.memory_space<vmem>>, vector<1x1xf32>
    %get3A_97 = vector.extract %get3A_96[0, 0] : f32 from vector<1x1xf32>
    %mul3A = vector.broadcast %get3A_97 : f32 to vector<1000x1xf32>
    %mul3A_98 = arith.mulf %dot_general3A_88, %mul3A : vector<1000x1xf32>
    %get3A_99 = arith.constant 0 : index
    %get3A_100 = arith.constant 0 : index
    %get3A_101 = vector.load %arg11[%get3A_99, %get3A_100] : memref<1x1xf32, #tpu.memory_space<vmem>>, vector<1x1xf32>
    %get3A_102 = vector.extract %get3A_101[0, 0] : f32 from vector<1x1xf32>
    %mul3A_103 = vector.broadcast %get3A_102 : f32 to vector<1000x1xf32>
    %mul3A_104 = arith.mulf %dot_general3A_88, %mul3A_103 : vector<1000x1xf32>
    %add3A_105 = arith.addf %mul3A_98, %mul3A_104 : vector<1000x1xf32>
    %ge3A = arith.constant 0.000000e+00 : f32
    %ge3A_106 = vector.broadcast %ge3A : f32 to vector<1000x1xf32>
    %ge3A_107 = arith.cmpf oge, %add3A_105, %ge3A_106 : vector<1000x1xf32>
    %mul3A_108 = arith.constant 2.000000e-01 : f32
    %mul3A_109 = vector.broadcast %mul3A_108 : f32 to vector<1000x1xf32>
    %mul3A_110 = arith.mulf %mul3A_109, %add3A_105 : vector<1000x1xf32>
    %select_n3A_111 = arith.select %ge3A_107, %add3A_105, %mul3A_110 : vector<1000x1xi1>, vector<1000x1xf32>
    %get3A_112 = arith.constant 0 : index
    %get3A_113 = arith.constant 0 : index
    %get3A_114 = vector.load %arg13[%get3A_112, %get3A_113] : memref<1x1xf32, #tpu.memory_space<vmem>>, vector<1x1xf32>
    %get3A_115 = vector.extract %get3A_114[0, 0] : f32 from vector<1x1xf32>
    %mul3A_116 = vector.broadcast %get3A_115 : f32 to vector<1000x1xf32>
    %mul3A_117 = arith.mulf %dot_general3A_93, %mul3A_116 : vector<1000x1xf32>
    %get3A_118 = arith.constant 0 : index
    %get3A_119 = arith.constant 0 : index
    %get3A_120 = vector.load %arg14[%get3A_118, %get3A_119] : memref<1x1xf32, #tpu.memory_space<vmem>>, vector<1x1xf32>
    %get3A_121 = vector.extract %get3A_120[0, 0] : f32 from vector<1x1xf32>
    %mul3A_122 = vector.broadcast %get3A_121 : f32 to vector<1000x1xf32>
    %mul3A_123 = arith.mulf %dot_general3A_93, %mul3A_122 : vector<1000x1xf32>
    %add3A_124 = arith.addf %mul3A_117, %mul3A_123 : vector<1000x1xf32>
    %ge3A_125 = arith.constant 0.000000e+00 : f32
    %ge3A_126 = vector.broadcast %ge3A_125 : f32 to vector<1000x1xf32>
    %ge3A_127 = arith.cmpf oge, %add3A_124, %ge3A_126 : vector<1000x1xf32>
    %mul3A_128 = arith.constant 2.000000e-01 : f32
    %mul3A_129 = vector.broadcast %mul3A_128 : f32 to vector<1000x1xf32>
    %mul3A_130 = arith.mulf %mul3A_129, %add3A_124 : vector<1000x1xf32>
    %select_n3A_131 = arith.select %ge3A_127, %add3A_124, %mul3A_130 : vector<1000x1xi1>, vector<1000x1xf32>
    %get3A_132 = arith.constant 0 : index
    %get3A_133 = arith.constant 0 : index
    %get3A_134 = arith.constant 0 : index
    %get3A_135 = vector.load %arg3[%get3A_132, %get3A_133, %get3A_134] : memref<2x1000x16xf32, #tpu.memory_space<vmem>>, vector<1x1000x16xf32>
    %get3A_136 = vector.shape_cast %get3A_135 : vector<1x1000x16xf32> to vector<1000x16xf32>
    %slice3A_137 = vector.extract_strided_slice %get3A_136 {offsets = [0, 3], sizes = [1000, 8], strides = [1, 1]} : vector<1000x16xf32> to vector<1000x8xf32>
    %get3A_138 = arith.constant 0 : index
    %get3A_139 = arith.constant 0 : index
    %get3A_140 = vector.load %arg15[%get3A_138, %get3A_139] : memref<8x32xf32, #tpu.memory_space<vmem>>, vector<8x32xf32>
    %dot_general3A_141 = arith.constant dense<0.000000e+00> : vector<1000x32xf32>
    %dot_general3A_142 = tpu.matmul %slice3A_137, %get3A_140, %dot_general3A_141 {dimension_numbers = #tpu.dot_dimension_numbers<[1], [0], [0], [1], [0, 0, 1, 1], [], []>, transpose_lhs_hint = false} : vector<1000x8xf32>, vector<8x32xf32>, vector<1000x32xf32> -> vector<1000x32xf32>
    %get3A_143 = arith.constant 0 : index
    %get3A_144 = arith.constant 0 : index
    %get3A_145 = vector.load %arg16[%get3A_143, %get3A_144] : memref<1x32xf32, #tpu.memory_space<vmem>>, vector<1x32xf32>
    %add3A_146 = vector.broadcast %get3A_145 : vector<1x32xf32> to vector<1000x32xf32>
    %add3A_147 = arith.addf %dot_general3A_142, %add3A_146 : vector<1000x32xf32>
    %max3A = arith.constant 0.000000e+00 : f32
    %max3A_148 = vector.broadcast %max3A : f32 to vector<1000x32xf32>
    %max3A_149 = arith.maximumf %add3A_147, %max3A_148 : vector<1000x32xf32>
    %get3A_150 = arith.constant 0 : index
    %get3A_151 = arith.constant 0 : index
    %get3A_152 = vector.load %arg17[%get3A_150, %get3A_151] : memref<32x3xf32, #tpu.memory_space<vmem>>, vector<32x3xf32>
    %dot_general3A_153 = arith.constant dense<0.000000e+00> : vector<1000x3xf32>
    %dot_general3A_154 = tpu.matmul %max3A_149, %get3A_152, %dot_general3A_153 {dimension_numbers = #tpu.dot_dimension_numbers<[1], [0], [0], [1], [0, 0, 1, 1], [], []>, transpose_lhs_hint = false} : vector<1000x32xf32>, vector<32x3xf32>, vector<1000x3xf32> -> vector<1000x3xf32>
    %get3A_155 = arith.constant 0 : index
    %get3A_156 = arith.constant 0 : index
    %get3A_157 = vector.load %arg18[%get3A_155, %get3A_156] : memref<1x3xf32, #tpu.memory_space<vmem>>, vector<1x3xf32>
    %add3A_158 = vector.broadcast %get3A_157 : vector<1x3xf32> to vector<1000x3xf32>
    %add3A_159 = arith.addf %dot_general3A_154, %add3A_158 : vector<1000x3xf32>
    %reduce_max3A = arith.constant dense<0xFF800000> : vector<1000xf32>
    %reduce_max3A_160 = vector.multi_reduction <maximumf>, %add3A_159, %reduce_max3A [1] : vector<1000x3xf32> to vector<1000xf32>
    %broadcast_in_dim3A_161 = vector.shape_cast %reduce_max3A_160 : vector<1000xf32> to vector<1000x1xf32>
    %sub3A_162 = vector.broadcast %broadcast_in_dim3A_161 : vector<1000x1xf32> to vector<1000x3xf32>
    %sub3A_163 = arith.subf %add3A_159, %sub3A_162 : vector<1000x3xf32>
    %exp3A_164 = math.exp %sub3A_163 : vector<1000x3xf32>
    %reduce_sum3A = arith.constant dense<0.000000e+00> : vector<1000xf32>
    %reduce_sum3A_165 = vector.multi_reduction <add>, %exp3A_164, %reduce_sum3A [1] : vector<1000x3xf32> to vector<1000xf32>
    %broadcast_in_dim3A_166 = vector.shape_cast %reduce_sum3A_165 : vector<1000xf32> to vector<1000x1xf32>
    %div3A_167 = vector.broadcast %broadcast_in_dim3A_166 : vector<1000x1xf32> to vector<1000x3xf32>
    %div3A_168 = arith.divf %exp3A_164, %div3A_167 : vector<1000x3xf32>
    %get3A_169 = arith.constant 0 : index
    %get3A_170 = arith.constant 0 : index
    %get3A_171 = vector.load %arg4[%get3A_169, %get3A_170] : memref<1000x6xf32, #tpu.memory_space<vmem>>, vector<1000x6xf32>
    %broadcast_in_dim3A_172 = arith.constant 0.000000e+00 : f32
    %broadcast_in_dim3A_173 = vector.broadcast %broadcast_in_dim3A_172 : f32 to vector<1000x2xf32>
    %slice3A_174 = vector.extract_strided_slice %get3A_171 {offsets = [0, 3], sizes = [1000, 1], strides = [1, 1]} : vector<1000x6xf32> to vector<1000x1xf32>
    %slice3A_175 = vector.extract_strided_slice %get3A_171 {offsets = [0, 4], sizes = [1000, 1], strides = [1, 1]} : vector<1000x6xf32> to vector<1000x1xf32>
    %concatenate3A_176 = tpu.concatenate %dot_general3A_88, %mul3A_98, %dot_general3A_93, %mul3A_117, %slice3A_174, %slice3A_175, %slice3A_137, %broadcast_in_dim3A_173 in 1 : vector<1000x1xf32>, vector<1000x1xf32>, vector<1000x1xf32>, vector<1000x1xf32>, vector<1000x1xf32>, vector<1000x1xf32>, vector<1000x8xf32>, vector<1000x2xf32> -> vector<1000x16xf32>
    %swap3A = arith.constant 0 : index
    %swap3A_177 = arith.constant 0 : index
    %swap3A_178 = vector.load %arg19[%swap3A, %swap3A_177] : memref<1000x16xf32, #tpu.memory_space<vmem>>, vector<1000x16xf32>
    tpu.vector_store %arg19[%swap3A, %swap3A_177], %concatenate3A_176 {strides = array<i32>} : memref<1000x16xf32, #tpu.memory_space<vmem>>, vector<1000x16xf32>,
    %broadcast_in_dim3A_179 = arith.constant 0.000000e+00 : f32
    %broadcast_in_dim3A_180 = vector.broadcast %broadcast_in_dim3A_179 : f32 to vector<1000x12xf32>
    %concatenate3A_181 = tpu.concatenate %mul3A_104, %select_n3A_111, %mul3A_123, %select_n3A_131, %broadcast_in_dim3A_180 in 1 : vector<1000x1xf32>, vector<1000x1xf32>, vector<1000x1xf32>, vector<1000x1xf32>, vector<1000x12xf32> -> vector<1000x16xf32>
    %swap3A_182 = arith.constant 0 : index
    %swap3A_183 = arith.constant 0 : index
    %swap3A_184 = vector.load %arg20[%swap3A_182, %swap3A_183] : memref<1000x16xf32, #tpu.memory_space<vmem>>, vector<1000x16xf32>
    tpu.vector_store %arg20[%swap3A_182, %swap3A_183], %concatenate3A_181 {strides = array<i32>} : memref<1000x16xf32, #tpu.memory_space<vmem>>, vector<1000x16xf32>,
    %broadcast_in_dim3A_185 = arith.constant 0.000000e+00 : f32
    %broadcast_in_dim3A_186 = vector.broadcast %broadcast_in_dim3A_185 : f32 to vector<1000x3xf32>
    %concatenate3A_187 = tpu.concatenate %div3A_168, %dot_general3A_88, %dot_general3A_93, %broadcast_in_dim3A_186 in 1 : vector<1000x3xf32>, vector<1000x1xf32>, vector<1000x1xf32>, vector<1000x3xf32> -> vector<1000x8xf32>
    %swap3A_188 = arith.constant 0 : index
    %swap3A_189 = arith.constant 0 : index
    %swap3A_190 = vector.load %arg21[%swap3A_188, %swap3A_189] : memref<1000x8xf32, #tpu.memory_space<vmem>>, vector<1000x8xf32>
    tpu.vector_store %arg21[%swap3A_188, %swap3A_189], %concatenate3A_187 {strides = array<i32>} : memref<1000x8xf32, #tpu.memory_space<vmem>>, vector<1000x8xf32>,
    return
  }
  func.func @transform_0(%arg0: i32) -> (i32, i32) {
    %c0_i32 = arith.constant 0 : i32
    %c0_i32_0 = arith.constant 0 : i32
    return %arg0, %c0_i32 : i32, i32
  }
  func.func @transform_1(%arg0: i32) -> (i32, i32) {
    %c0_i32 = arith.constant 0 : i32
    %c0_i32_0 = arith.constant 0 : i32
    return %arg0, %c0_i32 : i32, i32
  }
  func.func @transform_2(%arg0: i32) -> (i32, i32, i32) {
    %c0_i32 = arith.constant 0 : i32
    %c0_i32_0 = arith.constant 0 : i32
    %c0_i32_1 = arith.constant 0 : i32
    return %c0_i32, %arg0, %c0_i32_0 : i32, i32, i32
  }
  func.func @transform_3(%arg0: i32) -> (i32, i32) {
    %c0_i32 = arith.constant 0 : i32
    %c0_i32_0 = arith.constant 0 : i32
    return %arg0, %c0_i32 : i32, i32
  }
  func.func @transform_4(%arg0: i32) -> (i32, i32) {
    %c0_i32 = arith.constant 0 : i32
    %c0_i32_0 = arith.constant 0 : i32
    %c0_i32_1 = arith.constant 0 : i32
    return %c0_i32, %c0_i32_0 : i32, i32
  }
  func.func @transform_5(%arg0: i32) -> (i32, i32) {
    %c0_i32 = arith.constant 0 : i32
    %c0_i32_0 = arith.constant 0 : i32
    %c0_i32_1 = arith.constant 0 : i32
    return %c0_i32, %c0_i32_0 : i32, i32
  }
  func.func @transform_6(%arg0: i32) -> (i32, i32) {
    %c0_i32 = arith.constant 0 : i32
    %c0_i32_0 = arith.constant 0 : i32
    %c0_i32_1 = arith.constant 0 : i32
    return %c0_i32, %c0_i32_0 : i32, i32
  }
  func.func @transform_7(%arg0: i32) -> (i32, i32) {
    %c0_i32 = arith.constant 0 : i32
    %c0_i32_0 = arith.constant 0 : i32
    %c0_i32_1 = arith.constant 0 : i32
    return %c0_i32, %c0_i32_0 : i32, i32
  }
  func.func @transform_8(%arg0: i32) -> (i32, i32) {
    %c0_i32 = arith.constant 0 : i32
    %c0_i32_0 = arith.constant 0 : i32
    %c0_i32_1 = arith.constant 0 : i32
    return %c0_i32, %c0_i32_0 : i32, i32
  }
  func.func @transform_9(%arg0: i32) -> (i32, i32) {
    %c0_i32 = arith.constant 0 : i32
    %c0_i32_0 = arith.constant 0 : i32
    %c0_i32_1 = arith.constant 0 : i32
    return %c0_i32, %c0_i32_0 : i32, i32
  }
  func.func @transform_10(%arg0: i32) -> (i32, i32) {
    %c0_i32 = arith.constant 0 : i32
    %c0_i32_0 = arith.constant 0 : i32
    %c0_i32_1 = arith.constant 0 : i32
    return %c0_i32, %c0_i32_0 : i32, i32
  }
  func.func @transform_11(%arg0: i32) -> (i32, i32) {
    %c0_i32 = arith.constant 0 : i32
    %c0_i32_0 = arith.constant 0 : i32
    %c0_i32_1 = arith.constant 0 : i32
    return %c0_i32, %c0_i32_0 : i32, i32
  }
  func.func @transform_12(%arg0: i32) -> (i32, i32) {
    %c0_i32 = arith.constant 0 : i32
    %c0_i32_0 = arith.constant 0 : i32
    %c0_i32_1 = arith.constant 0 : i32
    return %c0_i32, %c0_i32_0 : i32, i32
  }
  func.func @transform_13(%arg0: i32) -> (i32, i32) {
    %c0_i32 = arith.constant 0 : i32
    %c0_i32_0 = arith.constant 0 : i32
    %c0_i32_1 = arith.constant 0 : i32
    return %c0_i32, %c0_i32_0 : i32, i32
  }
  func.func @transform_14(%arg0: i32) -> (i32, i32) {
    %c0_i32 = arith.constant 0 : i32
    %c0_i32_0 = arith.constant 0 : i32
    %c0_i32_1 = arith.constant 0 : i32
    return %c0_i32, %c0_i32_0 : i32, i32
  }
  func.func @transform_15(%arg0: i32) -> (i32, i32) {
    %c0_i32 = arith.constant 0 : i32
    %c0_i32_0 = arith.constant 0 : i32
    %c0_i32_1 = arith.constant 0 : i32
    return %c0_i32, %c0_i32_0 : i32, i32
  }
  func.func @transform_16(%arg0: i32) -> (i32, i32) {
    %c0_i32 = arith.constant 0 : i32
    %c0_i32_0 = arith.constant 0 : i32
    %c0_i32_1 = arith.constant 0 : i32
    return %c0_i32, %c0_i32_0 : i32, i32
  }
  func.func @transform_17(%arg0: i32) -> (i32, i32) {
    %c0_i32 = arith.constant 0 : i32
    %c0_i32_0 = arith.constant 0 : i32
    %c0_i32_1 = arith.constant 0 : i32
    return %c0_i32, %c0_i32_0 : i32, i32
  }
  func.func @transform_18(%arg0: i32) -> (i32, i32) {
    %c0_i32 = arith.constant 0 : i32
    %c0_i32_0 = arith.constant 0 : i32
    return %arg0, %c0_i32 : i32, i32
  }
  func.func @transform_19(%arg0: i32) -> (i32, i32) {
    %c0_i32 = arith.constant 0 : i32
    %c0_i32_0 = arith.constant 0 : i32
    return %arg0, %c0_i32 : i32, i32
  }
  func.func @transform_20(%arg0: i32) -> (i32, i32) {
    %c0_i32 = arith.constant 0 : i32
    %c0_i32_0 = arith.constant 0 : i32
    return %arg0, %c0_i32 : i32, i32
  }
}

module attributes {stable_mosaic.version = 14 : i64} {
  func.func @_evolve_body(%arg0: memref<1x100xf32, #tpu.memory_space<vmem>>, %arg1: memref<100x100xf32, #tpu.memory_space<vmem>>, %arg2: memref<1x100xf32, #tpu.memory_space<vmem>>, %arg3: memref<1x100xf32, #tpu.memory_space<vmem>>) attributes {dimension_semantics = [], scalar_prefetch = 0 : i64, scratch_operands = 0 : i64, tpu.core_type = #tpu.core_type<tc>} {
    %get3A = arith.constant 0 : index
    %get3A_0 = arith.constant 0 : index
    %get3A_1 = vector.load %arg0[%get3A, %get3A_0] : memref<1x100xf32, #tpu.memory_space<vmem>>, vector<1x100xf32>
    %get3A_2 = arith.constant 0 : index
    %get3A_3 = arith.constant 0 : index
    %get3A_4 = vector.load %arg1[%get3A_2, %get3A_3] : memref<100x100xf32, #tpu.memory_space<vmem>>, vector<100x100xf32>
    %dot_general3A = arith.constant dense<0.000000e+00> : vector<1x100xf32>
    %dot_general3A_5 = tpu.matmul %get3A_1, %get3A_4, %dot_general3A {dimension_numbers = #tpu.dot_dimension_numbers<[1], [0], [0], [1], [0, 0, 1, 1], [], []>, transpose_lhs_hint = false} : vector<1x100xf32>, vector<100x100xf32>, vector<1x100xf32> -> vector<1x100xf32>
    %get3A_6 = arith.constant 0 : index
    %get3A_7 = arith.constant 0 : index
    %get3A_8 = vector.load %arg2[%get3A_6, %get3A_7] : memref<1x100xf32, #tpu.memory_space<vmem>>, vector<1x100xf32>
    %add3A = arith.addf %dot_general3A_5, %get3A_8 : vector<1x100xf32>
    %tanh3A = math.tanh %add3A : vector<1x100xf32>
    %swap3A = arith.constant 0 : index
    %swap3A_9 = arith.constant 0 : index
    %swap3A_10 = vector.load %arg3[%swap3A, %swap3A_9] : memref<1x100xf32, #tpu.memory_space<vmem>>, vector<1x100xf32>
    tpu.vector_store %arg3[%swap3A, %swap3A_9], %tanh3A {strides = array<i32>} : memref<1x100xf32, #tpu.memory_space<vmem>>, vector<1x100xf32>,
    return
  }
}

module attributes {stable_mosaic.version = 14 : i64} {
  func.func @_stage_c_body(%arg0: i32, %arg1: memref<1000x16xf32, #tpu.memory_space<vmem>>, %arg2: memref<1000x16xf32, #tpu.memory_space<vmem>>, %arg3: memref<1000x8xf32, #tpu.memory_space<vmem>>, %arg4: memref<10x10xf32, #tpu.memory_space<vmem>>, %arg5: memref<10x1xf32, #tpu.memory_space<vmem>>, %arg6: memref<1x1xf32, #tpu.memory_space<vmem>>, %arg7: memref<1x1xf32, #tpu.memory_space<vmem>>, %arg8: memref<1x1xf32, #tpu.memory_space<vmem>>, %arg9: memref<1000x1xf32, #tpu.memory_space<vmem>>) attributes {dimension_semantics = [#tpu.dimension_semantics<arbitrary>], iteration_bounds = array<i64: 50>, scalar_prefetch = 0 : i64, scratch_operands = 0 : i64, tpu.core_type = #tpu.core_type<tc>, window_params = [{transform_indices = @transform_0, window_bounds = array<i64: 1000, 16>}, {transform_indices = @transform_1, window_bounds = array<i64: 1000, 16>}, {transform_indices = @transform_2, window_bounds = array<i64: 1000, 8>}, {pipeline_mode = #tpu.pipeline_mode<synchronous>, transform_indices = @transform_3, window_bounds = array<i64: 10, 10>}, {pipeline_mode = #tpu.pipeline_mode<synchronous>, transform_indices = @transform_4, window_bounds = array<i64: 10, 1>}, {pipeline_mode = #tpu.pipeline_mode<synchronous>, transform_indices = @transform_5, window_bounds = array<i64: 1, 1>}, {pipeline_mode = #tpu.pipeline_mode<synchronous>, transform_indices = @transform_6, window_bounds = array<i64: 1, 1>}, {pipeline_mode = #tpu.pipeline_mode<synchronous>, transform_indices = @transform_7, window_bounds = array<i64: 1, 1>}, {transform_indices = @transform_8, window_bounds = array<i64: 1000, 1>}]} {
    %get3A = arith.constant 0 : index
    %get3A_0 = arith.constant 0 : index
    %get3A_1 = vector.load %arg1[%get3A, %get3A_0] : memref<1000x16xf32, #tpu.memory_space<vmem>>, vector<1000x16xf32>
    %get3A_2 = arith.constant 0 : index
    %get3A_3 = arith.constant 0 : index
    %get3A_4 = vector.load %arg2[%get3A_2, %get3A_3] : memref<1000x16xf32, #tpu.memory_space<vmem>>, vector<1000x16xf32>
    %add3A = arith.addf %get3A_1, %get3A_4 : vector<1000x16xf32>
    %get3A_5 = arith.constant 0 : index
    %get3A_6 = arith.constant 3 : index
    %get3A_7 = vector.load %arg3[%get3A_5, %get3A_6] : memref<1000x8xf32, #tpu.memory_space<vmem>>, vector<1000x1xf32>
    %get3A_8 = arith.constant 0 : index
    %get3A_9 = arith.constant 4 : index
    %get3A_10 = vector.load %arg3[%get3A_8, %get3A_9] : memref<1000x8xf32, #tpu.memory_space<vmem>>, vector<1000x1xf32>
    %slice3A = vector.extract_strided_slice %add3A {offsets = [0, 1], sizes = [1000, 1], strides = [1, 1]} : vector<1000x16xf32> to vector<1000x1xf32>
    %add3A_11 = arith.addf %slice3A, %get3A_7 : vector<1000x1xf32>
    %slice3A_12 = vector.extract_strided_slice %add3A {offsets = [0, 0], sizes = [1000, 1], strides = [1, 1]} : vector<1000x16xf32> to vector<1000x1xf32>
    %add3A_13 = arith.constant 1.000000e+00 : f32
    %add3A_14 = vector.broadcast %add3A_13 : f32 to vector<1000x1xf32>
    %add3A_15 = arith.addf %slice3A_12, %add3A_14 : vector<1000x1xf32>
    %add3A_16 = arith.constant 1.000000e-16 : f32
    %add3A_17 = vector.broadcast %add3A_16 : f32 to vector<1000x1xf32>
    %add3A_18 = arith.addf %add3A_15, %add3A_17 : vector<1000x1xf32>
    %div3A = arith.divf %add3A_11, %add3A_18 : vector<1000x1xf32>
    %get3A_19 = arith.constant 0 : index
    %get3A_20 = arith.constant 0 : index
    %get3A_21 = vector.load %arg7[%get3A_19, %get3A_20] : memref<1x1xf32, #tpu.memory_space<vmem>>, vector<1x1xf32>
    %get3A_22 = vector.extract %get3A_21[0, 0] : f32 from vector<1x1xf32>
    %add3A_23 = vector.broadcast %get3A_22 : f32 to vector<1000x1xf32>
    %add3A_24 = arith.addf %div3A, %add3A_23 : vector<1000x1xf32>
    %slice3A_25 = vector.extract_strided_slice %add3A {offsets = [0, 3], sizes = [1000, 1], strides = [1, 1]} : vector<1000x16xf32> to vector<1000x1xf32>
    %add3A_26 = arith.addf %slice3A_25, %get3A_10 : vector<1000x1xf32>
    %slice3A_27 = vector.extract_strided_slice %add3A {offsets = [0, 2], sizes = [1000, 1], strides = [1, 1]} : vector<1000x16xf32> to vector<1000x1xf32>
    %add3A_28 = arith.constant 1.000000e+00 : f32
    %add3A_29 = vector.broadcast %add3A_28 : f32 to vector<1000x1xf32>
    %add3A_30 = arith.addf %slice3A_27, %add3A_29 : vector<1000x1xf32>
    %add3A_31 = arith.constant 1.000000e-16 : f32
    %add3A_32 = vector.broadcast %add3A_31 : f32 to vector<1000x1xf32>
    %add3A_33 = arith.addf %add3A_30, %add3A_32 : vector<1000x1xf32>
    %div3A_34 = arith.divf %add3A_26, %add3A_33 : vector<1000x1xf32>
    %get3A_35 = arith.constant 0 : index
    %get3A_36 = arith.constant 0 : index
    %get3A_37 = vector.load %arg8[%get3A_35, %get3A_36] : memref<1x1xf32, #tpu.memory_space<vmem>>, vector<1x1xf32>
    %get3A_38 = vector.extract %get3A_37[0, 0] : f32 from vector<1x1xf32>
    %add3A_39 = vector.broadcast %get3A_38 : f32 to vector<1000x1xf32>
    %add3A_40 = arith.addf %div3A_34, %add3A_39 : vector<1000x1xf32>
    %slice3A_41 = vector.extract_strided_slice %add3A {offsets = [0, 4], sizes = [1000, 10], strides = [1, 1]} : vector<1000x16xf32> to vector<1000x10xf32>
    %get3A_42 = arith.constant 0 : index
    %get3A_43 = arith.constant 0 : index
    %get3A_44 = vector.load %arg4[%get3A_42, %get3A_43] : memref<10x10xf32, #tpu.memory_space<vmem>>, vector<10x10xf32>
    %dot_general3A = arith.constant dense<0.000000e+00> : vector<1000x10xf32>
    %dot_general3A_45 = tpu.matmul %slice3A_41, %get3A_44, %dot_general3A {dimension_numbers = #tpu.dot_dimension_numbers<[1], [0], [0], [1], [0, 0, 1, 1], [], []>, transpose_lhs_hint = false} : vector<1000x10xf32>, vector<10x10xf32>, vector<1000x10xf32> -> vector<1000x10xf32>
    %max3A = arith.constant 0.000000e+00 : f32
    %max3A_46 = vector.broadcast %max3A : f32 to vector<1000x10xf32>
    %max3A_47 = arith.maximumf %dot_general3A_45, %max3A_46 : vector<1000x10xf32>
    %get3A_48 = arith.constant 0 : index
    %get3A_49 = arith.constant 0 : index
    %get3A_50 = vector.load %arg5[%get3A_48, %get3A_49] : memref<10x1xf32, #tpu.memory_space<vmem>>, vector<10x1xf32>
    %dot_general3A_51 = arith.constant dense<0.000000e+00> : vector<1000x1xf32>
    %dot_general3A_52 = tpu.matmul %max3A_47, %get3A_50, %dot_general3A_51 {dimension_numbers = #tpu.dot_dimension_numbers<[1], [0], [0], [1], [0, 0, 1, 1], [], []>, transpose_lhs_hint = false} : vector<1000x10xf32>, vector<10x1xf32>, vector<1000x1xf32> -> vector<1000x1xf32>
    %get3A_53 = arith.constant 0 : index
    %get3A_54 = arith.constant 0 : index
    %get3A_55 = vector.load %arg6[%get3A_53, %get3A_54] : memref<1x1xf32, #tpu.memory_space<vmem>>, vector<1x1xf32>
    %get3A_56 = vector.extract %get3A_55[0, 0] : f32 from vector<1x1xf32>
    %add3A_57 = vector.broadcast %get3A_56 : f32 to vector<1000x1xf32>
    %add3A_58 = arith.addf %dot_general3A_52, %add3A_57 : vector<1000x1xf32>
    %get3A_59 = arith.constant 0 : index
    %get3A_60 = arith.constant 0 : index
    %get3A_61 = vector.load %arg3[%get3A_59, %get3A_60] : memref<1000x8xf32, #tpu.memory_space<vmem>>, vector<1000x1xf32>
    %mul3A = arith.mulf %get3A_61, %add3A_24 : vector<1000x1xf32>
    %get3A_62 = arith.constant 0 : index
    %get3A_63 = arith.constant 1 : index
    %get3A_64 = vector.load %arg3[%get3A_62, %get3A_63] : memref<1000x8xf32, #tpu.memory_space<vmem>>, vector<1000x1xf32>
    %mul3A_65 = arith.mulf %get3A_64, %add3A_58 : vector<1000x1xf32>
    %add3A_66 = arith.addf %mul3A, %mul3A_65 : vector<1000x1xf32>
    %get3A_67 = arith.constant 0 : index
    %get3A_68 = arith.constant 2 : index
    %get3A_69 = vector.load %arg3[%get3A_67, %get3A_68] : memref<1000x8xf32, #tpu.memory_space<vmem>>, vector<1000x1xf32>
    %mul3A_70 = arith.mulf %get3A_69, %add3A_40 : vector<1000x1xf32>
    %add3A_71 = arith.addf %add3A_66, %mul3A_70 : vector<1000x1xf32>
    %swap3A = arith.constant 0 : index
    %swap3A_72 = arith.constant 0 : index
    %swap3A_73 = vector.load %arg9[%swap3A, %swap3A_72] : memref<1000x1xf32, #tpu.memory_space<vmem>>, vector<1000x1xf32>
    tpu.vector_store %arg9[%swap3A, %swap3A_72], %add3A_71 {strides = array<i32>} : memref<1000x1xf32, #tpu.memory_space<vmem>>, vector<1000x1xf32>,
    return
  }
  func.func @transform_0(%arg0: i32) -> (i32, i32) {
    %c0_i32 = arith.constant 0 : i32
    %c0_i32_0 = arith.constant 0 : i32
    return %arg0, %c0_i32 : i32, i32
  }
  func.func @transform_1(%arg0: i32) -> (i32, i32) {
    %c0_i32 = arith.constant 0 : i32
    %c0_i32_0 = arith.constant 0 : i32
    return %arg0, %c0_i32 : i32, i32
  }
  func.func @transform_2(%arg0: i32) -> (i32, i32) {
    %c0_i32 = arith.constant 0 : i32
    %c0_i32_0 = arith.constant 0 : i32
    return %arg0, %c0_i32 : i32, i32
  }
  func.func @transform_3(%arg0: i32) -> (i32, i32) {
    %c0_i32 = arith.constant 0 : i32
    %c0_i32_0 = arith.constant 0 : i32
    %c0_i32_1 = arith.constant 0 : i32
    return %c0_i32, %c0_i32_0 : i32, i32
  }
  func.func @transform_4(%arg0: i32) -> (i32, i32) {
    %c0_i32 = arith.constant 0 : i32
    %c0_i32_0 = arith.constant 0 : i32
    %c0_i32_1 = arith.constant 0 : i32
    return %c0_i32, %c0_i32_0 : i32, i32
  }
  func.func @transform_5(%arg0: i32) -> (i32, i32) {
    %c0_i32 = arith.constant 0 : i32
    %c0_i32_0 = arith.constant 0 : i32
    %c0_i32_1 = arith.constant 0 : i32
    return %c0_i32, %c0_i32_0 : i32, i32
  }
  func.func @transform_6(%arg0: i32) -> (i32, i32) {
    %c0_i32 = arith.constant 0 : i32
    %c0_i32_0 = arith.constant 0 : i32
    %c0_i32_1 = arith.constant 0 : i32
    return %c0_i32, %c0_i32_0 : i32, i32
  }
  func.func @transform_7(%arg0: i32) -> (i32, i32) {
    %c0_i32 = arith.constant 0 : i32
    %c0_i32_0 = arith.constant 0 : i32
    %c0_i32_1 = arith.constant 0 : i32
    return %c0_i32, %c0_i32_0 : i32, i32
  }
  func.func @transform_8(%arg0: i32) -> (i32, i32) {
    %c0_i32 = arith.constant 0 : i32
    %c0_i32_0 = arith.constant 0 : i32
    return %arg0, %c0_i32 : i32, i32
  }
}

</mosaic_0001>

<sc_bundles>
// kernel: kernel.11.cloned.1.call-start
scs
__scs_entry_jumppad:
0x0: {  	(pc) =	sbr.rel $0x88, $3  }
0x1: {  	(tag) =	ssettag $0x0;
	lr =	simm.s32 $0x1  }
0x2: {  	[smem:$0x3F81] =	sst lr;
	_ =	strace $0xD0000000  }
0x3: {  	_ = 	snop  }
0x4: {  	_ = 	snop  }
0x5: {  	_ = 	snop  }
0x6: {  	_ = 	snop  }
0x7: {  	_ = 	snop  }
__scs_overlays_trampoline_lowered:
0x8: {  	[smem:$0x3F90] =	sst s0  }
0x9: {  	[smem:$0x3F91] =	sst s1  }
0xa: {  	[smem:$0x3F92] =	sst s2  }
0xb: {  	[smem:$0x3F93] =	sst s3  }
0xc: {  	[smem:$0x3F94] =	sst s4  }
0xd: {  	[smem:$0x3F95] =	sst s5  }
0xe: {  	[smem:$0x3F96] =	sst s6  }
0xf: {  	[smem:$0x3F97] =	sst s7  }
0x10: {  	[smem:$0x3F98] =	sst s8  }
0x11: {  	[smem:$0x3F99] =	sst s9;
	s0 =	simm.s32 @!p0 $0x0  }
0x12: {  	s1 =	sld [smem:$0x3F7F];
	s0 =	simm.s32 @p0 $0x1  }
0x13: {  	[smem:$0x3F9A] =	sst s0;
	s0 =	simm.s32 @!p1 $0x0  }
0x14: {  	s2 =	sld [smem:$0x3F7E];
	s0 =	simm.s32 @p1 $0x1  }
0x15: {  	[smem:$0x3F9B] =	sst s0;
	s0 =	simm.s32 @!p2 $0x0  }
0x16: {  	s3 =	sld [smem:$0x3FDB];
	s0 =	simm.s32 @p2 $0x1  }
0x17: {  	s4 =	simm.s32 $0x1BF5;
	[smem:$0x3F9D] =	sst s0  }
0x18: {  	s0 =	sld [smem:$0x3F80];
	_ =	swait.ge [sflag:s4], $0x0  }
0x19: {  	s7 =	sld [smem:$0x3F81]  }
0x1a: {  	s8 =	sadd.s32 $0xFFFFE003, lr  }
0x1b: {  	s9 =	sadd.s32 $0xFFFFFEF7, lr;
	s5 =	simm.s32 $0xFFFFFFFF;
	p2 =	slt.u32 s8, $0xFFFFF086  }
0x1c: {  	p1 =	slt.u32 s9, $0xF7A;
	s5 =	simm.s32 @!p2 $0x0  }
0x1d: {  	s5 =	simm.s32 @p1 $0x1;
	p0 =	seq.s32 s7, s2  }
0x1e: {  	s7 =	smul.u32 @!p0 $0xF7A, s2;
	p2 =	seq.s32 @!p0 s5, $0x0  }
0x1f: {  	s9 =	smul.u32 $0xF7A, s1;
	s8 =	simm.s32 @!p0 $0x1BF5;
	p2 =	por !p2, p0  }
0x20: {  	[sflag:s8] =	ssyncset.s32 @!p0 $0xFFFFF086;
	s6 =	sadd.s32 @!p0 s3, s7;
	s7 =	simm.s32 @!p0 $0x108  }
0x21: {  	s3 =	sadd.s32 s3, s9;
	s6 =	sadd.s32 @!p0 $0x88, s6;
	s7 =	simm.s32 @p2 $0x1082  }
0x22: {  	[simem:s7], [sflag:s8] =	dma.local @!p0 [hbm:s6], $0xF7A  }
0x23: {  	s9 =	sor.u32 $0xD0000000, s2;
	s6 =	simm.s32 $0x108;
	_ =	swait.ge @!p0 [sflag:s8], $0x0  }
0x24: {  	s3 =	sadd.s32 $0x88, s3;
	s6 =	simm.s32 @!p1 $0x1082;
	[sflag:s4] =	ssyncset.s32 $0xFFFFF086  }
0x25: {  	[simem:s6], [sflag:s4] =	dma.local [hbm:s3], $0xF7A  }
0x26: {  	[smem:$0x3F81] =	sst s1;
	(tag) =	ssettag s2;
	_ =	strace s9  }
0x27: {  	s1 =	sld [smem:$0x3F91]  }
0x28: {  	s2 =	sld [smem:$0x3F92]  }
0x29: {  	s4 =	sld [smem:$0x3F94]  }
0x2a: {  	p0 =	seq.s32 s5, $0x0;
	s5 =	sld [smem:$0x3F95]  }
0x2b: {  	s6 =	sld [smem:$0x3F96]  }
0x2c: {  	s7 =	sld [smem:$0x3F97]  }
0x2d: {  	s3 =	simm.s32 $0x108;
	s8 =	sld [smem:$0x3F98]  }
0x2e: {  	s3 =	simm.s32 @!p0 $0x1082;
	s9 =	sld [smem:$0x3F99]  }
0x2f: {  	lr =	sadd.s32 s0, s3;
	s0 =	sld [smem:$0x3F90]  }
0x30: {  	s3 =	sld [smem:$0x3F93]  }
0x31: {  	[smem:$0x3F9C] =	sst s10  }
0x32: {  	s10 =	sld [smem:$0x3F9A];
	_ =	sdelay $0x3  }
0x33: {  	p0 =	seq.s32 s10, $0x1;
	s10 =	sld [smem:$0x3F9C];
	_ =	sdelay $0x3  }
0x34: {  	[smem:$0x3F9C] =	sst s10  }
0x35: {  	s10 =	sld [smem:$0x3F9B];
	_ =	sdelay $0x3  }
0x36: {  	p1 =	seq.s32 s10, $0x1;
	s10 =	sld [smem:$0x3F9C];
	_ =	sdelay $0x3  }
0x37: {  	[smem:$0x3F9C] =	sst s10  }
0x38: {  	s10 =	sld [smem:$0x3F9D]  }
0x39: {  	_ = 	snop;
	(pc) =	sbr.ind lr, $3  }
0x3a: {  	_ = 	snop  }
0x3b: {  	_ = 	snop  }
0x3c: {  	p2 =	seq.s32 s10, $0x1;
	s10 =	sld [smem:$0x3F9C]  }
0x3d: {  	_ =	shalt  }
0x3e: {  	_ =	shalt  }
0x3f: {  	_ =	shalt  }
0x40: {  	_ =	shalt  }
0x41: {  	_ =	shalt  }
0x42: {  	_ =	shalt  }
0x43: {  	_ =	shalt  }
0x44: {  	_ =	shalt  }
0x45: {  	_ =	shalt  }
0x46: {  	_ =	shalt  }
0x47: {  	_ =	shalt  }
0x48: {  	_ =	shalt  }
0x49: {  	_ =	shalt  }
0x4a: {  	_ =	shalt  }
0x4b: {  	_ =	shalt  }
0x4c: {  	_ =	shalt  }
0x4d: {  	_ =	shalt  }
0x4e: {  	_ =	shalt  }
0x4f: {  	_ =	shalt  }
0x50: {  	_ =	shalt  }
0x51: {  	_ =	shalt  }
0x52: {  	_ =	shalt  }
0x53: {  	_ =	shalt  }
0x54: {  	_ =	shalt  }
0x55: {  	_ =	shalt  }
0x56: {  	_ =	shalt  }
0x57: {  	_ =	shalt  }
0x58: {  	_ =	shalt  }
0x59: {  	_ =	shalt  }
0x5a: {  	_ =	shalt  }
0x5b: {  	_ =	shalt  }
0x5c: {  	_ =	shalt  }
0x5d: {  	_ =	shalt  }
0x5e: {  	_ =	shalt  }
0x5f: {  	_ =	shalt  }
0x60: {  	_ =	shalt  }
0x61: {  	_ =	shalt  }
0x62: {  	_ =	shalt  }
0x63: {  	_ =	shalt  }
0x64: {  	_ =	shalt  }
0x65: {  	_ =	shalt  }
0x66: {  	_ =	shalt  }
0x67: {  	_ =	shalt  }
0x68: {  	_ =	shalt  }
0x69: {  	_ =	shalt  }
0x6a: {  	_ =	shalt  }
0x6b: {  	_ =	shalt  }
0x6c: {  	_ =	shalt  }
0x6d: {  	_ =	shalt  }
0x6e: {  	_ =	shalt  }
0x6f: {  	_ =	shalt  }
0x70: {  	_ =	shalt  }
0x71: {  	_ =	shalt  }
0x72: {  	_ =	shalt  }
0x73: {  	_ =	shalt  }
0x74: {  	_ =	shalt  }
0x75: {  	_ =	shalt  }
0x76: {  	_ =	shalt  }
0x77: {  	_ =	shalt  }
0x78: {  	_ =	shalt  }
0x79: {  	_ =	shalt  }
0x7a: {  	_ =	shalt  }
0x7b: {  	_ =	shalt  }
0x7c: {  	_ =	shalt  }
0x7d: {  	_ =	shalt  }
0x7e: {  	_ =	shalt  }
0x7f: {  	_ =	shalt  }
0x80: {  	_ =	shalt  }
0x81: {  	_ =	shalt  }
0x82: {  	_ =	shalt  }
0x83: {  	_ =	shalt  }
0x84: {  	_ =	shalt  }
0x85: {  	_ =	shalt  }
0x86: {  	_ =	shalt  }
0x87: {  	_ =	shalt  }
.Lfunc_end0:
.L_simem_size_0:
called_computation.1_lowered:
.L_overlay_start_0:
0x88: {  	s2 =	sld [smem:$0x3FD9]  }
0x89: {  	s3 =	sld [smem:$0x3FFE];
	_ =	sdelay $0x1  }
0x8a: {  	s1 =	srdreg.scid  }
0x8b: {  	s0 =	sand.u32 $0x1, s1  }
0x8c: {  	s16 =	sshll.u32 s0, $0xA;
	s2 =	sadd.s32 s3, s2  }
0x8d: {  	s2 =	sadd.s32 s2, s16  }
0x8e: {  	[smem:$0x3FA8] =	sst s2  }
0x8f: {  	_ = 	snop  }
0x90: {  	(tm) =	ssettm $0x1  }
0x91: {  	s17 =	sld [smem:$0x3FFB];
	_ =	sdelay $0x3  }
0x92: {  	_ =	strace s17  }
0x93: {  	s2 =	sld [smem:$0x3FFC];
	_ =	sdelay $0x3  }
0x94: {  	_ =	strace s2  }
0x95: {  	s2 =	sld [smem:$0x3FFD];
	_ =	sdelay $0x3  }
0x96: {  	_ =	strace s2  }
0x97: {  	_ =	strace $0x8FFFFFFF  }
0x98: {  	s18 =	sld [smem:$0x3FDB];
	_ =	sdelay $0x1  }
0x99: {  	s19 =	simm.s32 $_scs_section_size  }
0x9a: {  	s4 =	simm.s32 $_size__tile_overlayer_lowered;
	s5 =	simm.s32 $_tile_overlayer_lowered  }
0x9b: {  	s22 =	simm.s32 $0x1BFF;
	s21 =	sshll.u32 s5, $0x1;
	s2 =	sadd.s32 s19, s18  }
0x9c: {  	s6 =	simm.s32 $0x0;
	s20 =	sshll.u32 s4, $0x1;
	s4 =	sadd.s32 s21, s2  }
0x9d: {  	[timem:s6], [sflag:s22] =	dma.local [hbm:s4], s20  }
0x9e: {  	_ =	swait.ge [sflag:s22], s20  }
0x9f: {  	s3 =	ssub.s32 $0x0, s20;
	[sflag:s22] =	ssyncset.done $0x0  }
0xa0: {  	[sflag:s22] =	ssyncadd.s32 s3;
	_ =	sdelay $0x1  }
0xa1: {  	s23 =	simm.s32 $0x1B8B  }
0xa2: {  	_ =	swait.ge [sflag:s23], $0x1  }
0xa3: {  	[sflag:s23] =	ssyncset.done $0x0  }
0xa4: {  	s25 =	simm.s32 $0x1B8E;
	s24 =	sld [smem:$0x3FFE];
	[sflag:s23] =	ssyncadd.s32 $0xFFFFFFFF  }
0xa5: {  	s26 =	simm.s32 $execute0_lowered;
	[smem:$0x3FD2] =	sst s25  }
0xa6: {  	s4 =	sshll.u32 s26, $0x1;
	_ =	strace $0x80000049;
	[dreg:$0x1] =	wrdreg $0xFFFFFFFF  }
0xa7: {  	s28 =	simm.s32 $_size_execute0_lowered;
	s2 =	sadd.s32 s2, s4;
	[dreg:$0x0] =	wrdreg $0x0  }
0xa8: {  	s4 =	sshll.u32 s28, $0x1;
	[dreg:$0x2] =	wrdreg s2  }
0xa9: {  	[dreg:$0x3] =	wrdreg s4  }
0xaa: {  	[dreg:$0x4] =	wrdreg $0xC0  }
0xab: {  	_ =	task [dreg:s6], $0x5FFFF  }
0xac: {  	[dreg:$0x1] =	wrdreg $0xFFFFFFFF  }
0xad: {  	[dreg:$0x0] =	wrdreg $0x60  }
0xae: {  	[dreg:$0x2] =	wrdreg s24  }
0xaf: {  	[dreg:$0x3] =	wrdreg $0xC8000  }
0xb0: {  	[dreg:$0x4] =	wrdreg $0x9  }
0xb1: {  	_ =	task.clear_ibuf [dreg:s6], $0x5FFFF;
	_ =	strace $0x90000049  }
0xb2: {  	s29 =	simm.s32 $0x9;
	_ =	strace $0x8000004B  }
0xb3: {  	_ =	swait.ge [sflag:s29], $0x1  }
0xb4: {  	[sflag:s29] =	ssyncadd.s32 $0xFFFFFFFF  }
0xb5: {  	_ =	strace $0x9000004B  }
0xb6: {  	_ =	sfence  }
0xb7: {  	s30 =	sld [smem:$0x0];
	_ =	sdelay $0x2  }
0xb8: {  	s31 =	sshll.u32 s1, $0xD;
	s1 =	sshrl.u32 s1, $0x2  }
0xb9: {  	s3 =	sand.u32 $0x4000, s31;
	s1 =	sadd.s32 s1, s30  }
0xba: {  	s0 =	sor.u32 s3, s0;
	s1 =	sshll.u32 s1, $0x11  }
0xbb: {  	s0 =	sor.u32 s1, s0  }
0xbc: {  	s0 =	sadd.s32 $0x8F2B, s0  }
0xbd: {  	[sflag:s0] =	ssyncadd.remote.s32 $0x1  }
0xbe: {  	_ =	sfence.sel $0xFFFF  }
0xbf: {  	[dreg:$0x0] =	wrdreg $0xFFFFFFFF;
	(pc) =	sbr.abs _section_cstart, $3  }
0xc0: {  	[dreg:$0x1] =	wrdreg $0xFFFFFFFF  }
0xc1: {  	_ =	task.clear_ibuf [dreg:s6], $0x2FFFF;
	_ =	strace $0x9FFFFFFF  }
0xc2: {  	(tm) =	ssettm $0x7FFFFFFF  }
0xc3: {  	_ =	shalt  }
tec
execute0_lowered:
.L_overlay_start_1:
0x0: {  	(tag) =	ssettag $0x1  }
0x1: {  	s0 =	rddreg [dreg:$0x0]  }
0x2: {  	s2 =	rddreg [dreg:$0x1];
	s22 =	simm.s32 $0x0;
	s12 =	stileid.u32  }
0x3: {  	s1 =	srdreg.scid;
	s14 =	simm.s32 $0x2;
	s15 =	simm.s32 $0x400  }
0x4: {  	s16 =	simm.s32 $0x80;
	s17 =	simm.s32 $0x800;
	s18 =	simm.s32 $0x4800  }
0x5: {  	s20 =	simm.s32 $0x480;
	s29 =	simm.s32 $0x580;
	s30 =	simm.s32 $0x1  }
0x6: {  	s31 =	simm.s32 $0x8800;
	s13 =	simm.s32 $0xB000;
	s19 =	simm.s32 $0xC000  }
0x7: {  	[smem:$0x7FF] =	sst s22;
	s3 =	smul.u32 $0xC380, s12;
	s1 =	sand.u32 $0x1, s1  }
0x8: {  	s4 =	sadd.s32 $0x34C00, s0;
	s5 =	sadd.s32 $0x172A00, s0;
	s6 =	sadd.s32 $0x3E00, s0  }
0x9: {  	s7 =	sadd.s32 $0x65C00, s0;
	s24 =	sshll.u32 s12, $0x6;
	s25 =	sshll.u32 s12, $0x1  }
0xa: {  	s12 =	simm.s32 $0xA800;
	_ =	strace $0x8000004A;
	s8 =	smul.u32 $0xC3800, s1  }
0xb: {  	s9 =	ssub.s32 $0x2, s1;
	s23 =	sor.u32 $0x1C02, s24;
	s1 =	sor.u32 s1, s25  }
0xc: {  	s24 =	simm.s32 $0x500;
	s10 =	sshrl.u32 s3, $0x3;
	s11 =	sshrl.u32 s9, $0x1  }
0xd: {  	[dreg:$0x5] =	wrdreg s23;
	s8 =	sadd.s32 s3, s8;
	s10 =	sadd.s32 s10, s0  }
0xe: {  	s21 =	ssub.s32 s9, s11;
	s3 =	sadd.s32 s3, s2;
	s9 =	simm.s32 $0x680  }
0xf: {  	s11 =	simm.s32 $0xA000;
	s8 =	sshrl.u32 s8, $0x3;
	s10 =	sadd.s32 $0x7E400, s10  }
0x10: {  	s26 =	smax.u32 s21, $0x1;
	s28 =	sshrl.u32 s3, $0x3;
	s21 =	simm.s32 $0x700  }
0x11: {  	s3 =	simm.s32 $0xB800;
	s0 =	sadd.s32 s8, s0;
	[dreg:$0x4] =	wrdreg s10  }
0x12: {  	s10 =	smul.u32 $0xC400, s1;
	[dreg:$0x7] =	wrdreg s26;
	s1 =	simm.s32 $0x600  }
0x13: {  	v0 =	vlaneseq.u32;
	s26 =	simm.s32 $0x780;
	[dreg:$0x8] =	wrdreg s28;
	s0 =	sadd.s32 $0x96C00, s0  }
0x14: {  	v1 =	vimm.f32 $0.0e+00;
	v0 =	vmul.u32 $0x10, v0;
	s8 =	simm.s32 $0x9800;
	[dreg:$0x6] =	wrdreg s0;
	s0 =	simm.s32 $0x9000  }
.LBB2_1:
0x15: {  	[dreg:$0x3] =	wrdreg s22  }
0x16: {  	s25 =	rddreg [dreg:$0x4]  }
0x17: {  	[spmem:s28], [sflag:s23] =	dma.local [hbm:s25], $0x1870  }
0x18: {  	_ =	swait.ge [sflag:s14], $0x1870  }
0x19: {  	[sflag:s14] =	ssyncset.done $0x0  }
0x1a: {  	[sflag:s14] =	ssyncadd.s32 $0xFFFFE790  }
0x1b: {  	s22 =	simm.s32 $0x0;
	[bflag:$0x0] =	sbarrier.arrive $0xFFFF  }
.LBB2_2:
0x1c: {  	s23 =	sshll.u32 s22, $0xA  }
0x1d: {  	s23 =	sadd.s32 s10, s23  }
0x1e: {  	s25 =	sshrl.u32 s23, $0x3  }
0x1f: {  	s23 =	simm.s32 $0x0;
	s28 =	sadd.s32 s4, s25  }
0x20: {  	[tilespmem:s23], [sflag:$0x2] =	stream.linear.gather [hbm4b:s28+s23], $0x400, $0x38;
	[tilespmem:$0x18B80] =	vst v63  }
0x21: {  	_ =	swait.ge [sflag:s14], $0x400  }
0x22: {  	[sflag:s14] =	ssyncset.done $0x0  }
0x23: {  	s25 =	sadd.s32 s5, s25;
	[sflag:s14] =	ssyncadd.s32 $0xFFFFFC00  }
0x24: {  	[tilespmem:s15], [sflag:$0x2] =	stream.linear.gather [hbm4b:s25+s23], $0x400, $0x38;
	[tilespmem:$0x18B80] =	vst v63  }
0x25: {  	_ =	swait.ge [sflag:s14], $0x400  }
0x26: {  	[sflag:s14] =	ssyncset.done $0x0  }
0x27: {  	[sflag:s14] =	ssyncadd.s32 $0xFFFFFC00  }
0x28: {  	[tilespmem:s17], [sflag:$0x1] =	stream.indirect.gather [hbm4b:s6+s16], $0x10, s23, s16, $0xb8;
	[tilespmem:$0x18B80] =	vst v63  }
0x29: {  	_ = 	snop  }
0x2a: {  	[tilespmem:s18], [sflag:$0x1] =	stream.indirect.gather [hbm4b:s7+s16], $0x10, s15, s16, $0xb8;
	[tilespmem:$0x18B80] =	vst v63  }
0x2b: {  	s28 =	simm.s32 $0x1000  }
0x2c: {  	[tilespmem:s28], [sflag:$0x1] =	stream.indirect.gather [hbm4b:s6+s16], $0x10, s16, s16, $0xb8;
	[tilespmem:$0x18B80] =	vst v63  }
0x2d: {  	s28 =	simm.s32 $0x5000  }
0x2e: {  	[tilespmem:s28], [sflag:$0x1] =	stream.indirect.gather [hbm4b:s7+s16], $0x10, s20, s16, $0xb8;
	[tilespmem:$0x18B80] =	vst v63  }
0x2f: {  	s25 =	simm.s32 $0x100;
	s28 =	simm.s32 $0x1800  }
0x30: {  	[tilespmem:s28], [sflag:$0x1] =	stream.indirect.gather [hbm4b:s6+s16], $0x10, s25, s16, $0xb8;
	[tilespmem:$0x18B80] =	vst v63  }
0x31: {  	s28 =	simm.s32 $0x5800  }
0x32: {  	[tilespmem:s28], [sflag:$0x1] =	stream.indirect.gather [hbm4b:s7+s16], $0x10, s24, s16, $0xb8;
	[tilespmem:$0x18B80] =	vst v63  }
0x33: {  	s25 =	simm.s32 $0x180;
	s28 =	simm.s32 $0x2000  }
0x34: {  	[tilespmem:s28], [sflag:$0x1] =	stream.indirect.gather [hbm4b:s6+s16], $0x10, s25, s16, $0xb8;
	[tilespmem:$0x18B80] =	vst v63  }
0x35: {  	s28 =	simm.s32 $0x6000  }
0x36: {  	[tilespmem:s28], [sflag:$0x1] =	stream.indirect.gather [hbm4b:s7+s16], $0x10, s29, s16, $0xb8;
	[tilespmem:$0x18B80] =	vst v63  }
0x37: {  	s25 =	simm.s32 $0x200;
	s28 =	simm.s32 $0x2800  }
0x38: {  	[tilespmem:s28], [sflag:$0x1] =	stream.indirect.gather [hbm4b:s6+s16], $0x10, s25, s16, $0xb8;
	[tilespmem:$0x18B80] =	vst v63  }
0x39: {  	s28 =	simm.s32 $0x6800  }
0x3a: {  	[tilespmem:s28], [sflag:$0x1] =	stream.indirect.gather [hbm4b:s7+s16], $0x10, s1, s16, $0xb8;
	[tilespmem:$0x18B80] =	vst v63  }
0x3b: {  	s25 =	simm.s32 $0x280;
	s28 =	simm.s32 $0x3000  }
0x3c: {  	[tilespmem:s28], [sflag:$0x1] =	stream.indirect.gather [hbm4b:s6+s16], $0x10, s25, s16, $0xb8;
	[tilespmem:$0x18B80] =	vst v63  }
0x3d: {  	s28 =	simm.s32 $0x7000  }
0x3e: {  	[tilespmem:s28], [sflag:$0x1] =	stream.indirect.gather [hbm4b:s7+s16], $0x10, s9, s16, $0xb8;
	[tilespmem:$0x18B80] =	vst v63  }
0x3f: {  	s25 =	simm.s32 $0x300;
	s28 =	simm.s32 $0x3800  }
0x40: {  	[tilespmem:s28], [sflag:$0x1] =	stream.indirect.gather [hbm4b:s6+s16], $0x10, s25, s16, $0xb8;
	[tilespmem:$0x18B80] =	vst v63  }
0x41: {  	s28 =	simm.s32 $0x7800  }
0x42: {  	[tilespmem:s28], [sflag:$0x1] =	stream.indirect.gather [hbm4b:s7+s16], $0x10, s21, s16, $0xb8;
	[tilespmem:$0x18B80] =	vst v63  }
0x43: {  	s25 =	simm.s32 $0x380;
	s28 =	simm.s32 $0x4000  }
0x44: {  	[tilespmem:s28], [sflag:$0x1] =	stream.indirect.gather [hbm4b:s6+s16], $0x10, s25, s16, $0xb8;
	[tilespmem:$0x18B80] =	vst v63  }
0x45: {  	s28 =	simm.s32 $0x8000  }
0x46: {  	[tilespmem:s28], [sflag:$0x1] =	stream.indirect.gather [hbm4b:s7+s16], $0x10, s26, s16, $0xb8;
	[tilespmem:$0x18B80] =	vst v63  }
0x47: {  	_ =	swait.ge [sflag:s30], $0x800  }
0x48: {  	[sflag:s30] =	ssyncset.done $0x0  }
0x49: {  	[sflag:s30] =	ssyncadd.s32 $0xFFFFF800  }
0x4a: {  	_ =	swait.ge [sflag:s30], $0x800  }
0x4b: {  	[sflag:s30] =	ssyncset.done $0x0  }
0x4c: {  	[sflag:s30] =	ssyncadd.s32 $0xFFFFF800  }
0x4d: {  	_ =	swait.ge [sflag:s30], $0x800  }
0x4e: {  	[sflag:s30] =	ssyncset.done $0x0  }
0x4f: {  	[sflag:s30] =	ssyncadd.s32 $0xFFFFF800  }
0x50: {  	_ =	swait.ge [sflag:s30], $0x800  }
0x51: {  	[sflag:s30] =	ssyncset.done $0x0  }
0x52: {  	[sflag:s30] =	ssyncadd.s32 $0xFFFFF800  }
0x53: {  	_ =	swait.ge [sflag:s30], $0x800  }
0x54: {  	[sflag:s30] =	ssyncset.done $0x0  }
0x55: {  	[sflag:s30] =	ssyncadd.s32 $0xFFFFF800  }
0x56: {  	_ =	swait.ge [sflag:s30], $0x800  }
0x57: {  	[sflag:s30] =	ssyncset.done $0x0  }
0x58: {  	[sflag:s30] =	ssyncadd.s32 $0xFFFFF800  }
0x59: {  	_ =	swait.ge [sflag:s30], $0x800  }
0x5a: {  	[sflag:s30] =	ssyncset.done $0x0  }
0x5b: {  	[sflag:s30] =	ssyncadd.s32 $0xFFFFF800  }
0x5c: {  	_ =	swait.ge [sflag:s30], $0x800  }
0x5d: {  	[sflag:s30] =	ssyncset.done $0x0  }
0x5e: {  	[sflag:s30] =	ssyncadd.s32 $0xFFFFF800  }
0x5f: {  	_ =	swait.ge [sflag:s30], $0x800  }
0x60: {  	[sflag:s30] =	ssyncset.done $0x0  }
0x61: {  	[sflag:s30] =	ssyncadd.s32 $0xFFFFF800  }
0x62: {  	_ =	swait.ge [sflag:s30], $0x800  }
0x63: {  	[sflag:s30] =	ssyncset.done $0x0  }
0x64: {  	[sflag:s30] =	ssyncadd.s32 $0xFFFFF800  }
0x65: {  	_ =	swait.ge [sflag:s30], $0x800  }
0x66: {  	[sflag:s30] =	ssyncset.done $0x0  }
0x67: {  	[sflag:s30] =	ssyncadd.s32 $0xFFFFF800  }
0x68: {  	_ =	swait.ge [sflag:s30], $0x800  }
0x69: {  	[sflag:s30] =	ssyncset.done $0x0  }
0x6a: {  	[sflag:s30] =	ssyncadd.s32 $0xFFFFF800  }
0x6b: {  	_ =	swait.ge [sflag:s30], $0x800  }
0x6c: {  	[sflag:s30] =	ssyncset.done $0x0  }
0x6d: {  	[sflag:s30] =	ssyncadd.s32 $0xFFFFF800  }
0x6e: {  	_ =	swait.ge [sflag:s30], $0x800  }
0x6f: {  	v2 =	vmov s23;
	[sflag:s30] =	ssyncset.done $0x0  }
0x70: {  	v2 =	vshll.u32 v2, $0x4;
	[sflag:s30] =	ssyncadd.s32 $0xFFFFF800  }
0x71: {  	v2 =	vor.u32 v0, v2;
	_ =	swait.ge [sflag:s30], $0x800  }
0x72: {  	v3 =	vor.u32 $0x1, v2;
	[sflag:s30] =	ssyncset.done $0x0  }
0x73: {  	[sflag:s30] =	ssyncadd.s32 $0xFFFFF800  }
0x74: {  	v4 =	vor.u32 $0x2, v2;
	_ =	swait.ge [sflag:s30], $0x800  }
0x75: {  	v5 =	vor.u32 $0x3, v2;
	[sflag:s30] =	ssyncset.done $0x0  }
0x76: {  	[sflag:s30] =	ssyncadd.s32 $0xFFFFF800  }
0x77: {  	v6 =	vld.idx.msk [tilespmem:v3+s17+$0x0], $0xffff  }
0x78: {  	v7 =	vld.idx.msk [tilespmem:v2+s18+$0x0], $0xffff  }
0x79: {  	v8 =	vld.idx.msk [tilespmem:v4+s18+$0x0], $0xffff  }
0x7a: {  	v9 =	vld.idx.msk [tilespmem:v5+s17+$0x0], $0xffff;
	_ =	sdelay $0x2  }
0x7b: {  	v10 =	vld.idx.msk [tilespmem:v3+s18+$0x0], $0xffff;
	v6 =	vadd.f32 v7, v6;
	_ =	sdelay $0x1  }
0x7c: {  	v7 =	vld.idx.msk [tilespmem:v5+s18+$0x0], $0xffff;
	v8 =	vadd.f32 v8, v9;
	v11 =	vmul.f32 $2.000000030e-01, v6  }
0x7d: {  	vm0 =	vge.f32 v6, $0.0e+00  }
0x7e: {  	v9 =	vmul.f32 $2.000000030e-01, v8;
	v6 =	vsel vm0, v6, v11  }
0x7f: {  	vm15 =	vge.f32 v8, $0.0e+00;
	v6 =	vsub.f32 v6, v10  }
0x80: {  	v8 =	vsel vm15, v8, v9  }
0x81: {  	v7 =	vsub.f32 v8, v7;
	v6 =	vmul.f32 $1.442695020e+00, v6;
	_ =	sdelay $0x1  }
0x82: {  	v7 =	vmul.f32 $1.442695020e+00, v7;
	(erf) = vpow2.f32 v6;
	_ =	sdelay $0x1  }
0x83: {  	(erf) = vpow2.f32 v7;
	_ =	sdelay $0x2  }
0x84: {  	v6 =	vld.idx.msk [tilespmem:v2+s17+$0x0], $0xffff;
	_ =	sdelay $0x1  }
0x85: {  	v7 =	vld.idx.msk [tilespmem:v4+s17+$0x0], $0xffff;
	_ =	sdelay $0x1  }
0x86: {  	v8 =	vpop (erf)  }
0x87: {  	v63 =	vor.u32 $0x4, v2;
	v6 =	vmul.f32 v8, v6  }
0x88: {  	[tilespmem:v2+s31+$0x0] =	vst.idx.msk $0xffff, v8;
	v8 =	vpop (erf)  }
0x89: {  	[tilespmem:v3+s31+$0x0] =	vst.idx.msk $0xffff, v6;
	v3 =	vmul.f32 v8, v7  }
0x8a: {  	[tilespmem:v4+s31+$0x0] =	vst.idx.msk $0xffff, v8  }
0x8b: {  	[tilespmem:v5+s31+$0x0] =	vst.idx.msk $0xffff, v3  }
0x8c: {  	v3 =	vld.idx.msk [tilespmem:v63+s17+$0x0], $0xffff  }
0x8d: {  	v4 =	vor.u32 $0x5, v2;
	_ =	sdelay $0x3  }
0x8e: {  	[tilespmem:v63+s31+$0x0] =	vst.idx.msk $0xffff, v3  }
0x8f: {  	v3 =	vld.idx.msk [tilespmem:v4+s17+$0x0], $0xffff  }
0x90: {  	v5 =	vor.u32 $0x6, v2;
	_ =	sdelay $0x3  }
0x91: {  	[tilespmem:v4+s31+$0x0] =	vst.idx.msk $0xffff, v3  }
0x92: {  	v3 =	vld.idx.msk [tilespmem:v5+s17+$0x0], $0xffff  }
0x93: {  	v4 =	vor.u32 $0x7, v2;
	_ =	sdelay $0x3  }
0x94: {  	[tilespmem:v5+s31+$0x0] =	vst.idx.msk $0xffff, v3  }
0x95: {  	v3 =	vld.idx.msk [tilespmem:v4+s17+$0x0], $0xffff  }
0x96: {  	v5 =	vor.u32 $0x8, v2;
	_ =	sdelay $0x3  }
0x97: {  	[tilespmem:v4+s31+$0x0] =	vst.idx.msk $0xffff, v3  }
0x98: {  	v3 =	vld.idx.msk [tilespmem:v5+s17+$0x0], $0xffff  }
0x99: {  	v4 =	vor.u32 $0x9, v2;
	_ =	sdelay $0x3  }
0x9a: {  	[tilespmem:v5+s31+$0x0] =	vst.idx.msk $0xffff, v3  }
0x9b: {  	v3 =	vld.idx.msk [tilespmem:v4+s17+$0x0], $0xffff  }
0x9c: {  	v5 =	vor.u32 $0xA, v2;
	_ =	sdelay $0x3  }
0x9d: {  	[tilespmem:v4+s31+$0x0] =	vst.idx.msk $0xffff, v3  }
0x9e: {  	v3 =	vld.idx.msk [tilespmem:v5+s17+$0x0], $0xffff  }
0x9f: {  	v4 =	vor.u32 $0xB, v2;
	_ =	sdelay $0x3  }
0xa0: {  	[tilespmem:v5+s31+$0x0] =	vst.idx.msk $0xffff, v3  }
0xa1: {  	v3 =	vld.idx.msk [tilespmem:v4+s17+$0x0], $0xffff  }
0xa2: {  	v5 =	vor.u32 $0xC, v2;
	_ =	sdelay $0x3  }
0xa3: {  	[tilespmem:v4+s31+$0x0] =	vst.idx.msk $0xffff, v3  }
0xa4: {  	v3 =	vld.idx.msk [tilespmem:v5+s17+$0x0], $0xffff  }
0xa5: {  	v8 =	vor.u32 $0xD, v2;
	_ =	sdelay $0x3  }
0xa6: {  	s28 =	simm.s32 $0x10;
	[tilespmem:v5+s31+$0x0] =	vst.idx.msk $0xffff, v3  }
0xa7: {  	v3 =	vmov s28;
	v9 =	vld.idx.msk [tilespmem:v8+s17+$0x0], $0xffff  }
0xa8: {  	v7 =	vor.u32 $0xE, v2;
	v3 =	vshll.u32 v3, $0x4  }
0xa9: {  	v6 =	vor.u32 $0xF, v2;
	v2 =	vor.u32 v0, v3  }
0xaa: {  	v5 =	vor.u32 $0x1, v2;
	_ =	sdelay $0x1  }
0xab: {  	s23 =	simm.s32 $0x20;
	v4 =	vor.u32 $0x2, v2;
	v3 =	vor.u32 $0x3, v2;
	[tilespmem:v8+s31+$0x0] =	vst.idx.msk $0xffff, v9  }
.LBB2_3:
0xac: {  	p0 =	sne.s32 s23, $0x3F0;
	[tilespmem:v7+s31+$0x0] =	vst.idx.msk $0xffff, v1;
	s25 =	smov.u32 s23;
	s23 =	sadd.s32 $0x10, s23  }
0xad: {  	[tilespmem:v6+s31+$0x0] =	vst.idx.msk $0xffff, v1  }
0xae: {  	v6 =	vld.idx.msk [tilespmem:v5+s17+$0x0], $0xffff  }
0xaf: {  	v7 =	vld.idx.msk [tilespmem:v2+s18+$0x0], $0xffff  }
0xb0: {  	v8 =	vld.idx.msk [tilespmem:v4+s18+$0x0], $0xffff  }
0xb1: {  	v9 =	vld.idx.msk [tilespmem:v3+s17+$0x0], $0xffff;
	_ =	sdelay $0x2  }
0xb2: {  	v10 =	vld.idx.msk [tilespmem:v5+s18+$0x0], $0xffff  }
0xb3: {  	v6 =	vadd.f32 v7, v6;
	v11 =	vld.idx.msk [tilespmem:v3+s18+$0x0], $0xffff;
	_ =	sdelay $0x1  }
0xb4: {  	v7 =	vmul.f32 $2.000000030e-01, v6;
	v8 =	vadd.f32 v8, v9  }
0xb5: {  	vm0 =	vge.f32 v6, $0.0e+00  }
0xb6: {  	v6 =	vsel vm0, v6, v7;
	v7 =	vmul.f32 $2.000000030e-01, v8  }
0xb7: {  	vm0 =	vge.f32 v8, $0.0e+00;
	v6 =	vsub.f32 v6, v10  }
0xb8: {  	v7 =	vsel vm0, v8, v7  }
0xb9: {  	v6 =	vmul.f32 $1.442695020e+00, v6;
	v7 =	vsub.f32 v7, v11;
	_ =	sdelay $0x1  }
0xba: {  	v7 =	vmul.f32 $1.442695020e+00, v7;
	(erf) = vpow2.f32 v6;
	_ =	sdelay $0x1  }
0xbb: {  	(erf) = vpow2.f32 v7  }
0xbc: {  	v6 =	vld.idx.msk [tilespmem:v2+s17+$0x0], $0xffff;
	_ =	sdelay $0x1  }
0xbd: {  	v7 =	vld.idx.msk [tilespmem:v4+s17+$0x0], $0xffff;
	_ =	sdelay $0x3  }
0xbe: {  	v8 =	vor.u32 $0x4, v2;
	v9 =	vpop (erf)  }
0xbf: {  	[tilespmem:v2+s31+$0x0] =	vst.idx.msk $0xffff, v9;
	v6 =	vmul.f32 v9, v6  }
0xc0: {  	v9 =	vpop (erf)  }
0xc1: {  	[tilespmem:v5+s31+$0x0] =	vst.idx.msk $0xffff, v6;
	v5 =	vmul.f32 v9, v7  }
0xc2: {  	[tilespmem:v4+s31+$0x0] =	vst.idx.msk $0xffff, v9  }
0xc3: {  	[tilespmem:v3+s31+$0x0] =	vst.idx.msk $0xffff, v5  }
0xc4: {  	v3 =	vld.idx.msk [tilespmem:v8+s17+$0x0], $0xffff  }
0xc5: {  	v4 =	vor.u32 $0x5, v2;
	_ =	sdelay $0x4  }
0xc6: {  	[tilespmem:v8+s31+$0x0] =	vst.idx.msk $0xffff, v3  }
0xc7: {  	v3 =	vld.idx.msk [tilespmem:v4+s17+$0x0], $0xffff  }
0xc8: {  	v5 =	vor.u32 $0x6, v2;
	_ =	sdelay $0x4  }
0xc9: {  	[tilespmem:v4+s31+$0x0] =	vst.idx.msk $0xffff, v3  }
0xca: {  	v3 =	vld.idx.msk [tilespmem:v5+s17+$0x0], $0xffff  }
0xcb: {  	v4 =	vor.u32 $0x7, v2;
	_ =	sdelay $0x4  }
0xcc: {  	[tilespmem:v5+s31+$0x0] =	vst.idx.msk $0xffff, v3  }
0xcd: {  	v3 =	vld.idx.msk [tilespmem:v4+s17+$0x0], $0xffff  }
0xce: {  	v5 =	vor.u32 $0x8, v2;
	_ =	sdelay $0x4  }
0xcf: {  	[tilespmem:v4+s31+$0x0] =	vst.idx.msk $0xffff, v3  }
0xd0: {  	v3 =	vld.idx.msk [tilespmem:v5+s17+$0x0], $0xffff  }
0xd1: {  	v4 =	vor.u32 $0x9, v2;
	_ =	sdelay $0x4  }
0xd2: {  	[tilespmem:v5+s31+$0x0] =	vst.idx.msk $0xffff, v3  }
0xd3: {  	v3 =	vld.idx.msk [tilespmem:v4+s17+$0x0], $0xffff  }
0xd4: {  	v5 =	vor.u32 $0xA, v2;
	_ =	sdelay $0x4  }
0xd5: {  	[tilespmem:v4+s31+$0x0] =	vst.idx.msk $0xffff, v3  }
0xd6: {  	v3 =	vld.idx.msk [tilespmem:v5+s17+$0x0], $0xffff  }
0xd7: {  	v4 =	vor.u32 $0xB, v2;
	_ =	sdelay $0x4  }
0xd8: {  	[tilespmem:v5+s31+$0x0] =	vst.idx.msk $0xffff, v3  }
0xd9: {  	v3 =	vld.idx.msk [tilespmem:v4+s17+$0x0], $0xffff  }
0xda: {  	v5 =	vor.u32 $0xC, v2;
	_ =	sdelay $0x4  }
0xdb: {  	[tilespmem:v4+s31+$0x0] =	vst.idx.msk $0xffff, v3  }
0xdc: {  	v3 =	vld.idx.msk [tilespmem:v5+s17+$0x0], $0xffff  }
0xdd: {  	v8 =	vor.u32 $0xD, v2;
	_ =	sdelay $0x4  }
0xde: {  	[tilespmem:v5+s31+$0x0] =	vst.idx.msk $0xffff, v3  }
0xdf: {  	v9 =	vld.idx.msk [tilespmem:v8+s17+$0x0], $0xffff  }
0xe0: {  	v7 =	vor.u32 $0xE, v2;
	v3 =	vmov s25  }
.Ltmp0:
0xe1: {  	v6 =	vor.u32 $0xF, v2;
	v3 =	vshll.u32 v3, $0x4;
	(pc) =	sbr.rel @p0 .LBB2_3-.Ltmp0, $3  }
0xe2: {  	v2 =	vor.u32 v0, v3  }
0xe3: {  	v5 =	vor.u32 $0x1, v2;
	_ =	sdelay $0x1  }
0xe4: {  	v4 =	vor.u32 $0x2, v2;
	v3 =	vor.u32 $0x3, v2;
	[tilespmem:v8+s31+$0x0] =	vst.idx.msk $0xffff, v9  }
0xe5: {  	_ =	sdelay $0x3  }
0xe6: {  	[tilespmem:v7+s31+$0x0] =	vst.idx.msk $0xffff, v1  }
0xe7: {  	[tilespmem:v6+s31+$0x0] =	vst.idx.msk $0xffff, v1  }
0xe8: {  	v6 =	vld.idx.msk [tilespmem:v5+s17+$0x0], $0xffff  }
0xe9: {  	v7 =	vld.idx.msk [tilespmem:v2+s18+$0x0], $0xffff  }
0xea: {  	v8 =	vld.idx.msk [tilespmem:v4+s18+$0x0], $0xffff  }
0xeb: {  	v9 =	vld.idx.msk [tilespmem:v3+s17+$0x0], $0xffff;
	_ =	sdelay $0x2  }
0xec: {  	v10 =	vld.idx.msk [tilespmem:v5+s18+$0x0], $0xffff;
	v6 =	vadd.f32 v7, v6;
	_ =	sdelay $0x1  }
0xed: {  	v47 =	vld.idx.msk [tilespmem:v3+s18+$0x0], $0xffff;
	v8 =	vadd.f32 v8, v9;
	v11 =	vmul.f32 $2.000000030e-01, v6  }
0xee: {  	vm0 =	vge.f32 v6, $0.0e+00  }
0xef: {  	v9 =	vmul.f32 $2.000000030e-01, v8;
	v6 =	vsel vm0, v6, v11  }
0xf0: {  	vm15 =	vge.f32 v8, $0.0e+00;
	v6 =	vsub.f32 v6, v10  }
0xf1: {  	v8 =	vsel vm15, v8, v9  }
0xf2: {  	v7 =	vsub.f32 v8, v47;
	v6 =	vmul.f32 $1.442695020e+00, v6;
	_ =	sdelay $0x1  }
0xf3: {  	v7 =	vmul.f32 $1.442695020e+00, v7;
	(erf) = vpow2.f32 v6;
	_ =	sdelay $0x1  }
0xf4: {  	(erf) = vpow2.f32 v7;
	_ =	sdelay $0x2  }
0xf5: {  	v48 =	vld.idx.msk [tilespmem:v2+s17+$0x0], $0xffff;
	_ =	sdelay $0x1  }
0xf6: {  	v49 =	vld.idx.msk [tilespmem:v4+s17+$0x0], $0xffff;
	_ =	sdelay $0x1  }
0xf7: {  	v50 =	vpop (erf)  }
0xf8: {  	v51 =	vor.u32 $0x4, v2;
	v6 =	vmul.f32 v50, v48  }
0xf9: {  	[tilespmem:v2+s31+$0x0] =	vst.idx.msk $0xffff, v50;
	v52 =	vpop (erf)  }
0xfa: {  	v53 =	vmul.f32 v52, v49;
	[tilespmem:v5+s31+$0x0] =	vst.idx.msk $0xffff, v6  }
0xfb: {  	[tilespmem:v4+s31+$0x0] =	vst.idx.msk $0xffff, v52  }
0xfc: {  	[tilespmem:v3+s31+$0x0] =	vst.idx.msk $0xffff, v53  }
0xfd: {  	v3 =	vld.idx.msk [tilespmem:v51+s17+$0x0], $0xffff  }
0xfe: {  	v54 =	vor.u32 $0x5, v2;
	_ =	sdelay $0x3  }
0xff: {  	[tilespmem:v51+s31+$0x0] =	vst.idx.msk $0xffff, v3  }
0x100: {  	v3 =	vld.idx.msk [tilespmem:v54+s17+$0x0], $0xffff  }
0x101: {  	v55 =	vor.u32 $0x6, v2;
	_ =	sdelay $0x3  }
0x102: {  	[tilespmem:v54+s31+$0x0] =	vst.idx.msk $0xffff, v3  }
0x103: {  	v3 =	vld.idx.msk [tilespmem:v55+s17+$0x0], $0xffff  }
0x104: {  	v56 =	vor.u32 $0x7, v2;
	_ =	sdelay $0x3  }
0x105: {  	[tilespmem:v55+s31+$0x0] =	vst.idx.msk $0xffff, v3  }
0x106: {  	v3 =	vld.idx.msk [tilespmem:v56+s17+$0x0], $0xffff  }
0x107: {  	v57 =	vor.u32 $0x8, v2;
	_ =	sdelay $0x3  }
0x108: {  	[tilespmem:v56+s31+$0x0] =	vst.idx.msk $0xffff, v3  }
0x109: {  	v3 =	vld.idx.msk [tilespmem:v57+s17+$0x0], $0xffff  }
0x10a: {  	v58 =	vor.u32 $0x9, v2;
	_ =	sdelay $0x3  }
0x10b: {  	[tilespmem:v57+s31+$0x0] =	vst.idx.msk $0xffff, v3  }
0x10c: {  	v3 =	vld.idx.msk [tilespmem:v58+s17+$0x0], $0xffff  }
0x10d: {  	v59 =	vor.u32 $0xA, v2;
	_ =	sdelay $0x3  }
0x10e: {  	[tilespmem:v58+s31+$0x0] =	vst.idx.msk $0xffff, v3  }
0x10f: {  	v3 =	vld.idx.msk [tilespmem:v59+s17+$0x0], $0xffff  }
0x110: {  	v60 =	vor.u32 $0xB, v2;
	_ =	sdelay $0x3  }
0x111: {  	[tilespmem:v59+s31+$0x0] =	vst.idx.msk $0xffff, v3  }
0x112: {  	v3 =	vld.idx.msk [tilespmem:v60+s17+$0x0], $0xffff  }
0x113: {  	v61 =	vor.u32 $0xC, v2;
	_ =	sdelay $0x3  }
0x114: {  	[tilespmem:v60+s31+$0x0] =	vst.idx.msk $0xffff, v3  }
0x115: {  	v3 =	vld.idx.msk [tilespmem:v61+s17+$0x0], $0xffff  }
0x116: {  	v62 =	vor.u32 $0xD, v2;
	_ =	sdelay $0x3  }
0x117: {  	[tilespmem:v61+s31+$0x0] =	vst.idx.msk $0xffff, v3  }
0x118: {  	v3 =	vld.idx.msk [tilespmem:v62+s17+$0x0], $0xffff  }
0x119: {  	v63 =	vor.u32 $0xE, v2  }
0x11a: {  	v2 =	vor.u32 $0xF, v2;
	_ =	sdelay $0x2  }
0x11b: {  	[tilespmem:v62+s31+$0x0] =	vst.idx.msk $0xffff, v3  }
0x11c: {  	[tilespmem:v63+s31+$0x0] =	vst.idx.msk $0xffff, v1  }
0x11d: {  	[tilespmem:v2+s31+$0x0] =	vst.idx.msk $0xffff, v1  }
0x11e: {  	[spmem:s2] =	stream.indirect.scatter.add.f32 [tilespmem:s31], [sflag:$0x2], $0x10, s15, s16, $0xb8;
	[tilespmem:$0x18B80] =	vst v63  }
0x11f: {  	_ =	swait.ge [sflag:s14], $0x800  }
0x120: {  	[sflag:s14] =	ssyncset.done $0x0  }
0x121: {  	[sflag:s14] =	ssyncadd.s32 $0xFFFFF800  }
0x122: {  	[spmem:s2] =	stream.indirect.scatter.add.f32 [tilespmem:s0], [sflag:$0x2], $0x10, s20, s16, $0xb8;
	[tilespmem:$0x18B80] =	vst v63  }
0x123: {  	_ =	swait.ge [sflag:s14], $0x800  }
0x124: {  	[sflag:s14] =	ssyncset.done $0x0  }
0x125: {  	[sflag:s14] =	ssyncadd.s32 $0xFFFFF800  }
0x126: {  	[spmem:s2] =	stream.indirect.scatter.add.f32 [tilespmem:s8], [sflag:$0x2], $0x10, s24, s16, $0xb8;
	[tilespmem:$0x18B80] =	vst v63  }
0x127: {  	_ =	swait.ge [sflag:s14], $0x800  }
0x128: {  	[sflag:s14] =	ssyncset.done $0x0  }
0x129: {  	[sflag:s14] =	ssyncadd.s32 $0xFFFFF800  }
0x12a: {  	[spmem:s2] =	stream.indirect.scatter.add.f32 [tilespmem:s11], [sflag:$0x2], $0x10, s29, s16, $0xb8;
	[tilespmem:$0x18B80] =	vst v63  }
0x12b: {  	_ =	swait.ge [sflag:s14], $0x800  }
0x12c: {  	[sflag:s14] =	ssyncset.done $0x0  }
0x12d: {  	[sflag:s14] =	ssyncadd.s32 $0xFFFFF800  }
0x12e: {  	[spmem:s2] =	stream.indirect.scatter.add.f32 [tilespmem:s12], [sflag:$0x2], $0x10, s1, s16, $0xb8;
	[tilespmem:$0x18B80] =	vst v63  }
0x12f: {  	_ =	swait.ge [sflag:s14], $0x800  }
0x130: {  	[sflag:s14] =	ssyncset.done $0x0  }
0x131: {  	[sflag:s14] =	ssyncadd.s32 $0xFFFFF800  }
0x132: {  	[spmem:s2] =	stream.indirect.scatter.add.f32 [tilespmem:s13], [sflag:$0x2], $0x10, s9, s16, $0xb8;
	[tilespmem:$0x18B80] =	vst v63  }
0x133: {  	_ =	swait.ge [sflag:s14], $0x800  }
0x134: {  	[sflag:s14] =	ssyncset.done $0x0  }
0x135: {  	[sflag:s14] =	ssyncadd.s32 $0xFFFFF800  }
0x136: {  	[spmem:s2] =	stream.indirect.scatter.add.f32 [tilespmem:s3], [sflag:$0x2], $0x10, s21, s16, $0xb8;
	[tilespmem:$0x18B80] =	vst v63  }
0x137: {  	s22 =	sadd.s32 $0x1, s22;
	_ =	swait.ge [sflag:s14], $0x800  }
0x138: {  	p0 =	sne.s32 s22, $0x31;
	[sflag:s14] =	ssyncset.done $0x0  }
.Ltmp1:
0x139: {  	[sflag:s14] =	ssyncadd.s32 $0xFFFFF800;
	(pc) =	sbr.rel @p0 .LBB2_2-.Ltmp1, $4  }
0x13a: {  	[spmem:s2] =	stream.indirect.scatter.add.f32 [tilespmem:s19], [sflag:$0x2], $0x10, s26, s16, $0xb8;
	[tilespmem:$0x18B80] =	vst v63  }
0x13b: {  	_ =	swait.ge [sflag:s14], $0x800  }
0x13c: {  	[sflag:s14] =	ssyncset.done $0x0  }
0x13d: {  	[sflag:s14] =	ssyncadd.s32 $0xFFFFF800  }
0x13e: {  	[bflag:$0x0] =	sbarrier.arrive $0xFFFF  }
0x13f: {  	s23 =	rddreg [dreg:$0x5]  }
0x140: {  	s22 =	rddreg [dreg:$0x6]  }
0x141: {  	s28 =	rddreg [dreg:$0x8]  }
0x142: {  	[hbm:s22], [sflag:s23] =	dma.local [spmem:s28], $0x1870  }
0x143: {  	_ =	swait.ge [sflag:s14], $0x1870  }
0x144: {  	s25 =	rddreg [dreg:$0x3]  }
0x145: {  	s22 =	sadd.s32 $0x1, s25;
	s25 =	rddreg [dreg:$0x7]  }
0x146: {  	p0 =	sne.s32 s22, s25  }
.Ltmp2:
0x147: {  	_ = 	snop;
	(pc) =	sbr.rel @p0 .LBB2_1-.Ltmp2, $3  }
0x148: {  	_ =	sdelay $0x1  }
0x149: {  	[sflag:s14] =	ssyncset.done $0x0  }
0x14a: {  	[sflag:s14] =	ssyncadd.s32 $0xFFFFE790  }
0x14b: {  	_ =	sfence.sel $0x180000  }
0x14c: {  	[bflag:$0x0] =	sbarrier.arrive $0xFFFF  }
0x14d: {  	_ =	strace $0x9000004A  }
0x14e: {  	s0 =	stileid.u32;
	[bflag:$0x2] =	sbarrier.arrive $0xFFFF  }
0x14f: {  	p0 =	sne.s32 s0, $0x0;
	s0 =	rddreg [dreg:$0x2]  }
0x150: {  	s0 =	sadd.s32 @!p0 $0x100000, s0  }
0x151: {  	[sflag:s0] =	ssyncadd.tile.s32 @!p0 $0x1;
	_ =	shalt  }
.Lfunc_end2:
_tile_overlayer_lowered:
.L_overlay_start_2:
0x152: {  	(tag) =	ssettag $0x2  }
0x153: {  	s0 =	rddreg [dreg:$0x0];
	s2 =	stileid.u32  }
0x154: {  	s1 =	rddreg [dreg:$0x1];
	p0 =	sne.s32 s2, $0x0  }
0x155: {  	s3 =	rddreg [dreg:$0x2];
	[bflag:$0x3] =	sbarrier.arrive $0xFFFF;
	s2 =	simm.s32 @!p0 $0x1C02  }
0x156: {  	[timem:s3], [sflag:s2] =	dma.local @!p0 [hbm:s0], s1  }
0x157: {  	s0 =	simm.s32 @!p0 $0x2  }
0x158: {  	_ =	swait.ge @!p0 [sflag:s0], s1  }
0x159: {  	s1 =	ssub.s32 @!p0 $0x0, s1;
	[sflag:s0] =	ssyncset.done @!p0 $0x0  }
0x15a: {  	[sflag:s0] =	ssyncadd.s32 @!p0 s1  }
0x15b: {  	[bflag:$0x3] =	sbarrier.arrive $0xFFFF  }
0x15c: {  	_ =	shalt  }

// kernel: kernel.8.cloned.1.call-start
scs
__scs_entry_jumppad:
0x0: {  	(pc) =	sbr.rel $0x88, $3  }
0x1: {  	(tag) =	ssettag $0x0;
	lr =	simm.s32 $0x1  }
0x2: {  	[smem:$0x3F81] =	sst lr;
	_ =	strace $0xD0000000  }
0x3: {  	_ = 	snop  }
0x4: {  	_ = 	snop  }
0x5: {  	_ = 	snop  }
0x6: {  	_ = 	snop  }
0x7: {  	_ = 	snop  }
__scs_overlays_trampoline_lowered:
0x8: {  	[smem:$0x3F90] =	sst s0  }
0x9: {  	[smem:$0x3F91] =	sst s1  }
0xa: {  	[smem:$0x3F92] =	sst s2  }
0xb: {  	[smem:$0x3F93] =	sst s3  }
0xc: {  	[smem:$0x3F94] =	sst s4  }
0xd: {  	[smem:$0x3F95] =	sst s5  }
0xe: {  	[smem:$0x3F96] =	sst s6  }
0xf: {  	[smem:$0x3F97] =	sst s7  }
0x10: {  	[smem:$0x3F98] =	sst s8  }
0x11: {  	[smem:$0x3F99] =	sst s9;
	s0 =	simm.s32 @!p0 $0x0  }
0x12: {  	s1 =	sld [smem:$0x3F7F];
	s0 =	simm.s32 @p0 $0x1  }
0x13: {  	[smem:$0x3F9A] =	sst s0;
	s0 =	simm.s32 @!p1 $0x0  }
0x14: {  	s2 =	sld [smem:$0x3F7E];
	s0 =	simm.s32 @p1 $0x1  }
0x15: {  	[smem:$0x3F9B] =	sst s0;
	s0 =	simm.s32 @!p2 $0x0  }
0x16: {  	s3 =	sld [smem:$0x3FDB];
	s0 =	simm.s32 @p2 $0x1  }
0x17: {  	s4 =	simm.s32 $0x1BF5;
	[smem:$0x3F9D] =	sst s0  }
0x18: {  	s0 =	sld [smem:$0x3F80];
	_ =	swait.ge [sflag:s4], $0x0  }
0x19: {  	s7 =	sld [smem:$0x3F81]  }
0x1a: {  	s8 =	sadd.s32 $0xFFFFE003, lr  }
0x1b: {  	s9 =	sadd.s32 $0xFFFFFEF7, lr;
	s5 =	simm.s32 $0xFFFFFFFF;
	p2 =	slt.u32 s8, $0xFFFFF086  }
0x1c: {  	p1 =	slt.u32 s9, $0xF7A;
	s5 =	simm.s32 @!p2 $0x0  }
0x1d: {  	s5 =	simm.s32 @p1 $0x1;
	p0 =	seq.s32 s7, s2  }
0x1e: {  	s7 =	smul.u32 @!p0 $0xF7A, s2;
	p2 =	seq.s32 @!p0 s5, $0x0  }
0x1f: {  	s9 =	smul.u32 $0xF7A, s1;
	s8 =	simm.s32 @!p0 $0x1BF5;
	p2 =	por !p2, p0  }
0x20: {  	[sflag:s8] =	ssyncset.s32 @!p0 $0xFFFFF086;
	s6 =	sadd.s32 @!p0 s3, s7;
	s7 =	simm.s32 @!p0 $0x108  }
0x21: {  	s3 =	sadd.s32 s3, s9;
	s6 =	sadd.s32 @!p0 $0x88, s6;
	s7 =	simm.s32 @p2 $0x1082  }
0x22: {  	[simem:s7], [sflag:s8] =	dma.local @!p0 [hbm:s6], $0xF7A  }
0x23: {  	s9 =	sor.u32 $0xD0000000, s2;
	s6 =	simm.s32 $0x108;
	_ =	swait.ge @!p0 [sflag:s8], $0x0  }
0x24: {  	s3 =	sadd.s32 $0x88, s3;
	s6 =	simm.s32 @!p1 $0x1082;
	[sflag:s4] =	ssyncset.s32 $0xFFFFF086  }
0x25: {  	[simem:s6], [sflag:s4] =	dma.local [hbm:s3], $0xF7A  }
0x26: {  	[smem:$0x3F81] =	sst s1;
	(tag) =	ssettag s2;
	_ =	strace s9  }
0x27: {  	s1 =	sld [smem:$0x3F91]  }
0x28: {  	s2 =	sld [smem:$0x3F92]  }
0x29: {  	s4 =	sld [smem:$0x3F94]  }
0x2a: {  	p0 =	seq.s32 s5, $0x0;
	s5 =	sld [smem:$0x3F95]  }
0x2b: {  	s6 =	sld [smem:$0x3F96]  }
0x2c: {  	s7 =	sld [smem:$0x3F97]  }
0x2d: {  	s3 =	simm.s32 $0x108;
	s8 =	sld [smem:$0x3F98]  }
0x2e: {  	s3 =	simm.s32 @!p0 $0x1082;
	s9 =	sld [smem:$0x3F99]  }
0x2f: {  	lr =	sadd.s32 s0, s3;
	s0 =	sld [smem:$0x3F90]  }
0x30: {  	s3 =	sld [smem:$0x3F93]  }
0x31: {  	[smem:$0x3F9C] =	sst s10  }
0x32: {  	s10 =	sld [smem:$0x3F9A];
	_ =	sdelay $0x3  }
0x33: {  	p0 =	seq.s32 s10, $0x1;
	s10 =	sld [smem:$0x3F9C];
	_ =	sdelay $0x3  }
0x34: {  	[smem:$0x3F9C] =	sst s10  }
0x35: {  	s10 =	sld [smem:$0x3F9B];
	_ =	sdelay $0x3  }
0x36: {  	p1 =	seq.s32 s10, $0x1;
	s10 =	sld [smem:$0x3F9C];
	_ =	sdelay $0x3  }
0x37: {  	[smem:$0x3F9C] =	sst s10  }
0x38: {  	s10 =	sld [smem:$0x3F9D]  }
0x39: {  	_ = 	snop;
	(pc) =	sbr.ind lr, $3  }
0x3a: {  	_ = 	snop  }
0x3b: {  	_ = 	snop  }
0x3c: {  	p2 =	seq.s32 s10, $0x1;
	s10 =	sld [smem:$0x3F9C]  }
0x3d: {  	_ =	shalt  }
0x3e: {  	_ =	shalt  }
0x3f: {  	_ =	shalt  }
0x40: {  	_ =	shalt  }
0x41: {  	_ =	shalt  }
0x42: {  	_ =	shalt  }
0x43: {  	_ =	shalt  }
0x44: {  	_ =	shalt  }
0x45: {  	_ =	shalt  }
0x46: {  	_ =	shalt  }
0x47: {  	_ =	shalt  }
0x48: {  	_ =	shalt  }
0x49: {  	_ =	shalt  }
0x4a: {  	_ =	shalt  }
0x4b: {  	_ =	shalt  }
0x4c: {  	_ =	shalt  }
0x4d: {  	_ =	shalt  }
0x4e: {  	_ =	shalt  }
0x4f: {  	_ =	shalt  }
0x50: {  	_ =	shalt  }
0x51: {  	_ =	shalt  }
0x52: {  	_ =	shalt  }
0x53: {  	_ =	shalt  }
0x54: {  	_ =	shalt  }
0x55: {  	_ =	shalt  }
0x56: {  	_ =	shalt  }
0x57: {  	_ =	shalt  }
0x58: {  	_ =	shalt  }
0x59: {  	_ =	shalt  }
0x5a: {  	_ =	shalt  }
0x5b: {  	_ =	shalt  }
0x5c: {  	_ =	shalt  }
0x5d: {  	_ =	shalt  }
0x5e: {  	_ =	shalt  }
0x5f: {  	_ =	shalt  }
0x60: {  	_ =	shalt  }
0x61: {  	_ =	shalt  }
0x62: {  	_ =	shalt  }
0x63: {  	_ =	shalt  }
0x64: {  	_ =	shalt  }
0x65: {  	_ =	shalt  }
0x66: {  	_ =	shalt  }
0x67: {  	_ =	shalt  }
0x68: {  	_ =	shalt  }
0x69: {  	_ =	shalt  }
0x6a: {  	_ =	shalt  }
0x6b: {  	_ =	shalt  }
0x6c: {  	_ =	shalt  }
0x6d: {  	_ =	shalt  }
0x6e: {  	_ =	shalt  }
0x6f: {  	_ =	shalt  }
0x70: {  	_ =	shalt  }
0x71: {  	_ =	shalt  }
0x72: {  	_ =	shalt  }
0x73: {  	_ =	shalt  }
0x74: {  	_ =	shalt  }
0x75: {  	_ =	shalt  }
0x76: {  	_ =	shalt  }
0x77: {  	_ =	shalt  }
0x78: {  	_ =	shalt  }
0x79: {  	_ =	shalt  }
0x7a: {  	_ =	shalt  }
0x7b: {  	_ =	shalt  }
0x7c: {  	_ =	shalt  }
0x7d: {  	_ =	shalt  }
0x7e: {  	_ =	shalt  }
0x7f: {  	_ =	shalt  }
0x80: {  	_ =	shalt  }
0x81: {  	_ =	shalt  }
0x82: {  	_ =	shalt  }
0x83: {  	_ =	shalt  }
0x84: {  	_ =	shalt  }
0x85: {  	_ =	shalt  }
0x86: {  	_ =	shalt  }
0x87: {  	_ =	shalt  }
.Lfunc_end0:
.L_simem_size_0:
called_computation_lowered:
.L_overlay_start_0:
0x88: {  	s2 =	sld [smem:$0x3FD9]  }
0x89: {  	s3 =	sld [smem:$0x3FFE];
	_ =	sdelay $0x1  }
0x8a: {  	s1 =	srdreg.scid  }
0x8b: {  	s0 =	sand.u32 $0x1, s1  }
0x8c: {  	s16 =	sshll.u32 s0, $0xA;
	s2 =	sadd.s32 s3, s2  }
0x8d: {  	s2 =	sadd.s32 s2, s16  }
0x8e: {  	[smem:$0x3FA8] =	sst s2  }
0x8f: {  	_ = 	snop  }
0x90: {  	(tm) =	ssettm $0x1  }
0x91: {  	s17 =	sld [smem:$0x3FFB];
	_ =	sdelay $0x3  }
0x92: {  	_ =	strace s17  }
0x93: {  	s2 =	sld [smem:$0x3FFC];
	_ =	sdelay $0x3  }
0x94: {  	_ =	strace s2  }
0x95: {  	s2 =	sld [smem:$0x3FFD];
	_ =	sdelay $0x3  }
0x96: {  	_ =	strace s2  }
0x97: {  	_ =	strace $0x8FFFFFFF  }
0x98: {  	s18 =	sld [smem:$0x3FDB];
	_ =	sdelay $0x1  }
0x99: {  	s19 =	simm.s32 $_scs_section_size  }
0x9a: {  	s4 =	simm.s32 $_size__tile_overlayer_lowered;
	s5 =	simm.s32 $_tile_overlayer_lowered  }
0x9b: {  	s22 =	simm.s32 $0x1BFF;
	s21 =	sshll.u32 s5, $0x1;
	s2 =	sadd.s32 s19, s18  }
0x9c: {  	s6 =	simm.s32 $0x0;
	s20 =	sshll.u32 s4, $0x1;
	s4 =	sadd.s32 s21, s2  }
0x9d: {  	[timem:s6], [sflag:s22] =	dma.local [hbm:s4], s20  }
0x9e: {  	_ =	swait.ge [sflag:s22], s20  }
0x9f: {  	s3 =	ssub.s32 $0x0, s20;
	[sflag:s22] =	ssyncset.done $0x0  }
0xa0: {  	[sflag:s22] =	ssyncadd.s32 s3;
	_ =	sdelay $0x1  }
0xa1: {  	s23 =	simm.s32 $0x1B8B  }
0xa2: {  	_ =	swait.ge [sflag:s23], $0x1  }
0xa3: {  	[sflag:s23] =	ssyncset.done $0x0  }
0xa4: {  	s25 =	simm.s32 $0x1B8E;
	s24 =	sld [smem:$0x3FFE];
	[sflag:s23] =	ssyncadd.s32 $0xFFFFFFFF  }
0xa5: {  	s26 =	simm.s32 $execute0_lowered;
	[smem:$0x3FD2] =	sst s25  }
0xa6: {  	s4 =	sshll.u32 s26, $0x1;
	_ =	strace $0x80000046;
	[dreg:$0x1] =	wrdreg $0xFFFFFFFF  }
0xa7: {  	s28 =	simm.s32 $_size_execute0_lowered;
	s2 =	sadd.s32 s2, s4;
	[dreg:$0x0] =	wrdreg $0x0  }
0xa8: {  	s4 =	sshll.u32 s28, $0x1;
	[dreg:$0x2] =	wrdreg s2  }
0xa9: {  	[dreg:$0x3] =	wrdreg s4  }
0xaa: {  	[dreg:$0x4] =	wrdreg $0xC0  }
0xab: {  	_ =	task [dreg:s6], $0x5FFFF  }
0xac: {  	[dreg:$0x1] =	wrdreg $0xFFFFFFFF  }
0xad: {  	[dreg:$0x0] =	wrdreg $0x60  }
0xae: {  	[dreg:$0x2] =	wrdreg s24  }
0xaf: {  	[dreg:$0x3] =	wrdreg $0x74000  }
0xb0: {  	[dreg:$0x4] =	wrdreg $0x9  }
0xb1: {  	_ =	task.clear_ibuf [dreg:s6], $0x5FFFF;
	_ =	strace $0x90000046  }
0xb2: {  	s29 =	simm.s32 $0x9;
	_ =	strace $0x80000048  }
0xb3: {  	_ =	swait.ge [sflag:s29], $0x1  }
0xb4: {  	[sflag:s29] =	ssyncadd.s32 $0xFFFFFFFF  }
0xb5: {  	_ =	strace $0x90000048  }
0xb6: {  	_ =	sfence  }
0xb7: {  	s30 =	sld [smem:$0x0];
	_ =	sdelay $0x2  }
0xb8: {  	s31 =	sshll.u32 s1, $0xD;
	s1 =	sshrl.u32 s1, $0x2  }
0xb9: {  	s3 =	sand.u32 $0x4000, s31;
	s1 =	sadd.s32 s1, s30  }
0xba: {  	s0 =	sor.u32 s3, s0;
	s1 =	sshll.u32 s1, $0x11  }
0xbb: {  	s0 =	sor.u32 s1, s0  }
0xbc: {  	s0 =	sadd.s32 $0x8F2B, s0  }
0xbd: {  	[sflag:s0] =	ssyncadd.remote.s32 $0x1  }
0xbe: {  	_ =	sfence.sel $0xFFFF  }
0xbf: {  	[dreg:$0x0] =	wrdreg $0xFFFFFFFF;
	(pc) =	sbr.abs _section_cstart, $3  }
0xc0: {  	[dreg:$0x1] =	wrdreg $0xFFFFFFFF  }
0xc1: {  	_ =	task.clear_ibuf [dreg:s6], $0x2FFFF;
	_ =	strace $0x9FFFFFFF  }
0xc2: {  	(tm) =	ssettm $0x7FFFFFFF  }
0xc3: {  	_ =	shalt  }
tec
execute0_lowered:
.L_overlay_start_1:
0x0: {  	(tag) =	ssettag $0x1  }
0x1: {  	s0 =	rddreg [dreg:$0x0]  }
0x2: {  	s1 =	rddreg [dreg:$0x1];
	s14 =	simm.s32 $0x0;
	s12 =	stileid.u32  }
0x3: {  	s2 =	srdreg.scid;
	s15 =	simm.s32 $0x2;
	s16 =	simm.s32 $0x200  }
0x4: {  	s17 =	simm.s32 $0x80;
	s18 =	simm.s32 $0x400;
	s19 =	simm.s32 $0x2400  }
0x5: {  	s21 =	simm.s32 $0x280;
	s22 =	simm.s32 $0x2C00;
	s23 =	simm.s32 $0x100  }
0x6: {  	s24 =	simm.s32 $0x1400;
	s25 =	simm.s32 $0x300;
	s28 =	simm.s32 $0x180  }
0x7: {  	s29 =	simm.s32 $0x1C00;
	s30 =	simm.s32 $0x380;
	s31 =	simm.s32 $0x3C00  }
0x8: {  	[smem:$0x7FF] =	sst s14;
	s4 =	sadd.s32 $0x1A3A00, s0;
	s3 =	smul.u32 $0x12540, s12  }
0x9: {  	s2 =	sand.u32 $0x1, s2;
	s5 =	sadd.s32 $0x172A00, s0;
	s6 =	sadd.s32 $0x3A4200, s0  }
0xa: {  	s7 =	sadd.s32 $0x15A200, s0;
	s8 =	smul.u32 $0x125400, s2;
	s10 =	ssub.s32 $0x2, s2  }
0xb: {  	_ =	strace $0x80000047;
	s9 =	sshrl.u32 s3, $0x3;
	s11 =	sshrl.u32 s10, $0x1  }
0xc: {  	s8 =	sadd.s32 s3, s8;
	s9 =	sadd.s32 s9, s0;
	s26 =	ssub.s32 s10, s11  }
0xd: {  	s3 =	sadd.s32 s3, s1;
	s11 =	sshll.u32 s12, $0x6;
	s10 =	sshll.u32 s2, $0x2  }
0xe: {  	s8 =	sshrl.u32 s8, $0x3;
	s9 =	sadd.s32 $0x3E00, s9;
	s20 =	sor.u32 $0x1C02, s11  }
0xf: {  	s11 =	smul.u32 $0x188000, s2;
	s13 =	sshrl.u32 s3, $0x3;
	s2 =	simm.s32 $0x4400  }
0x10: {  	s0 =	sadd.s32 s8, s0;
	[dreg:$0x4] =	wrdreg s9;
	s9 =	smul.u32 $0x18800, s12  }
0x11: {  	s12 =	smax.u32 s26, $0x1;
	s26 =	simm.s32 $0x3400;
	[dreg:$0x5] =	wrdreg s20  }
0x12: {  	v0 =	vmov s10;
	s10 =	smov.u32 s13;
	s8 =	simm.s32 $0x5000;
	[dreg:$0x7] =	wrdreg s12  }
0x13: {  	v4 =	vlaneseq.u32;
	s13 =	simm.s32 $0x6800;
	s0 =	sadd.s32 $0x3D5000, s0;
	[dreg:$0x8] =	wrdreg s10  }
0x14: {  	v1 =	vor.u32 $0x1, v0;
	v2 =	vor.u32 $0x2, v0;
	v3 =	vor.u32 $0x3, v0;
	s12 =	simm.s32 $0x5C00;
	[dreg:$0x6] =	wrdreg s0;
	s0 =	simm.s32 $0x1  }
.LBB2_1:
0x15: {  	[dreg:$0x3] =	wrdreg s14  }
0x16: {  	s3 =	rddreg [dreg:$0x4]  }
0x17: {  	[spmem:s10], [sflag:s20] =	dma.local [hbm:s3], $0x24A8  }
0x18: {  	_ =	swait.ge [sflag:s15], $0x24A8  }
0x19: {  	[sflag:s15] =	ssyncset.done $0x0  }
0x1a: {  	[sflag:s15] =	ssyncadd.s32 $0xFFFFDB58  }
0x1b: {  	s10 =	simm.s32 $0x0;
	[bflag:$0x0] =	sbarrier.arrive $0xFFFF  }
.LBB2_2:
0x1c: {  	s3 =	sshll.u32 s10, $0x9  }
0x1d: {  	s3 =	sadd.s32 s9, s3  }
0x1e: {  	s14 =	sadd.s32 s11, s3  }
0x1f: {  	s14 =	sshrl.u32 s14, $0x3  }
0x20: {  	s20 =	simm.s32 $0x0;
	s14 =	sadd.s32 s4, s14  }
0x21: {  	[tilespmem:s20], [sflag:$0x2] =	stream.linear.gather [hbm4b:s14+s20], $0x200, $0x38;
	[tilespmem:$0x19940] =	vst v63  }
0x22: {  	_ =	swait.ge [sflag:s15], $0x200  }
0x23: {  	s3 =	sshrl.u32 s3, $0x3;
	[sflag:s15] =	ssyncset.done $0x0  }
0x24: {  	s3 =	sadd.s32 s5, s3;
	[sflag:s15] =	ssyncadd.s32 $0xFFFFFE00  }
0x25: {  	[tilespmem:s16], [sflag:$0x2] =	stream.linear.gather [hbm4b:s3+s20], $0x200, $0x38;
	[tilespmem:$0x19940] =	vst v63  }
0x26: {  	_ =	swait.ge [sflag:s15], $0x200  }
0x27: {  	[sflag:s15] =	ssyncset.done $0x0  }
0x28: {  	[sflag:s15] =	ssyncadd.s32 $0xFFFFFE00  }
0x29: {  	[tilespmem:s18], [sflag:$0x1] =	stream.indirect.gather [hbm4b:s6+s17], $0x10, s20, s17, $0xb8;
	[tilespmem:$0x19940] =	vst v63  }
0x2a: {  	_ = 	snop  }
0x2b: {  	[tilespmem:s19], [sflag:$0x1] =	stream.indirect.gather [hbm4b:s7+s17], $0x10, s16, s17, $0xb8;
	[tilespmem:$0x19940] =	vst v63  }
0x2c: {  	s14 =	simm.s32 $0xC00  }
0x2d: {  	[tilespmem:s14], [sflag:$0x1] =	stream.indirect.gather [hbm4b:s6+s17], $0x10, s17, s17, $0xb8;
	[tilespmem:$0x19940] =	vst v63  }
0x2e: {  	_ = 	snop  }
0x2f: {  	[tilespmem:s22], [sflag:$0x1] =	stream.indirect.gather [hbm4b:s7+s17], $0x10, s21, s17, $0xb8;
	[tilespmem:$0x19940] =	vst v63  }
0x30: {  	_ = 	snop  }
0x31: {  	[tilespmem:s24], [sflag:$0x1] =	stream.indirect.gather [hbm4b:s6+s17], $0x10, s23, s17, $0xb8;
	[tilespmem:$0x19940] =	vst v63  }
0x32: {  	_ = 	snop  }
0x33: {  	[tilespmem:s26], [sflag:$0x1] =	stream.indirect.gather [hbm4b:s7+s17], $0x10, s25, s17, $0xb8;
	[tilespmem:$0x19940] =	vst v63  }
0x34: {  	_ = 	snop  }
0x35: {  	[tilespmem:s29], [sflag:$0x1] =	stream.indirect.gather [hbm4b:s6+s17], $0x10, s28, s17, $0xb8;
	[tilespmem:$0x19940] =	vst v63  }
0x36: {  	_ = 	snop  }
0x37: {  	[tilespmem:s31], [sflag:$0x1] =	stream.indirect.gather [hbm4b:s7+s17], $0x10, s30, s17, $0xb8;
	[tilespmem:$0x19940] =	vst v63  }
0x38: {  	_ =	swait.ge [sflag:s0], $0x800  }
0x39: {  	[sflag:s0] =	ssyncset.done $0x0  }
0x3a: {  	[sflag:s0] =	ssyncadd.s32 $0xFFFFF800  }
0x3b: {  	_ =	swait.ge [sflag:s0], $0x800  }
0x3c: {  	[sflag:s0] =	ssyncset.done $0x0  }
0x3d: {  	[sflag:s0] =	ssyncadd.s32 $0xFFFFF800  }
0x3e: {  	_ =	swait.ge [sflag:s0], $0x800  }
0x3f: {  	[sflag:s0] =	ssyncset.done $0x0  }
0x40: {  	[sflag:s0] =	ssyncadd.s32 $0xFFFFF800  }
0x41: {  	_ =	swait.ge [sflag:s0], $0x800  }
0x42: {  	[sflag:s0] =	ssyncset.done $0x0  }
0x43: {  	[sflag:s0] =	ssyncadd.s32 $0xFFFFF800  }
0x44: {  	_ =	swait.ge [sflag:s0], $0x800  }
0x45: {  	[sflag:s0] =	ssyncset.done $0x0  }
0x46: {  	[sflag:s0] =	ssyncadd.s32 $0xFFFFF800  }
0x47: {  	_ =	swait.ge [sflag:s0], $0x800  }
0x48: {  	[sflag:s0] =	ssyncset.done $0x0  }
0x49: {  	v5 =	vor.u32 s20, v4;
	[sflag:s0] =	ssyncadd.s32 $0xFFFFF800  }
0x4a: {  	v6 =	vshll.u32 v5, $0x4;
	_ =	swait.ge [sflag:s0], $0x800  }
0x4b: {  	v7 =	vor.u32 $0xC, v6;
	[sflag:s0] =	ssyncset.done $0x0  }
0x4c: {  	v8 =	vor.u32 $0xB, v6;
	[sflag:s0] =	ssyncadd.s32 $0xFFFFF800  }
0x4d: {  	v9 =	vor.u32 v0, v6;
	_ =	swait.ge [sflag:s0], $0x800  }
0x4e: {  	v10 =	vor.u32 v6, v1;
	[sflag:s0] =	ssyncset.done $0x0  }
0x4f: {  	[sflag:s0] =	ssyncadd.s32 $0xFFFFF800  }
0x50: {  	v7 =	vld.idx.msk [tilespmem:v7+s18+$0x0], $0xffff  }
0x51: {  	v8 =	vld.idx.msk [tilespmem:v8+s18+$0x0], $0xffff  }
0x52: {  	v11 =	vor.u32 v6, v2;
	v9 =	vld.idx.msk [tilespmem:v9+s19+$0x0], $0xffff  }
0x53: {  	v12 =	vor.u32 v6, v3;
	v10 =	vld.idx.msk [tilespmem:v10+s19+$0x0], $0xffff;
	_ =	sdelay $0x3  }
0x54: {  	v11 =	vld.idx.msk [tilespmem:v11+s19+$0x0], $0xffff;
	v8 =	vadd.f32 v9, v8  }
0x55: {  	v9 =	vld.idx.msk [tilespmem:v12+s19+$0x0], $0xffff;
	v7 =	vadd.f32 v10, v7  }
0x56: {  	v10 =	vmul.f32 $2.000000030e-01, v8  }
0x57: {  	vm0 =	vge.f32 v8, $0.0e+00;
	v13 =	vmul.f32 $2.000000030e-01, v7  }
0x58: {  	v14 =	vor.u32 $0x4, v6;
	vm15 =	vge.f32 v7, $0.0e+00;
	v8 =	vsel vm0, v8, v10  }
0x59: {  	v12 =	vor.u32 $0x5, v6;
	v7 =	vsel vm15, v7, v13;
	v8 =	vsub.f32 v8, v11  }
0x5a: {  	v10 =	vor.u32 $0x7, v6;
	v7 =	vsub.f32 v7, v9  }
0x5b: {  	v11 =	vor.u32 $0x9, v6;
	v8 =	vmul.f32 $1.442695020e+00, v8  }
0x5c: {  	v9 =	vor.u32 $0x8, v6;
	v7 =	vmul.f32 $1.442695020e+00, v7  }
0x5d: {  	v14 =	vld.idx.msk [tilespmem:v14+s18+$0x0], $0xffff;
	(erf) = vpow2.f32 v8  }
0x5e: {  	v13 =	vor.u32 $0xA, v6;
	v12 =	vld.idx.msk [tilespmem:v12+s18+$0x0], $0xffff;
	(erf) = vpow2.f32 v7  }
0x5f: {  	v8 =	vor.u32 $0x1, v6;
	v10 =	vld.idx.msk [tilespmem:v10+s18+$0x0], $0xffff  }
0x60: {  	v7 =	vor.u32 $0x6, v6;
	v15 =	vld.idx.msk [tilespmem:v11+s18+$0x0], $0xffff  }
0x61: {  	v5 =	vmul.u32 $0x18, v5;
	v11 =	vor.u32 $0x2, v6;
	v16 =	vld.idx.msk [tilespmem:v9+s18+$0x0], $0xffff  }
0x62: {  	v9 =	vor.u32 $0x3, v6;
	v6 =	vld.idx.msk [tilespmem:v6+s18+$0x0], $0xffff  }
0x63: {  	v17 =	vor.u32 $0x1, v5;
	v13 =	vld.idx.msk [tilespmem:v13+s18+$0x0], $0xffff  }
0x64: {  	v18 =	vor.u32 $0x2, v5;
	v8 =	vld.idx.msk [tilespmem:v8+s18+$0x0], $0xffff  }
0x65: {  	v19 =	vadd.s32 $0xD, v5;
	v7 =	vld.idx.msk [tilespmem:v7+s18+$0x0], $0xffff  }
0x66: {  	v20 =	vor.u32 $0x3, v5;
	v11 =	vld.idx.msk [tilespmem:v11+s18+$0x0], $0xffff;
	v21 =	vpop (erf)  }
0x67: {  	v23 =	vadd.s32 $0xE, v5;
	v9 =	vld.idx.msk [tilespmem:v9+s18+$0x0], $0xffff;
	[tilespmem:v5+s2+$0x0] =	vst.idx.msk $0xffff, v21;
	v22 =	vmul.f32 v21, v6;
	v24 =	vpop (erf)  }
0x68: {  	[tilespmem:v17+s2+$0x0] =	vst.idx.msk $0xffff, v24;
	v6 =	vmul.f32 v24, v6;
	v17 =	vor.u32 $0x4, v5  }
0x69: {  	v62 =	vadd.s32 $0xF, v5;
	[tilespmem:v18+s2+$0x0] =	vst.idx.msk $0xffff, v22;
	v18 =	vmul.f32 v21, v8  }
0x6a: {  	[tilespmem:v19+s2+$0x0] =	vst.idx.msk $0xffff, v6;
	v6 =	vmul.f32 v24, v8;
	v8 =	vor.u32 $0x5, v5  }
0x6b: {  	v19 =	vadd.s32 $0x10, v5;
	[tilespmem:v20+s2+$0x0] =	vst.idx.msk $0xffff, v18;
	v18 =	vmul.f32 v21, v11  }
0x6c: {  	[tilespmem:v23+s2+$0x0] =	vst.idx.msk $0xffff, v6;
	v6 =	vmul.f32 v24, v11;
	v11 =	vor.u32 $0x6, v5  }
0x6d: {  	[tilespmem:v17+s2+$0x0] =	vst.idx.msk $0xffff, v18;
	v17 =	vmul.f32 v21, v9;
	v18 =	vadd.s32 $0x11, v5  }
0x6e: {  	[tilespmem:v62+s2+$0x0] =	vst.idx.msk $0xffff, v6;
	v6 =	vmul.f32 v24, v9;
	v9 =	vor.u32 $0x7, v5  }
0x6f: {  	[tilespmem:v8+s2+$0x0] =	vst.idx.msk $0xffff, v17;
	v8 =	vmul.f32 v21, v14;
	v17 =	vadd.s32 $0x12, v5  }
0x70: {  	v20 =	vadd.s32 $0x8, v5;
	[tilespmem:v19+s2+$0x0] =	vst.idx.msk $0xffff, v6;
	v6 =	vmul.f32 v24, v14  }
0x71: {  	[tilespmem:v11+s2+$0x0] =	vst.idx.msk $0xffff, v8;
	v8 =	vmul.f32 v21, v12;
	v11 =	vadd.s32 $0x13, v5  }
0x72: {  	[tilespmem:v18+s2+$0x0] =	vst.idx.msk $0xffff, v6;
	v6 =	vmul.f32 v24, v12;
	v12 =	vadd.s32 $0x9, v5  }
0x73: {  	v14 =	vadd.s32 $0x14, v5;
	[tilespmem:v9+s2+$0x0] =	vst.idx.msk $0xffff, v8;
	v8 =	vmul.f32 v21, v7  }
0x74: {  	v7 =	vmul.f32 v24, v7;
	[tilespmem:v17+s2+$0x0] =	vst.idx.msk $0xffff, v6;
	v17 =	vadd.s32 $0xA, v5  }
0x75: {  	v63 =	vmul.f32 v24, v16;
	v19 =	vadd.s32 $0x15, v5;
	[tilespmem:v20+s2+$0x0] =	vst.idx.msk $0xffff, v8;
	v8 =	vmul.f32 v21, v10  }
0x76: {  	v18 =	vmul.f32 v24, v15;
	v20 =	vadd.s32 $0xB, v5;
	[tilespmem:v11+s2+$0x0] =	vst.idx.msk $0xffff, v7;
	v7 =	vmul.f32 v24, v10  }
0x77: {  	s20 =	simm.s32 $0x10;
	v9 =	vadd.s32 $0x17, v5;
	v11 =	vadd.s32 $0x16, v5;
	[tilespmem:v12+s2+$0x0] =	vst.idx.msk $0xffff, v8;
	v8 =	vmul.f32 v21, v16  }
0x78: {  	v6 =	vmul.f32 v24, v13;
	v10 =	vadd.s32 $0xC, v5;
	v5 =	vor.u32 s20, v4;
	[tilespmem:v14+s2+$0x0] =	vst.idx.msk $0xffff, v7  }
0x79: {  	v13 =	vmul.f32 v21, v13;
	v21 =	vmul.f32 v21, v15;
	v7 =	vshll.u32 v5, $0x4;
	[tilespmem:v17+s2+$0x0] =	vst.idx.msk $0xffff, v8  }
0x7a: {  	v12 =	vor.u32 $0xB, v7;
	v16 =	vor.u32 $0xC, v7;
	v14 =	vor.u32 v0, v7;
	[tilespmem:v19+s2+$0x0] =	vst.idx.msk $0xffff, v63  }
0x7b: {  	s14 =	simm.s32 $0x20;
	v8 =	vor.u32 $0x1, v7;
	v17 =	vor.u32 v7, v1;
	v15 =	vor.u32 v7, v2;
	[tilespmem:v20+s2+$0x0] =	vst.idx.msk $0xffff, v21  }
.LBB2_3:
0x7c: {  	p0 =	sne.s32 s14, $0x1F0;
	v19 =	vor.u32 $0x2, v7;
	v20 =	vor.u32 $0x3, v7;
	v21 =	vor.u32 v7, v3;
	[tilespmem:v11+s2+$0x0] =	vst.idx.msk $0xffff, v18;
	s3 =	smov.u32 s14;
	s14 =	sadd.s32 $0x10, s14  }
0x7d: {  	v11 =	vor.u32 $0x4, v7;
	v18 =	vor.u32 $0x5, v7;
	v22 =	vor.u32 $0xA, v7;
	[tilespmem:v10+s2+$0x0] =	vst.idx.msk $0xffff, v13  }
0x7e: {  	v23 =	vor.u32 $0x8, v7;
	v10 =	vor.u32 $0x6, v7;
	v13 =	vor.u32 $0x7, v7;
	[tilespmem:v9+s2+$0x0] =	vst.idx.msk $0xffff, v6  }
0x7f: {  	v6 =	vor.u32 $0x9, v7;
	v9 =	vld.idx.msk [tilespmem:v16+s18+$0x0], $0xffff  }
0x80: {  	v12 =	vld.idx.msk [tilespmem:v12+s18+$0x0], $0xffff  }
0x81: {  	v14 =	vld.idx.msk [tilespmem:v14+s19+$0x0], $0xffff  }
0x82: {  	v16 =	vld.idx.msk [tilespmem:v17+s19+$0x0], $0xffff;
	_ =	sdelay $0x3  }
0x83: {  	v15 =	vld.idx.msk [tilespmem:v15+s19+$0x0], $0xffff  }
0x84: {  	v12 =	vadd.f32 v14, v12;
	v17 =	vld.idx.msk [tilespmem:v21+s19+$0x0], $0xffff  }
0x85: {  	v9 =	vadd.f32 v16, v9  }
0x86: {  	v14 =	vmul.f32 $2.000000030e-01, v12  }
0x87: {  	vm0 =	vge.f32 v12, $0.0e+00;
	v16 =	vmul.f32 $2.000000030e-01, v9  }
0x88: {  	v12 =	vsel vm0, v12, v14;
	vm0 =	vge.f32 v9, $0.0e+00  }
0x89: {  	v12 =	vsub.f32 v12, v15;
	v9 =	vsel vm0, v9, v16  }
0x8a: {  	v9 =	vsub.f32 v9, v17  }
0x8b: {  	v12 =	vmul.f32 $1.442695020e+00, v12  }
0x8c: {  	v9 =	vmul.f32 $1.442695020e+00, v9;
	v14 =	vld.idx.msk [tilespmem:v18+s18+$0x0], $0xffff  }
0x8d: {  	v11 =	vld.idx.msk [tilespmem:v11+s18+$0x0], $0xffff;
	(erf) = vpow2.f32 v12  }
0x8e: {  	v12 =	vld.idx.msk [tilespmem:v13+s18+$0x0], $0xffff;
	(erf) = vpow2.f32 v9  }
0x8f: {  	v15 =	vld.idx.msk [tilespmem:v6+s18+$0x0], $0xffff  }
0x90: {  	v13 =	vld.idx.msk [tilespmem:v23+s18+$0x0], $0xffff  }
0x91: {  	v5 =	vmul.u32 $0x18, v5;
	v6 =	vld.idx.msk [tilespmem:v7+s18+$0x0], $0xffff  }
0x92: {  	v7 =	vld.idx.msk [tilespmem:v22+s18+$0x0], $0xffff  }
0x93: {  	v9 =	vor.u32 $0x1, v5;
	v8 =	vld.idx.msk [tilespmem:v8+s18+$0x0], $0xffff  }
0x94: {  	v16 =	vor.u32 $0x2, v5;
	v10 =	vld.idx.msk [tilespmem:v10+s18+$0x0], $0xffff  }
0x95: {  	v18 =	vadd.s32 $0xD, v5;
	v17 =	vld.idx.msk [tilespmem:v19+s18+$0x0], $0xffff  }
0x96: {  	v19 =	vld.idx.msk [tilespmem:v20+s18+$0x0], $0xffff;
	v20 =	vor.u32 $0x3, v5;
	v21 =	vpop (erf)  }
0x97: {  	v23 =	vadd.s32 $0xE, v5;
	[tilespmem:v5+s2+$0x0] =	vst.idx.msk $0xffff, v21;
	v22 =	vmul.f32 v21, v6;
	v24 =	vpop (erf)  }
0x98: {  	v25 =	vor.u32 $0x4, v5;
	[tilespmem:v9+s2+$0x0] =	vst.idx.msk $0xffff, v24;
	v9 =	vmul.f32 v24, v6;
	v6 =	vmul.f32 v24, v7  }
0x99: {  	[tilespmem:v16+s2+$0x0] =	vst.idx.msk $0xffff, v22;
	v16 =	vmul.f32 v21, v8;
	v22 =	vadd.s32 $0xF, v5  }
0x9a: {  	v8 =	vmul.f32 v24, v8;
	[tilespmem:v18+s2+$0x0] =	vst.idx.msk $0xffff, v9;
	v9 =	vor.u32 $0x5, v5  }
0x9b: {  	v18 =	vadd.s32 $0x10, v5;
	[tilespmem:v20+s2+$0x0] =	vst.idx.msk $0xffff, v16;
	v16 =	vmul.f32 v21, v17  }
0x9c: {  	[tilespmem:v23+s2+$0x0] =	vst.idx.msk $0xffff, v8;
	v8 =	vmul.f32 v24, v17;
	v17 =	vor.u32 $0x6, v5  }
0x9d: {  	v20 =	vadd.s32 $0x11, v5;
	[tilespmem:v25+s2+$0x0] =	vst.idx.msk $0xffff, v16;
	v16 =	vmul.f32 v21, v19  }
0x9e: {  	[tilespmem:v22+s2+$0x0] =	vst.idx.msk $0xffff, v8;
	v8 =	vmul.f32 v24, v19;
	v19 =	vor.u32 $0x7, v5  }
0x9f: {  	[tilespmem:v9+s2+$0x0] =	vst.idx.msk $0xffff, v16;
	v9 =	vmul.f32 v21, v11;
	v16 =	vadd.s32 $0x12, v5  }
0xa0: {  	v22 =	vadd.s32 $0x8, v5;
	[tilespmem:v18+s2+$0x0] =	vst.idx.msk $0xffff, v8;
	v8 =	vmul.f32 v24, v11  }
0xa1: {  	v11 =	vadd.s32 $0x13, v5;
	[tilespmem:v17+s2+$0x0] =	vst.idx.msk $0xffff, v9;
	v9 =	vmul.f32 v21, v14  }
0xa2: {  	[tilespmem:v20+s2+$0x0] =	vst.idx.msk $0xffff, v8;
	v8 =	vmul.f32 v24, v14;
	v14 =	vadd.s32 $0x9, v5  }
0xa3: {  	v17 =	vadd.s32 $0x14, v5;
	[tilespmem:v19+s2+$0x0] =	vst.idx.msk $0xffff, v9;
	v9 =	vmul.f32 v21, v10  }
0xa4: {  	[tilespmem:v16+s2+$0x0] =	vst.idx.msk $0xffff, v8;
	v8 =	vmul.f32 v24, v10;
	v16 =	vadd.s32 $0xA, v5  }
0xa5: {  	v19 =	vadd.s32 $0x15, v5;
	v10 =	vmul.f32 v21, v12;
	[tilespmem:v22+s2+$0x0] =	vst.idx.msk $0xffff, v9  }
0xa6: {  	v20 =	vadd.s32 $0xB, v5;
	v9 =	vadd.s32 $0x17, v5;
	[tilespmem:v11+s2+$0x0] =	vst.idx.msk $0xffff, v8;
	v8 =	vmul.f32 v24, v12  }
.Ltmp0:
0xa7: {  	v12 =	vmul.f32 v21, v13;
	v11 =	vadd.s32 $0x16, v5;
	[tilespmem:v14+s2+$0x0] =	vst.idx.msk $0xffff, v10;
	v10 =	vadd.s32 $0xC, v5;
	(pc) =	sbr.rel @p0 .LBB2_3-.Ltmp0, $4  }
0xa8: {  	v5 =	vor.u32 s3, v4;
	[tilespmem:v17+s2+$0x0] =	vst.idx.msk $0xffff, v8;
	v8 =	vmul.f32 v24, v13;
	v13 =	vmul.f32 v21, v7  }
0xa9: {  	v18 =	vmul.f32 v24, v15;
	v7 =	vshll.u32 v5, $0x4;
	v21 =	vmul.f32 v21, v15;
	[tilespmem:v16+s2+$0x0] =	vst.idx.msk $0xffff, v12  }
0xaa: {  	v12 =	vor.u32 $0xB, v7;
	v16 =	vor.u32 $0xC, v7;
	v14 =	vor.u32 v0, v7;
	[tilespmem:v19+s2+$0x0] =	vst.idx.msk $0xffff, v8  }
0xab: {  	v17 =	vor.u32 v7, v1;
	v15 =	vor.u32 v7, v2;
	v8 =	vor.u32 $0x1, v7;
	[tilespmem:v20+s2+$0x0] =	vst.idx.msk $0xffff, v21  }
0xac: {  	_ =	sdelay $0x3  }
0xad: {  	[tilespmem:v11+s2+$0x0] =	vst.idx.msk $0xffff, v18  }
0xae: {  	[tilespmem:v10+s2+$0x0] =	vst.idx.msk $0xffff, v13  }
0xaf: {  	[tilespmem:v9+s2+$0x0] =	vst.idx.msk $0xffff, v6  }
0xb0: {  	v6 =	vld.idx.msk [tilespmem:v16+s18+$0x0], $0xffff  }
0xb1: {  	v9 =	vld.idx.msk [tilespmem:v12+s18+$0x0], $0xffff  }
0xb2: {  	v10 =	vld.idx.msk [tilespmem:v14+s19+$0x0], $0xffff  }
0xb3: {  	v22 =	vor.u32 v7, v3;
	v23 =	vld.idx.msk [tilespmem:v17+s19+$0x0], $0xffff;
	_ =	sdelay $0x3  }
0xb4: {  	v13 =	vld.idx.msk [tilespmem:v15+s19+$0x0], $0xffff;
	v9 =	vadd.f32 v10, v9  }
0xb5: {  	v24 =	vld.idx.msk [tilespmem:v22+s19+$0x0], $0xffff;
	v6 =	vadd.f32 v23, v6  }
0xb6: {  	v25 =	vmul.f32 $2.000000030e-01, v9  }
0xb7: {  	vm0 =	vge.f32 v9, $0.0e+00;
	v27 =	vmul.f32 $2.000000030e-01, v6  }
0xb8: {  	vm15 =	vge.f32 v6, $0.0e+00;
	v9 =	vsel vm0, v9, v25  }
0xb9: {  	v26 =	vor.u32 $0x5, v7;
	v6 =	vsel vm15, v6, v27;
	v9 =	vsub.f32 v9, v13  }
0xba: {  	v28 =	vor.u32 $0x4, v7;
	v6 =	vsub.f32 v6, v24  }
0xbb: {  	v29 =	vor.u32 $0x7, v7;
	v9 =	vmul.f32 $1.442695020e+00, v9  }
0xbc: {  	v30 =	vor.u32 $0x9, v7;
	v6 =	vmul.f32 $1.442695020e+00, v6  }
0xbd: {  	v8 =	vld.idx.msk [tilespmem:v8+s18+$0x0], $0xffff;
	(erf) = vpow2.f32 v9  }
0xbe: {  	v32 =	vor.u32 $0xA, v7;
	v12 =	vld.idx.msk [tilespmem:v26+s18+$0x0], $0xffff;
	(erf) = vpow2.f32 v6  }
0xbf: {  	v36 =	vor.u32 $0x3, v7;
	v15 =	vld.idx.msk [tilespmem:v28+s18+$0x0], $0xffff  }
0xc0: {  	v31 =	vor.u32 $0x8, v7;
	v33 =	vld.idx.msk [tilespmem:v29+s18+$0x0], $0xffff  }
0xc1: {  	v35 =	vor.u32 $0x2, v7;
	v5 =	vmul.u32 $0x18, v5;
	v34 =	vld.idx.msk [tilespmem:v30+s18+$0x0], $0xffff  }
0xc2: {  	v6 =	vor.u32 $0x6, v7;
	v7 =	vld.idx.msk [tilespmem:v7+s18+$0x0], $0xffff  }
0xc3: {  	v37 =	vor.u32 $0x1, v5;
	v14 =	vld.idx.msk [tilespmem:v32+s18+$0x0], $0xffff  }
0xc4: {  	v38 =	vor.u32 $0x2, v5;
	v16 =	vld.idx.msk [tilespmem:v36+s18+$0x0], $0xffff  }
0xc5: {  	v19 =	vadd.s32 $0xD, v5;
	v10 =	vld.idx.msk [tilespmem:v31+s18+$0x0], $0xffff  }
0xc6: {  	v20 =	vor.u32 $0x3, v5;
	v13 =	vld.idx.msk [tilespmem:v35+s18+$0x0], $0xffff;
	v21 =	vpop (erf)  }
0xc7: {  	v23 =	vadd.s32 $0xE, v5;
	v6 =	vld.idx.msk [tilespmem:v6+s18+$0x0], $0xffff;
	[tilespmem:v5+s2+$0x0] =	vst.idx.msk $0xffff, v21;
	v22 =	vmul.f32 v21, v7;
	v24 =	vpop (erf)  }
0xc8: {  	v39 =	vor.u32 $0x4, v5;
	[tilespmem:v37+s2+$0x0] =	vst.idx.msk $0xffff, v24;
	v7 =	vmul.f32 v24, v7  }
0xc9: {  	v41 =	vadd.s32 $0xF, v5;
	v40 =	vmul.f32 v21, v8;
	[tilespmem:v38+s2+$0x0] =	vst.idx.msk $0xffff, v22  }
0xca: {  	v42 =	vor.u32 $0x5, v5;
	[tilespmem:v19+s2+$0x0] =	vst.idx.msk $0xffff, v7;
	v7 =	vmul.f32 v24, v8  }
0xcb: {  	v44 =	vadd.s32 $0x10, v5;
	v43 =	vmul.f32 v21, v13;
	[tilespmem:v20+s2+$0x0] =	vst.idx.msk $0xffff, v40  }
0xcc: {  	v45 =	vor.u32 $0x6, v5;
	[tilespmem:v23+s2+$0x0] =	vst.idx.msk $0xffff, v7;
	v7 =	vmul.f32 v24, v13  }
0xcd: {  	v47 =	vadd.s32 $0x11, v5;
	v46 =	vmul.f32 v21, v16;
	[tilespmem:v39+s2+$0x0] =	vst.idx.msk $0xffff, v43  }
0xce: {  	v48 =	vor.u32 $0x7, v5;
	[tilespmem:v41+s2+$0x0] =	vst.idx.msk $0xffff, v7;
	v7 =	vmul.f32 v24, v16  }
0xcf: {  	v50 =	vadd.s32 $0x12, v5;
	v49 =	vmul.f32 v21, v15;
	[tilespmem:v42+s2+$0x0] =	vst.idx.msk $0xffff, v46  }
0xd0: {  	v51 =	vadd.s32 $0x8, v5;
	[tilespmem:v44+s2+$0x0] =	vst.idx.msk $0xffff, v7;
	v7 =	vmul.f32 v24, v15  }
0xd1: {  	v53 =	vadd.s32 $0x13, v5;
	v52 =	vmul.f32 v21, v12;
	[tilespmem:v45+s2+$0x0] =	vst.idx.msk $0xffff, v49  }
0xd2: {  	v54 =	vadd.s32 $0x9, v5;
	[tilespmem:v47+s2+$0x0] =	vst.idx.msk $0xffff, v7;
	v7 =	vmul.f32 v24, v12  }
0xd3: {  	v56 =	vadd.s32 $0x14, v5;
	v55 =	vmul.f32 v21, v6;
	[tilespmem:v48+s2+$0x0] =	vst.idx.msk $0xffff, v52  }
0xd4: {  	v6 =	vmul.f32 v24, v6;
	[tilespmem:v50+s2+$0x0] =	vst.idx.msk $0xffff, v7;
	v7 =	vadd.s32 $0xA, v5  }
0xd5: {  	v58 =	vadd.s32 $0x15, v5;
	v57 =	vmul.f32 v21, v33;
	[tilespmem:v51+s2+$0x0] =	vst.idx.msk $0xffff, v55  }
0xd6: {  	v59 =	vadd.s32 $0xB, v5;
	[tilespmem:v53+s2+$0x0] =	vst.idx.msk $0xffff, v6;
	v6 =	vmul.f32 v24, v33  }
0xd7: {  	v61 =	vadd.s32 $0x16, v5;
	v60 =	vmul.f32 v21, v10;
	[tilespmem:v54+s2+$0x0] =	vst.idx.msk $0xffff, v57  }
0xd8: {  	v62 =	vadd.s32 $0xC, v5;
	[tilespmem:v56+s2+$0x0] =	vst.idx.msk $0xffff, v6;
	v6 =	vmul.f32 v24, v10  }
0xd9: {  	v5 =	vadd.s32 $0x17, v5;
	[tilespmem:v7+s2+$0x0] =	vst.idx.msk $0xffff, v60;
	v7 =	vmul.f32 v21, v34  }
0xda: {  	v63 =	vmul.f32 v24, v34;
	[tilespmem:v58+s2+$0x0] =	vst.idx.msk $0xffff, v6  }
0xdb: {  	v6 =	vmul.f32 v21, v14;
	[tilespmem:v59+s2+$0x0] =	vst.idx.msk $0xffff, v7  }
0xdc: {  	v7 =	vmul.f32 v24, v14;
	[tilespmem:v61+s2+$0x0] =	vst.idx.msk $0xffff, v63  }
0xdd: {  	[tilespmem:v62+s2+$0x0] =	vst.idx.msk $0xffff, v6  }
0xde: {  	[tilespmem:v5+s2+$0x0] =	vst.idx.msk $0xffff, v7  }
0xdf: {  	[spmem:s1] =	stream.indirect.scatter.add.f32 [tilespmem:s2], [sflag:$0x2], $0x18, s16, s17, $0xb8;
	[tilespmem:$0x19940] =	vst v63  }
0xe0: {  	_ =	swait.ge [sflag:s15], $0xC00  }
0xe1: {  	[sflag:s15] =	ssyncset.done $0x0  }
0xe2: {  	[sflag:s15] =	ssyncadd.s32 $0xFFFFF400  }
0xe3: {  	[spmem:s1] =	stream.indirect.scatter.add.f32 [tilespmem:s8], [sflag:$0x2], $0x18, s21, s17, $0xb8;
	[tilespmem:$0x19940] =	vst v63  }
0xe4: {  	_ =	swait.ge [sflag:s15], $0xC00  }
0xe5: {  	[sflag:s15] =	ssyncset.done $0x0  }
0xe6: {  	[sflag:s15] =	ssyncadd.s32 $0xFFFFF400  }
0xe7: {  	[spmem:s1] =	stream.indirect.scatter.add.f32 [tilespmem:s12], [sflag:$0x2], $0x18, s25, s17, $0xb8;
	[tilespmem:$0x19940] =	vst v63  }
0xe8: {  	s10 =	sadd.s32 $0x1, s10;
	_ =	swait.ge [sflag:s15], $0xC00  }
0xe9: {  	p0 =	sne.s32 s10, $0xC4;
	[sflag:s15] =	ssyncset.done $0x0  }
.Ltmp1:
0xea: {  	[sflag:s15] =	ssyncadd.s32 $0xFFFFF400;
	(pc) =	sbr.rel @p0 .LBB2_2-.Ltmp1, $4  }
0xeb: {  	[spmem:s1] =	stream.indirect.scatter.add.f32 [tilespmem:s13], [sflag:$0x2], $0x18, s30, s17, $0xb8;
	[tilespmem:$0x19940] =	vst v63  }
0xec: {  	_ =	swait.ge [sflag:s15], $0xC00  }
0xed: {  	[sflag:s15] =	ssyncset.done $0x0  }
0xee: {  	[sflag:s15] =	ssyncadd.s32 $0xFFFFF400  }
0xef: {  	[bflag:$0x0] =	sbarrier.arrive $0xFFFF  }
0xf0: {  	s20 =	rddreg [dreg:$0x5]  }
0xf1: {  	s3 =	rddreg [dreg:$0x6]  }
0xf2: {  	s10 =	rddreg [dreg:$0x8]  }
0xf3: {  	[hbm:s3], [sflag:s20] =	dma.local [spmem:s10], $0x24A8  }
0xf4: {  	_ =	swait.ge [sflag:s15], $0x24A8  }
0xf5: {  	s14 =	rddreg [dreg:$0x3]  }
0xf6: {  	s3 =	rddreg [dreg:$0x7];
	s14 =	sadd.s32 $0x1, s14  }
0xf7: {  	p0 =	sne.s32 s14, s3  }
.Ltmp2:
0xf8: {  	_ = 	snop;
	(pc) =	sbr.rel @p0 .LBB2_1-.Ltmp2, $3  }
0xf9: {  	_ =	sdelay $0x1  }
0xfa: {  	[sflag:s15] =	ssyncset.done $0x0  }
0xfb: {  	[sflag:s15] =	ssyncadd.s32 $0xFFFFDB58  }
0xfc: {  	_ =	sfence.sel $0x180000  }
0xfd: {  	[bflag:$0x0] =	sbarrier.arrive $0xFFFF  }
0xfe: {  	_ =	strace $0x90000047  }
0xff: {  	s0 =	stileid.u32;
	[bflag:$0x2] =	sbarrier.arrive $0xFFFF  }
0x100: {  	p0 =	sne.s32 s0, $0x0;
	s0 =	rddreg [dreg:$0x2]  }
0x101: {  	s0 =	sadd.s32 @!p0 $0x100000, s0  }
0x102: {  	[sflag:s0] =	ssyncadd.tile.s32 @!p0 $0x1;
	_ =	shalt  }
.Lfunc_end2:
_tile_overlayer_lowered:
.L_overlay_start_2:
0x103: {  	(tag) =	ssettag $0x2  }
0x104: {  	s0 =	rddreg [dreg:$0x0];
	s2 =	stileid.u32  }
0x105: {  	s1 =	rddreg [dreg:$0x1];
	p0 =	sne.s32 s2, $0x0  }
0x106: {  	s3 =	rddreg [dreg:$0x2];
	[bflag:$0x3] =	sbarrier.arrive $0xFFFF;
	s2 =	simm.s32 @!p0 $0x1C02  }
0x107: {  	[timem:s3], [sflag:s2] =	dma.local @!p0 [hbm:s0], s1  }
0x108: {  	s0 =	simm.s32 @!p0 $0x2  }
0x109: {  	_ =	swait.ge @!p0 [sflag:s0], s1  }
0x10a: {  	s1 =	ssub.s32 @!p0 $0x0, s1;
	[sflag:s0] =	ssyncset.done @!p0 $0x0  }
0x10b: {  	[sflag:s0] =	ssyncadd.s32 @!p0 s1  }
0x10c: {  	[bflag:$0x3] =	sbarrier.arrive $0xFFFF  }
0x10d: {  	_ =	shalt  }

</sc_bundles>
